<compile_context>
chip_gen: v7x
topology: tpu7x:2x2x1
jax: 0.10.2.dev20260603
libtpu: 0.0.44.dev20260713+nightly
codegen_flags: <defaults>
</compile_context>

<pallas_src>
import functools

import jax
import jax.numpy as jnp
import numpy as np
from jax import lax
from jax.experimental import pallas as pl
from jax.experimental.pallas import tpu as pltpu, tpu_sc as plsc

N = 10000
NP = 10240
E = 320000
IN_DIM = 128
HID = 32
HEADS = 4
F1 = HEADS * HID
F2 = HID
OUT = 2
BN = 2048
CH = 3200


def _lrelu(x):
    return jnp.maximum(x, 0.2 * x)


def _elu(x):
    return jnp.where(x > 0, x, jnp.exp(jnp.minimum(x, 0.0)) - 1.0)


def _tc_pre1_body(x_ref, w1_ref, asrc_ref, adst_ref, sel_ref,
                  h1t_ref, as_ref, ad_ref, num0_ref, den0_ref):
    xb = x_ref[...]
    h1t = lax.dot_general(w1_ref[...], xb, (((0,), (1,)), ((), ())),
                          preferred_element_type=jnp.float32)
    a_s = lax.dot_general(asrc_ref[...], h1t, (((1,), (0,)), ((), ())),
                          preferred_element_type=jnp.float32)
    a_d = lax.dot_general(adst_ref[...], h1t, (((1,), (0,)), ((), ())),
                          preferred_element_type=jnp.float32)
    p_self = jnp.exp(_lrelu(a_s + a_d))
    p_full = lax.dot_general(sel_ref[...], p_self, (((1,), (0,)), ((), ())),
                             preferred_element_type=jnp.float32)
    h1t_ref[...] = h1t
    as_ref[...] = a_s
    ad_ref[...] = a_d
    num0_ref[...] = h1t * p_full
    den0_ref[...] = p_self


def _tc_pre1(x_pad, W1, A_src, A_dst, Sel):
    grid = (NP // BN,)
    return pl.pallas_call(
        _tc_pre1_body,
        grid=grid,
        in_specs=[
            pl.BlockSpec((BN, IN_DIM), lambda i: (i, 0)),
            pl.BlockSpec((IN_DIM, F1), lambda i: (0, 0)),
            pl.BlockSpec((HEADS, F1), lambda i: (0, 0)),
            pl.BlockSpec((HEADS, F1), lambda i: (0, 0)),
            pl.BlockSpec((F1, HEADS), lambda i: (0, 0)),
        ],
        out_specs=[
            pl.BlockSpec((F1, BN), lambda i: (0, i)),
            pl.BlockSpec((HEADS, BN), lambda i: (0, i)),
            pl.BlockSpec((HEADS, BN), lambda i: (0, i)),
            pl.BlockSpec((F1, BN), lambda i: (0, i)),
            pl.BlockSpec((HEADS, BN), lambda i: (0, i)),
        ],
        out_shape=[
            jax.ShapeDtypeStruct((F1, NP), jnp.float32),
            jax.ShapeDtypeStruct((HEADS, NP), jnp.float32),
            jax.ShapeDtypeStruct((HEADS, NP), jnp.float32),
            jax.ShapeDtypeStruct((F1, NP), jnp.float32),
            jax.ShapeDtypeStruct((HEADS, NP), jnp.float32),
        ],
    )(x_pad, W1, A_src, A_dst, Sel)


_SC_PARAMS = pltpu.CompilerParams(
    needs_layout_passes=False, use_tc_tiling_on_sc=False
)
_MESH = dict(core_axis_name="c", subcore_axis_name="s")


def _sc_edge1(src, dst, a_srcT, a_dstT, h1T, num_init, den_init):
    mesh = plsc.VectorSubcoreMesh(**_MESH)

    @functools.partial(
        pl.kernel,
        out_type=[
            jax.ShapeDtypeStruct((F1, NP), jnp.float32),
            jax.ShapeDtypeStruct((HEADS, NP), jnp.float32),
        ],
        mesh=mesh,
        scratch_types=[
            pltpu.VMEM((4, NP), jnp.float32),
            pltpu.VMEM((4, NP), jnp.float32),
            pltpu.VMEM((1, NP), jnp.float32),
            pltpu.VMEM((1, NP), jnp.float32),
            pltpu.VMEM((1, NP), jnp.float32),
            pltpu.VMEM((CH,), jnp.int32),
            pltpu.VMEM((CH,), jnp.int32),
            pltpu.VMEM((CH,), jnp.int32),
            pltpu.VMEM((CH,), jnp.int32),
            pltpu.SemaphoreType.DMA,
            pltpu.SemaphoreType.DMA,
        ],
        compiler_params=_SC_PARAMS,
    )
    def k(src_h, dst_h, as_h, ad_h, h1_h, n0_h, d0_h, num_o, den_o,
          hc, acc, asr, adr, dacc, sb0, db0, sb1, db1, sem0, sem1):
        t = lax.axis_index("s") * 2 + lax.axis_index("c")
        head = t // 8
        pltpu.sync_copy(h1_h.at[pl.ds(4 * t, 4)], hc)
        pltpu.sync_copy(n0_h.at[pl.ds(4 * t, 4)], acc)
        pltpu.sync_copy(as_h.at[pl.ds(head, 1)], asr)
        pltpu.sync_copy(ad_h.at[pl.ds(head, 1)], adr)
        pltpu.sync_copy(d0_h.at[pl.ds(head, 1)], dacc)

        f0 = jnp.full((16,), 0, jnp.int32)
        f1 = jnp.full((16,), 1, jnp.int32)
        f2 = jnp.full((16,), 2, jnp.int32)
        f3 = jnp.full((16,), 3, jnp.int32)

        def start(c, sb, db, sem):
            pltpu.async_copy(src_h.at[pl.ds(c * CH, CH)], sb, sem)
            pltpu.async_copy(dst_h.at[pl.ds(c * CH, CH)], db, sem)

        def drain(sb, db, sem):
            pltpu.make_async_copy(src_h.at[pl.ds(0, CH)], sb, sem).wait()
            pltpu.make_async_copy(dst_h.at[pl.ds(0, CH)], db, sem).wait()

        def inner(sb, db):
            @plsc.parallel_loop(0, CH // 16, unroll=8)
            def blk(i):
                o = i * 16
                sv = sb[pl.ds(o, 16)]
                dv = db[pl.ds(o, 16)]
                e = (plsc.load_gather(asr, [f0, sv])
                     + plsc.load_gather(adr, [f0, dv]))
                p = jnp.exp(jnp.maximum(e, 0.2 * e))
                plsc.addupdate_scatter(dacc, [f0, dv], p)
                for fv in (f0, f1, f2, f3):
                    hv = plsc.load_gather(hc, [fv, sv])
                    plsc.addupdate_scatter(acc, [fv, dv], hv * p)

        start(0, sb0, db0, sem0)

        def chunk_body(g2, _):
            c = 2 * g2
            start(c + 1, sb1, db1, sem1)
            drain(sb0, db0, sem0)
            inner(sb0, db0)

            @pl.when(c + 2 < E // CH)
            def _():
                start(c + 2, sb0, db0, sem0)

            drain(sb1, db1, sem1)
            inner(sb1, db1)
            return 0

        lax.fori_loop(0, E // (2 * CH), chunk_body, 0)

        pltpu.sync_copy(acc, num_o.at[pl.ds(4 * t, 4)])

        @pl.when(t % 8 == 0)
        def _():
            pltpu.sync_copy(dacc, den_o.at[pl.ds(head, 1)])

    return k(src, dst, a_srcT, a_dstT, h1T, num_init, den_init)


def _tc_mid_body(num_ref, den_ref, b1_ref, w2_ref, as2_ref, ad2_ref, sel_ref,
                 h2t_ref, as_ref, ad_ref, num0_ref, den0_ref):
    den_full = lax.dot_general(sel_ref[...], den_ref[...] + 1e-16,
                               (((1,), (0,)), ((), ())),
                               preferred_element_type=jnp.float32)
    out1 = num_ref[...] / den_full + b1_ref[...]
    out1 = _elu(out1)
    h2t = lax.dot_general(w2_ref[...], out1, (((0,), (0,)), ((), ())),
                          preferred_element_type=jnp.float32)
    a_s = lax.dot_general(as2_ref[...], h2t, (((1,), (0,)), ((), ())),
                          preferred_element_type=jnp.float32)
    a_d = lax.dot_general(ad2_ref[...], h2t, (((1,), (0,)), ((), ())),
                          preferred_element_type=jnp.float32)
    p_self = jnp.exp(_lrelu(a_s + a_d))
    h2t_ref[...] = h2t
    as_ref[...] = a_s
    ad_ref[...] = a_d
    num0_ref[...] = h2t * p_self
    den0_ref[...] = p_self


def _tc_mid(num1, den1, b1c, W2, a2s, a2d, Sel):
    grid = (NP // BN,)
    return pl.pallas_call(
        _tc_mid_body,
        grid=grid,
        in_specs=[
            pl.BlockSpec((F1, BN), lambda i: (0, i)),
            pl.BlockSpec((HEADS, BN), lambda i: (0, i)),
            pl.BlockSpec((F1, 1), lambda i: (0, 0)),
            pl.BlockSpec((F1, F2), lambda i: (0, 0)),
            pl.BlockSpec((1, F2), lambda i: (0, 0)),
            pl.BlockSpec((1, F2), lambda i: (0, 0)),
            pl.BlockSpec((F1, HEADS), lambda i: (0, 0)),
        ],
        out_specs=[
            pl.BlockSpec((F2, BN), lambda i: (0, i)),
            pl.BlockSpec((1, BN), lambda i: (0, i)),
            pl.BlockSpec((1, BN), lambda i: (0, i)),
            pl.BlockSpec((F2, BN), lambda i: (0, i)),
            pl.BlockSpec((1, BN), lambda i: (0, i)),
        ],
        out_shape=[
            jax.ShapeDtypeStruct((F2, NP), jnp.float32),
            jax.ShapeDtypeStruct((1, NP), jnp.float32),
            jax.ShapeDtypeStruct((1, NP), jnp.float32),
            jax.ShapeDtypeStruct((F2, NP), jnp.float32),
            jax.ShapeDtypeStruct((1, NP), jnp.float32),
        ],
    )(num1, den1, b1c, W2, a2s, a2d, Sel)


def _sc_edge2(src, dst, a_src2, a_dst2, h2T, num_init, den_init):
    mesh = plsc.VectorSubcoreMesh(**_MESH)
    EH = E // 2

    @functools.partial(
        pl.kernel,
        out_type=[
            jax.ShapeDtypeStruct((2, F2, NP), jnp.float32),
            jax.ShapeDtypeStruct((2, NP), jnp.float32),
        ],
        mesh=mesh,
        scratch_types=[
            pltpu.VMEM((2, NP), jnp.float32),
            pltpu.VMEM((2, NP), jnp.float32),
            pltpu.VMEM((1, NP), jnp.float32),
            pltpu.VMEM((1, NP), jnp.float32),
            pltpu.VMEM((1, NP), jnp.float32),
            pltpu.VMEM((CH,), jnp.int32),
            pltpu.VMEM((CH,), jnp.int32),
            pltpu.VMEM((CH,), jnp.int32),
            pltpu.VMEM((CH,), jnp.int32),
            pltpu.SemaphoreType.DMA,
            pltpu.SemaphoreType.DMA,
        ],
        compiler_params=_SC_PARAMS,
    )
    def k(src_h, dst_h, as_h, ad_h, h2_h, n0_h, d0_h, num_o, den_o,
          hc, acc, asr, adr, dacc, sb0, db0, sb1, db1, sem0, sem1):
        t = lax.axis_index("s") * 2 + lax.axis_index("c")
        half = t // 16
        fp = t % 16
        ebase = half * EH
        pltpu.sync_copy(h2_h.at[pl.ds(2 * fp, 2)], hc)
        pltpu.sync_copy(as_h, asr)
        pltpu.sync_copy(ad_h, adr)

        @pl.when(half == 0)
        def _():
            pltpu.sync_copy(n0_h.at[pl.ds(2 * fp, 2)], acc)
            pltpu.sync_copy(d0_h, dacc)

        @pl.when(half == 1)
        def _():
            z = jnp.zeros((16,), jnp.float32)

            def zb(i, _):
                acc[0, pl.ds(i * 16, 16)] = z
                acc[1, pl.ds(i * 16, 16)] = z
                dacc[0, pl.ds(i * 16, 16)] = z
                return 0

            lax.fori_loop(0, NP // 16, zb, 0)

        f0 = jnp.full((16,), 0, jnp.int32)
        f1 = jnp.full((16,), 1, jnp.int32)

        def start(c, sb, db, sem):
            pltpu.async_copy(src_h.at[pl.ds(ebase + c * CH, CH)], sb, sem)
            pltpu.async_copy(dst_h.at[pl.ds(ebase + c * CH, CH)], db, sem)

        def drain(sb, db, sem):
            pltpu.make_async_copy(src_h.at[pl.ds(0, CH)], sb, sem).wait()
            pltpu.make_async_copy(dst_h.at[pl.ds(0, CH)], db, sem).wait()

        def inner(sb, db):
            @plsc.parallel_loop(0, CH // 16, unroll=8)
            def blk(i):
                o = i * 16
                sv = sb[pl.ds(o, 16)]
                dv = db[pl.ds(o, 16)]
                e = (plsc.load_gather(asr, [f0, sv])
                     + plsc.load_gather(adr, [f0, dv]))
                p = jnp.exp(jnp.maximum(e, 0.2 * e))
                plsc.addupdate_scatter(dacc, [f0, dv], p)
                for fv in (f0, f1):
                    hv = plsc.load_gather(hc, [fv, sv])
                    plsc.addupdate_scatter(acc, [fv, dv], hv * p)

        start(0, sb0, db0, sem0)

        def chunk_body(g2, _):
            c = 2 * g2
            start(c + 1, sb1, db1, sem1)
            drain(sb0, db0, sem0)
            inner(sb0, db0)

            @pl.when(c + 2 < EH // CH)
            def _():
                start(c + 2, sb0, db0, sem0)

            drain(sb1, db1, sem1)
            inner(sb1, db1)
            return 0

        lax.fori_loop(0, EH // (2 * CH), chunk_body, 0)

        pltpu.sync_copy(acc, num_o.at[half, pl.ds(2 * fp, 2)])

        @pl.when(fp == 0)
        def _():
            pltpu.sync_copy(dacc, den_o.at[pl.ds(half, 1)])

    return k(src, dst, a_src2, a_dst2, h2T, num_init, den_init)


def _tc_post_body(num_ref, den_ref, b2_ref, lw_ref, lb_ref, out_ref):
    num = num_ref[0] + num_ref[1]
    den = den_ref[pl.ds(0, 1)] + den_ref[pl.ds(1, 1)]
    out2 = num / (den + 1e-16) + b2_ref[...]
    out2 = _elu(out2)
    y = lax.dot_general(lw_ref[...], out2, (((0,), (0,)), ((), ())),
                        preferred_element_type=jnp.float32)
    out_ref[...] = y + lb_ref[...]


def _tc_post(num2, den2, b2c, lin_W, lin_bc):
    grid = (NP // BN,)
    return pl.pallas_call(
        _tc_post_body,
        grid=grid,
        in_specs=[
            pl.BlockSpec((2, F2, BN), lambda i: (0, 0, i)),
            pl.BlockSpec((2, BN), lambda i: (0, i)),
            pl.BlockSpec((F2, 1), lambda i: (0, 0)),
            pl.BlockSpec((F2, OUT), lambda i: (0, 0)),
            pl.BlockSpec((OUT, 1), lambda i: (0, 0)),
        ],
        out_specs=pl.BlockSpec((OUT, BN), lambda i: (0, i)),
        out_shape=jax.ShapeDtypeStruct((OUT, NP), jnp.float32),
    )(num2, den2, b2c, lin_W, lin_bc)


def kernel(x, edge_index, W1, att_src1, att_dst1, b1, W2, att_src2, att_dst2,
           b2, lin_W, lin_b):
    x_pad = jnp.pad(x, ((0, NP - N), (0, 0)))
    src = edge_index[0]
    dst = edge_index[1]

    head_of = np.arange(F1) // HID
    blockmask = jnp.asarray(
        (np.arange(HEADS)[:, None] == head_of[None, :]).astype(np.float32))
    A_src = blockmask * att_src1.reshape(1, F1)
    A_dst = blockmask * att_dst1.reshape(1, F1)
    Sel = blockmask.T

    h1T, a_sT, a_dT, num0, den0 = _tc_pre1(x_pad, W1, A_src, A_dst, Sel)
    num1, den1 = _sc_edge1(src, dst, a_sT, a_dT, h1T, num0, den0)

    h2T, a2sT, a2dT, num0b, den0b = _tc_mid(
        num1, den1, b1.reshape(F1, 1), W2,
        att_src2.reshape(1, F2), att_dst2.reshape(1, F2), Sel)
    num2, den2 = _sc_edge2(src, dst, a2sT, a2dT, h2T, num0b, den0b)

    yT = _tc_post(num2, den2, b2.reshape(F2, 1), lin_W,
                  lin_b.reshape(OUT, 1))
    return yT[:, :N].T

# --- scband reference (transcript-rebuilt; emitter-appended) ---
"""Pipeline reference for scband-gatclassifier-54039278518429 (READ-ONLY COPY).

The authoritative reference and input builder live on the scoring server;
editing this copy changes nothing except your own understanding.
"""

import jax, jax.numpy as jnp
import numpy as np

N = 10000
E = 320000
IN_DIM = 128
HID = 32
HEADS = 4
OUT = 2


def _gat_conv(x, edge_index, W, att_src, att_dst, bias, heads, out_ch, concat):
    # Faithful PyG GATConv (eval mode: dropout disabled), add_self_loops=True
    n = x.shape[0]
    loop = jnp.arange(n, dtype=edge_index.dtype)
    src = jnp.concatenate([edge_index[0], loop])
    dst = jnp.concatenate([edge_index[1], loop])
    h = (x @ W).reshape(n, heads, out_ch)
    a_src = (h * att_src).sum(axis=-1)  # [n, heads]
    a_dst = (h * att_dst).sum(axis=-1)  # [n, heads]
    e = a_src[src] + a_dst[dst]         # [e, heads]
    e = jax.nn.leaky_relu(e, negative_slope=0.2)
    e_max = jax.lax.stop_gradient(jax.ops.segment_max(e, dst, num_segments=n))
    e_exp = jnp.exp(e - e_max[dst])
    denom = jax.ops.segment_sum(e_exp, dst, num_segments=n)
    alpha = e_exp / (denom[dst] + 1e-16)  # softmax over incoming edges per dst
    msg = h[src] * alpha[:, :, None]
    out = jax.ops.segment_sum(msg, dst, num_segments=n)
    if concat:
        out = out.reshape(n, heads * out_ch)
    else:
        out = out.mean(axis=1)
    return out + bias


def setup_inputs(seed: int = 0):
    key = jax.random.key(seed)
    ks = jax.random.split(key, 12)
    x = jax.random.normal(ks[0], (N, IN_DIM), dtype=jnp.float32)
    edge_index = jax.random.randint(ks[1], (2, E), 0, N, dtype=jnp.int32)
    W1 = jax.random.normal(ks[2], (IN_DIM, HEADS * HID), dtype=jnp.float32) * (1.0 / np.sqrt(IN_DIM))
    att_src1 = jax.random.normal(ks[3], (1, HEADS, HID), dtype=jnp.float32) * 0.1
    att_dst1 = jax.random.normal(ks[4], (1, HEADS, HID), dtype=jnp.float32) * 0.1
    b1 = jnp.zeros((HEADS * HID,), dtype=jnp.float32)
    W2 = jax.random.normal(ks[5], (HEADS * HID, 1 * HID), dtype=jnp.float32) * (1.0 / np.sqrt(HEADS * HID))
    att_src2 = jax.random.normal(ks[6], (1, 1, HID), dtype=jnp.float32) * 0.1
    att_dst2 = jax.random.normal(ks[7], (1, 1, HID), dtype=jnp.float32) * 0.1
    b2 = jnp.zeros((HID,), dtype=jnp.float32)
    lin_W = jax.random.normal(ks[8], (HID, OUT), dtype=jnp.float32) * (1.0 / np.sqrt(HID))
    lin_b = jnp.zeros((OUT,), dtype=jnp.float32)
    return {"x": x, "edge_index": edge_index, "W1": W1, "att_src1": att_src1,
            "att_dst1": att_dst1, "b1": b1, "W2": W2, "att_src2": att_src2,
            "att_dst2": att_dst2, "b2": b2, "lin_W": lin_W, "lin_b": lin_b}


def reference(x, edge_index, W1, att_src1, att_dst1, b1, W2, att_src2, att_dst2, b2, lin_W, lin_b):
    # eval mode: F.dropout is identity
    h = _gat_conv(x, edge_index, W1, att_src1, att_dst1, b1, HEADS, HID, True)
    h = jax.nn.elu(h)
    h = _gat_conv(h, edge_index, W2, att_src2, att_dst2, b2, 1, HID, False)
    h = jax.nn.elu(h)
    return h @ lin_W + lin_b

if __name__ == "__main__":
    import jax
    _d = setup_inputs()
    print(jax.jit(kernel)(*tuple(_d.values())))

</pallas_src>

<mosaic_0001>
#map = affine_map<(d0, d1) -> (0)>
#map1 = affine_map<(d0, d1) -> (0, 0)>
module attributes {stable_mosaic.version = 14 : i64} {
  func.func @k(%arg0: i32, %arg1: i32, %arg2: memref<320000xi32, #tpu.memory_space<hbm>>, %arg3: memref<320000xi32, #tpu.memory_space<hbm>>, %arg4: memref<4x10240xf32, #tpu.memory_space<hbm>>, %arg5: memref<4x10240xf32, #tpu.memory_space<hbm>>, %arg6: memref<128x10240xf32, #tpu.memory_space<hbm>>, %arg7: memref<128x10240xf32, #tpu.memory_space<hbm>>, %arg8: memref<4x10240xf32, #tpu.memory_space<hbm>>, %arg9: memref<128x10240xf32, #tpu.memory_space<hbm>>, %arg10: memref<4x10240xf32, #tpu.memory_space<hbm>>, %arg11: memref<4x10240xf32, #tpu.memory_space<vmem>>, %arg12: memref<4x10240xf32, #tpu.memory_space<vmem>>, %arg13: memref<1x10240xf32, #tpu.memory_space<vmem>>, %arg14: memref<1x10240xf32, #tpu.memory_space<vmem>>, %arg15: memref<1x10240xf32, #tpu.memory_space<vmem>>, %arg16: memref<3200xi32, #tpu.memory_space<vmem>>, %arg17: memref<3200xi32, #tpu.memory_space<vmem>>, %arg18: memref<3200xi32, #tpu.memory_space<vmem>>, %arg19: memref<3200xi32, #tpu.memory_space<vmem>>, %arg20: memref<!tpu.dma_semaphore, #tpu.memory_space<semaphore_mem>>, %arg21: memref<!tpu.dma_semaphore, #tpu.memory_space<semaphore_mem>>) attributes {dimension_semantics = [#tpu.dimension_semantics<core_parallel>, #tpu.dimension_semantics<subcore_parallel>], iteration_bounds = array<i64: 2, 16>, scalar_prefetch = 0 : i64, scratch_operands = 11 : i64, tpu.core_type = #tpu.core_type<sc_vector_subcore>, window_params = [{transform_indices = #map}, {transform_indices = #map}, {transform_indices = #map1}, {transform_indices = #map1}, {transform_indices = #map1}, {transform_indices = #map1}, {transform_indices = #map1}, {transform_indices = #map1}, {transform_indices = #map1}]} {
    %mul3A = arith.constant 2 : i32
    %mul3A_0 = arith.muli %arg1, %mul3A : i32
    %add3A = arith.addi %mul3A_0, %arg0 : i32
    %jit3A = arith.constant 8 : i32
    %div3A = arith.divsi %add3A, %jit3A : i32
    %sign3A = arith.constant 0 : i32
    %sign3A_1 = arith.cmpi sgt, %add3A, %sign3A : i32
    %sign3A_2 = arith.extui %sign3A_1 : i1 to i32
    %sign3A_3 = arith.constant 0 : i32
    %sign3A_4 = arith.cmpi slt, %add3A, %sign3A_3 : i32
    %sign3A_5 = arith.extui %sign3A_4 : i1 to i32
    %sign3A_6 = arith.subi %sign3A_2, %sign3A_5 : i32
    %sign3A_7 = arith.constant 0 : i32
    %sign3A_8 = arith.cmpi sgt, %jit3A, %sign3A_7 : i32
    %sign3A_9 = arith.extui %sign3A_8 : i1 to i32
    %sign3A_10 = arith.constant 0 : i32
    %sign3A_11 = arith.cmpi slt, %jit3A, %sign3A_10 : i32
    %sign3A_12 = arith.extui %sign3A_11 : i1 to i32
    %sign3A_13 = arith.subi %sign3A_9, %sign3A_12 : i32
    %ne3A = arith.cmpi ne, %sign3A_6, %sign3A_13 : i32
    %rem3A = arith.remsi %add3A, %jit3A : i32
    %ne3A_14 = arith.constant 0 : i32
    %ne3A_15 = arith.cmpi ne, %rem3A, %ne3A_14 : i32
    %and3A = arith.andi %ne3A, %ne3A_15 : i1
    %sub3A = arith.constant 1 : i32
    %sub3A_16 = arith.subi %div3A, %sub3A : i32
    %select_n3A = arith.select %and3A, %sub3A_16, %div3A : i32
    %mul3A_17 = arith.constant 4 : i32
    %mul3A_18 = arith.muli %mul3A_17, %add3A : i32
    "tpu.region"() ({
      %run_scoped3A = tpu.sem_alloc : memref<!tpu.dma_semaphore, #tpu.memory_space<semaphore_mem>>
      %dma_start3A_60 = arith.constant 0 : i32
      %dma_start3A_61 = tpu.memref_slice %arg6[%mul3A_18, %dma_start3A_60] : memref<128x10240xf32, #tpu.memory_space<hbm>> -> memref<4x10240xf32, #tpu.memory_space<hbm>>
      %dma_start3A_62 = arith.constant 0 : i32
      %dma_start3A_63 = tpu.memref_slice %arg6[%mul3A_18, %dma_start3A_62] : memref<128x10240xf32, #tpu.memory_space<hbm>> -> memref<4x10240xf32, #tpu.memory_space<hbm>>
      tpu.enqueue_dma source(%dma_start3A_63 : memref<4x10240xf32, #tpu.memory_space<hbm>>) target(%arg11 : memref<4x10240xf32, #tpu.memory_space<vmem>>) target_semaphore(%run_scoped3A : memref<!tpu.dma_semaphore, #tpu.memory_space<semaphore_mem>>)
      %dma_wait3A = arith.constant 0 : i32
      %dma_wait3A_64 = tpu.memref_slice %arg6[%mul3A_18, %dma_wait3A] : memref<128x10240xf32, #tpu.memory_space<hbm>> -> memref<4x10240xf32, #tpu.memory_space<hbm>>
      %dma_wait3A_65 = arith.constant 0 : i32
      %dma_wait3A_66 = tpu.memref_slice %arg6[%mul3A_18, %dma_wait3A_65] : memref<128x10240xf32, #tpu.memory_space<hbm>> -> memref<4x10240xf32, #tpu.memory_space<hbm>>
      tpu.wait_dma2 semaphore(%run_scoped3A : memref<!tpu.dma_semaphore, #tpu.memory_space<semaphore_mem>>) src(%dma_wait3A_66 : memref<4x10240xf32, #tpu.memory_space<hbm>>) dst(%arg11 : memref<4x10240xf32, #tpu.memory_space<vmem>>)
      tpu.yield
    }) : () -> ()
    %mul3A_19 = arith.constant 4 : i32
    %mul3A_20 = arith.muli %mul3A_19, %add3A : i32
    "tpu.region"() ({
      %run_scoped3A = tpu.sem_alloc : memref<!tpu.dma_semaphore, #tpu.memory_space<semaphore_mem>>
      %dma_start3A_60 = arith.constant 0 : i32
      %dma_start3A_61 = tpu.memref_slice %arg7[%mul3A_20, %dma_start3A_60] : memref<128x10240xf32, #tpu.memory_space<hbm>> -> memref<4x10240xf32, #tpu.memory_space<hbm>>
      %dma_start3A_62 = arith.constant 0 : i32
      %dma_start3A_63 = tpu.memref_slice %arg7[%mul3A_20, %dma_start3A_62] : memref<128x10240xf32, #tpu.memory_space<hbm>> -> memref<4x10240xf32, #tpu.memory_space<hbm>>
      tpu.enqueue_dma source(%dma_start3A_63 : memref<4x10240xf32, #tpu.memory_space<hbm>>) target(%arg12 : memref<4x10240xf32, #tpu.memory_space<vmem>>) target_semaphore(%run_scoped3A : memref<!tpu.dma_semaphore, #tpu.memory_space<semaphore_mem>>)
      %dma_wait3A = arith.constant 0 : i32
      %dma_wait3A_64 = tpu.memref_slice %arg7[%mul3A_20, %dma_wait3A] : memref<128x10240xf32, #tpu.memory_space<hbm>> -> memref<4x10240xf32, #tpu.memory_space<hbm>>
      %dma_wait3A_65 = arith.constant 0 : i32
      %dma_wait3A_66 = tpu.memref_slice %arg7[%mul3A_20, %dma_wait3A_65] : memref<128x10240xf32, #tpu.memory_space<hbm>> -> memref<4x10240xf32, #tpu.memory_space<hbm>>
      tpu.wait_dma2 semaphore(%run_scoped3A : memref<!tpu.dma_semaphore, #tpu.memory_space<semaphore_mem>>) src(%dma_wait3A_66 : memref<4x10240xf32, #tpu.memory_space<hbm>>) dst(%arg12 : memref<4x10240xf32, #tpu.memory_space<vmem>>)
      tpu.yield
    }) : () -> ()
    "tpu.region"() ({
      %run_scoped3A = tpu.sem_alloc : memref<!tpu.dma_semaphore, #tpu.memory_space<semaphore_mem>>
      %dma_start3A_60 = arith.constant 0 : i32
      %dma_start3A_61 = tpu.memref_slice %arg4[%select_n3A, %dma_start3A_60] : memref<4x10240xf32, #tpu.memory_space<hbm>> -> memref<1x10240xf32, #tpu.memory_space<hbm>>
      %dma_start3A_62 = arith.constant 0 : i32
      %dma_start3A_63 = tpu.memref_slice %arg4[%select_n3A, %dma_start3A_62] : memref<4x10240xf32, #tpu.memory_space<hbm>> -> memref<1x10240xf32, #tpu.memory_space<hbm>>
      tpu.enqueue_dma source(%dma_start3A_63 : memref<1x10240xf32, #tpu.memory_space<hbm>>) target(%arg13 : memref<1x10240xf32, #tpu.memory_space<vmem>>) target_semaphore(%run_scoped3A : memref<!tpu.dma_semaphore, #tpu.memory_space<semaphore_mem>>)
      %dma_wait3A = arith.constant 0 : i32
      %dma_wait3A_64 = tpu.memref_slice %arg4[%select_n3A, %dma_wait3A] : memref<4x10240xf32, #tpu.memory_space<hbm>> -> memref<1x10240xf32, #tpu.memory_space<hbm>>
      %dma_wait3A_65 = arith.constant 0 : i32
      %dma_wait3A_66 = tpu.memref_slice %arg4[%select_n3A, %dma_wait3A_65] : memref<4x10240xf32, #tpu.memory_space<hbm>> -> memref<1x10240xf32, #tpu.memory_space<hbm>>
      tpu.wait_dma2 semaphore(%run_scoped3A : memref<!tpu.dma_semaphore, #tpu.memory_space<semaphore_mem>>) src(%dma_wait3A_66 : memref<1x10240xf32, #tpu.memory_space<hbm>>) dst(%arg13 : memref<1x10240xf32, #tpu.memory_space<vmem>>)
      tpu.yield
    }) : () -> ()
    "tpu.region"() ({
      %run_scoped3A = tpu.sem_alloc : memref<!tpu.dma_semaphore, #tpu.memory_space<semaphore_mem>>
      %dma_start3A_60 = arith.constant 0 : i32
      %dma_start3A_61 = tpu.memref_slice %arg5[%select_n3A, %dma_start3A_60] : memref<4x10240xf32, #tpu.memory_space<hbm>> -> memref<1x10240xf32, #tpu.memory_space<hbm>>
      %dma_start3A_62 = arith.constant 0 : i32
      %dma_start3A_63 = tpu.memref_slice %arg5[%select_n3A, %dma_start3A_62] : memref<4x10240xf32, #tpu.memory_space<hbm>> -> memref<1x10240xf32, #tpu.memory_space<hbm>>
      tpu.enqueue_dma source(%dma_start3A_63 : memref<1x10240xf32, #tpu.memory_space<hbm>>) target(%arg14 : memref<1x10240xf32, #tpu.memory_space<vmem>>) target_semaphore(%run_scoped3A : memref<!tpu.dma_semaphore, #tpu.memory_space<semaphore_mem>>)
      %dma_wait3A = arith.constant 0 : i32
      %dma_wait3A_64 = tpu.memref_slice %arg5[%select_n3A, %dma_wait3A] : memref<4x10240xf32, #tpu.memory_space<hbm>> -> memref<1x10240xf32, #tpu.memory_space<hbm>>
      %dma_wait3A_65 = arith.constant 0 : i32
      %dma_wait3A_66 = tpu.memref_slice %arg5[%select_n3A, %dma_wait3A_65] : memref<4x10240xf32, #tpu.memory_space<hbm>> -> memref<1x10240xf32, #tpu.memory_space<hbm>>
      tpu.wait_dma2 semaphore(%run_scoped3A : memref<!tpu.dma_semaphore, #tpu.memory_space<semaphore_mem>>) src(%dma_wait3A_66 : memref<1x10240xf32, #tpu.memory_space<hbm>>) dst(%arg14 : memref<1x10240xf32, #tpu.memory_space<vmem>>)
      tpu.yield
    }) : () -> ()
    "tpu.region"() ({
      %run_scoped3A = tpu.sem_alloc : memref<!tpu.dma_semaphore, #tpu.memory_space<semaphore_mem>>
      %dma_start3A_60 = arith.constant 0 : i32
      %dma_start3A_61 = tpu.memref_slice %arg8[%select_n3A, %dma_start3A_60] : memref<4x10240xf32, #tpu.memory_space<hbm>> -> memref<1x10240xf32, #tpu.memory_space<hbm>>
      %dma_start3A_62 = arith.constant 0 : i32
      %dma_start3A_63 = tpu.memref_slice %arg8[%select_n3A, %dma_start3A_62] : memref<4x10240xf32, #tpu.memory_space<hbm>> -> memref<1x10240xf32, #tpu.memory_space<hbm>>
      tpu.enqueue_dma source(%dma_start3A_63 : memref<1x10240xf32, #tpu.memory_space<hbm>>) target(%arg15 : memref<1x10240xf32, #tpu.memory_space<vmem>>) target_semaphore(%run_scoped3A : memref<!tpu.dma_semaphore, #tpu.memory_space<semaphore_mem>>)
      %dma_wait3A = arith.constant 0 : i32
      %dma_wait3A_64 = tpu.memref_slice %arg8[%select_n3A, %dma_wait3A] : memref<4x10240xf32, #tpu.memory_space<hbm>> -> memref<1x10240xf32, #tpu.memory_space<hbm>>
      %dma_wait3A_65 = arith.constant 0 : i32
      %dma_wait3A_66 = tpu.memref_slice %arg8[%select_n3A, %dma_wait3A_65] : memref<4x10240xf32, #tpu.memory_space<hbm>> -> memref<1x10240xf32, #tpu.memory_space<hbm>>
      tpu.wait_dma2 semaphore(%run_scoped3A : memref<!tpu.dma_semaphore, #tpu.memory_space<semaphore_mem>>) src(%dma_wait3A_66 : memref<1x10240xf32, #tpu.memory_space<hbm>>) dst(%arg15 : memref<1x10240xf32, #tpu.memory_space<vmem>>)
      tpu.yield
    }) : () -> ()
    %broadcast_in_dim3A = arith.constant 0 : i32
    %broadcast_in_dim3A_21 = vector.broadcast %broadcast_in_dim3A : i32 to vector<16xi32>
    %broadcast_in_dim3A_22 = arith.constant 1 : i32
    %broadcast_in_dim3A_23 = vector.broadcast %broadcast_in_dim3A_22 : i32 to vector<16xi32>
    %broadcast_in_dim3A_24 = arith.constant 2 : i32
    %broadcast_in_dim3A_25 = vector.broadcast %broadcast_in_dim3A_24 : i32 to vector<16xi32>
    %broadcast_in_dim3A_26 = arith.constant 3 : i32
    %broadcast_in_dim3A_27 = vector.broadcast %broadcast_in_dim3A_26 : i32 to vector<16xi32>
    %dma_start3A = arith.constant 0 : i32
    %dma_start3A_28 = tpu.memref_slice %arg2[%dma_start3A] : memref<320000xi32, #tpu.memory_space<hbm>> -> memref<3200xi32, #tpu.memory_space<hbm>>
    %dma_start3A_29 = arith.constant 0 : i32
    %dma_start3A_30 = tpu.memref_slice %arg2[%dma_start3A_29] : memref<320000xi32, #tpu.memory_space<hbm>> -> memref<3200xi32, #tpu.memory_space<hbm>>
    tpu.enqueue_dma source(%dma_start3A_30 : memref<3200xi32, #tpu.memory_space<hbm>>) target(%arg16 : memref<3200xi32, #tpu.memory_space<vmem>>) target_semaphore(%arg20 : memref<!tpu.dma_semaphore, #tpu.memory_space<semaphore_mem>>)
    %dma_start3A_31 = arith.constant 0 : i32
    %dma_start3A_32 = tpu.memref_slice %arg3[%dma_start3A_31] : memref<320000xi32, #tpu.memory_space<hbm>> -> memref<3200xi32, #tpu.memory_space<hbm>>
    %dma_start3A_33 = arith.constant 0 : i32
    %dma_start3A_34 = tpu.memref_slice %arg3[%dma_start3A_33] : memref<320000xi32, #tpu.memory_space<hbm>> -> memref<3200xi32, #tpu.memory_space<hbm>>
    tpu.enqueue_dma source(%dma_start3A_34 : memref<3200xi32, #tpu.memory_space<hbm>>) target(%arg17 : memref<3200xi32, #tpu.memory_space<vmem>>) target_semaphore(%arg20 : memref<!tpu.dma_semaphore, #tpu.memory_space<semaphore_mem>>)
    %scan3A = arith.constant 0 : i32
    %scan3A_35 = arith.constant 0 : i32
    %scan3A_36 = arith.constant 50 : i32
    %scan3A_37 = arith.addi %scan3A_35, %scan3A_36 : i32
    %scan3A_38 = arith.constant 1 : i32
    %scan3A_39 = scf.for %scan3A_60 = %scan3A_35 to %scan3A_37 step %scan3A_38 iter_args(%scan3A_61 = %scan3A) -> (i32)  : i32 {
      %mul3A_62 = arith.constant 2 : i32
      %mul3A_63 = arith.muli %mul3A_62, %scan3A_60 : i32
      %add3A_64 = arith.constant 1 : i32
      %add3A_65 = arith.addi %mul3A_63, %add3A_64 : i32
      %mul3A_66 = arith.constant 3200 : i32
      %mul3A_67 = arith.muli %add3A_65, %mul3A_66 : i32
      %dma_start3A_68 = tpu.memref_slice %arg2[%mul3A_67] : memref<320000xi32, #tpu.memory_space<hbm>> -> memref<3200xi32, #tpu.memory_space<hbm>>
      %dma_start3A_69 = tpu.memref_slice %arg2[%mul3A_67] : memref<320000xi32, #tpu.memory_space<hbm>> -> memref<3200xi32, #tpu.memory_space<hbm>>
      tpu.enqueue_dma source(%dma_start3A_69 : memref<3200xi32, #tpu.memory_space<hbm>>) target(%arg18 : memref<3200xi32, #tpu.memory_space<vmem>>) target_semaphore(%arg21 : memref<!tpu.dma_semaphore, #tpu.memory_space<semaphore_mem>>)
      %mul3A_70 = arith.constant 3200 : i32
      %mul3A_71 = arith.muli %add3A_65, %mul3A_70 : i32
      %dma_start3A_72 = tpu.memref_slice %arg3[%mul3A_71] : memref<320000xi32, #tpu.memory_space<hbm>> -> memref<3200xi32, #tpu.memory_space<hbm>>
      %dma_start3A_73 = tpu.memref_slice %arg3[%mul3A_71] : memref<320000xi32, #tpu.memory_space<hbm>> -> memref<3200xi32, #tpu.memory_space<hbm>>
      tpu.enqueue_dma source(%dma_start3A_73 : memref<3200xi32, #tpu.memory_space<hbm>>) target(%arg19 : memref<3200xi32, #tpu.memory_space<vmem>>) target_semaphore(%arg21 : memref<!tpu.dma_semaphore, #tpu.memory_space<semaphore_mem>>)
      %dma_wait3A = arith.constant 0 : i32
      %dma_wait3A_74 = tpu.memref_slice %arg2[%dma_wait3A] : memref<320000xi32, #tpu.memory_space<hbm>> -> memref<3200xi32, #tpu.memory_space<hbm>>
      %dma_wait3A_75 = arith.constant 0 : i32
      %dma_wait3A_76 = tpu.memref_slice %arg2[%dma_wait3A_75] : memref<320000xi32, #tpu.memory_space<hbm>> -> memref<3200xi32, #tpu.memory_space<hbm>>
      tpu.wait_dma2 semaphore(%arg20 : memref<!tpu.dma_semaphore, #tpu.memory_space<semaphore_mem>>) src(%dma_wait3A_76 : memref<3200xi32, #tpu.memory_space<hbm>>) dst(%arg16 : memref<3200xi32, #tpu.memory_space<vmem>>)
      %dma_wait3A_77 = arith.constant 0 : i32
      %dma_wait3A_78 = tpu.memref_slice %arg3[%dma_wait3A_77] : memref<320000xi32, #tpu.memory_space<hbm>> -> memref<3200xi32, #tpu.memory_space<hbm>>
      %dma_wait3A_79 = arith.constant 0 : i32
      %dma_wait3A_80 = tpu.memref_slice %arg3[%dma_wait3A_79] : memref<320000xi32, #tpu.memory_space<hbm>> -> memref<3200xi32, #tpu.memory_space<hbm>>
      tpu.wait_dma2 semaphore(%arg20 : memref<!tpu.dma_semaphore, #tpu.memory_space<semaphore_mem>>) src(%dma_wait3A_80 : memref<3200xi32, #tpu.memory_space<hbm>>) dst(%arg17 : memref<3200xi32, #tpu.memory_space<vmem>>)
      %parallel_loop3A = arith.constant 0 : i32
      %parallel_loop3A_81 = arith.constant 200 : i32
      %parallel_loop3A_82 = arith.constant 1 : i32
      scf.for %parallel_loop3A_102 = %parallel_loop3A to %parallel_loop3A_81 step %parallel_loop3A_82  : i32 {
        %parallel_loop3A_103 = arith.constant 16 : i32
        %parallel_loop3A_104 = arith.muli %parallel_loop3A_102, %parallel_loop3A_103 : i32
        %parallel_loop3A_105 = arith.index_cast %parallel_loop3A_104 : i32 to index
        %parallel_loop3A_106 = tpu.vector_load %arg16[%parallel_loop3A_105] {strides = array<i32>} : memref<3200xi32, #tpu.memory_space<vmem>>, vector<16xi32>,
        %parallel_loop3A_107 = arith.index_cast %parallel_loop3A_104 : i32 to index
        %parallel_loop3A_108 = tpu.vector_load %arg17[%parallel_loop3A_107] {strides = array<i32>} : memref<3200xi32, #tpu.memory_space<vmem>>, vector<16xi32>,
        %parallel_loop3A_109 = tpu.vector_load_idx %arg13[%broadcast_in_dim3A_21, %parallel_loop3A_106] : memref<1x10240xf32, #tpu.memory_space<vmem>>[vector<16xi32>, vector<16xi32>], vector<16xf32>,
        %parallel_loop3A_110 = tpu.vector_load_idx %arg14[%broadcast_in_dim3A_21, %parallel_loop3A_108] : memref<1x10240xf32, #tpu.memory_space<vmem>>[vector<16xi32>, vector<16xi32>], vector<16xf32>,
        %parallel_loop3A_111 = arith.addf %parallel_loop3A_109, %parallel_loop3A_110 : vector<16xf32>
        %parallel_loop3A_112 = arith.constant 2.000000e-01 : f32
        %parallel_loop3A_113 = vector.broadcast %parallel_loop3A_112 : f32 to vector<16xf32>
        %parallel_loop3A_114 = arith.mulf %parallel_loop3A_113, %parallel_loop3A_111 : vector<16xf32>
        %parallel_loop3A_115 = arith.maximumf %parallel_loop3A_111, %parallel_loop3A_114 : vector<16xf32>
        %parallel_loop3A_116 = math.exp %parallel_loop3A_115 : vector<16xf32>
        tpu.vector_store_idx %arg15[%broadcast_in_dim3A_21, %parallel_loop3A_108], %parallel_loop3A_116 {add = true} : memref<1x10240xf32, #tpu.memory_space<vmem>>[vector<16xi32>, vector<16xi32>], vector<16xf32>,
        %parallel_loop3A_117 = tpu.vector_load_idx %arg11[%broadcast_in_dim3A_21, %parallel_loop3A_106] : memref<4x10240xf32, #tpu.memory_space<vmem>>[vector<16xi32>, vector<16xi32>], vector<16xf32>,
        %parallel_loop3A_118 = arith.mulf %parallel_loop3A_117, %parallel_loop3A_116 : vector<16xf32>
        tpu.vector_store_idx %arg12[%broadcast_in_dim3A_21, %parallel_loop3A_108], %parallel_loop3A_118 {add = true} : memref<4x10240xf32, #tpu.memory_space<vmem>>[vector<16xi32>, vector<16xi32>], vector<16xf32>,
        %parallel_loop3A_119 = tpu.vector_load_idx %arg11[%broadcast_in_dim3A_23, %parallel_loop3A_106] : memref<4x10240xf32, #tpu.memory_space<vmem>>[vector<16xi32>, vector<16xi32>], vector<16xf32>,
        %parallel_loop3A_120 = arith.mulf %parallel_loop3A_119, %parallel_loop3A_116 : vector<16xf32>
        tpu.vector_store_idx %arg12[%broadcast_in_dim3A_23, %parallel_loop3A_108], %parallel_loop3A_120 {add = true} : memref<4x10240xf32, #tpu.memory_space<vmem>>[vector<16xi32>, vector<16xi32>], vector<16xf32>,
        %parallel_loop3A_121 = tpu.vector_load_idx %arg11[%broadcast_in_dim3A_25, %parallel_loop3A_106] : memref<4x10240xf32, #tpu.memory_space<vmem>>[vector<16xi32>, vector<16xi32>], vector<16xf32>,
        %parallel_loop3A_122 = arith.mulf %parallel_loop3A_121, %parallel_loop3A_116 : vector<16xf32>
        tpu.vector_store_idx %arg12[%broadcast_in_dim3A_25, %parallel_loop3A_108], %parallel_loop3A_122 {add = true} : memref<4x10240xf32, #tpu.memory_space<vmem>>[vector<16xi32>, vector<16xi32>], vector<16xf32>,
        %parallel_loop3A_123 = tpu.vector_load_idx %arg11[%broadcast_in_dim3A_27, %parallel_loop3A_106] : memref<4x10240xf32, #tpu.memory_space<vmem>>[vector<16xi32>, vector<16xi32>], vector<16xf32>,
        %parallel_loop3A_124 = arith.mulf %parallel_loop3A_123, %parallel_loop3A_116 : vector<16xf32>
        tpu.vector_store_idx %arg12[%broadcast_in_dim3A_27, %parallel_loop3A_108], %parallel_loop3A_124 {add = true} : memref<4x10240xf32, #tpu.memory_space<vmem>>[vector<16xi32>, vector<16xi32>], vector<16xf32>,
      } {sc.loop_unroll_factor = 8 : i64, sc.parallel_access}
      %add3A_83 = arith.constant 2 : i32
      %add3A_84 = arith.addi %mul3A_63, %add3A_83 : i32
      %lt3A_85 = arith.constant 100 : i32
      %lt3A_86 = arith.cmpi slt, %add3A_84, %lt3A_85 : i32
      %convert_element_type3A_87 = arith.extui %lt3A_86 : i1 to i32
      %cond3A_88 = arith.constant 0 : i32
      %cond3A_89 = arith.cmpi ne, %convert_element_type3A_87, %cond3A_88 : i32
      scf.if %cond3A_89 {
        %add3A_102 = arith.constant 2 : i32
        %add3A_103 = arith.addi %mul3A_63, %add3A_102 : i32
        %mul3A_104 = arith.constant 3200 : i32
        %mul3A_105 = arith.muli %add3A_103, %mul3A_104 : i32
        %dma_start3A_106 = tpu.memref_slice %arg2[%mul3A_105] : memref<320000xi32, #tpu.memory_space<hbm>> -> memref<3200xi32, #tpu.memory_space<hbm>>
        %dma_start3A_107 = tpu.memref_slice %arg2[%mul3A_105] : memref<320000xi32, #tpu.memory_space<hbm>> -> memref<3200xi32, #tpu.memory_space<hbm>>
        tpu.enqueue_dma source(%dma_start3A_107 : memref<3200xi32, #tpu.memory_space<hbm>>) target(%arg16 : memref<3200xi32, #tpu.memory_space<vmem>>) target_semaphore(%arg20 : memref<!tpu.dma_semaphore, #tpu.memory_space<semaphore_mem>>)
        %mul3A_108 = arith.constant 3200 : i32
        %mul3A_109 = arith.muli %add3A_103, %mul3A_108 : i32
        %dma_start3A_110 = tpu.memref_slice %arg3[%mul3A_109] : memref<320000xi32, #tpu.memory_space<hbm>> -> memref<3200xi32, #tpu.memory_space<hbm>>
        %dma_start3A_111 = tpu.memref_slice %arg3[%mul3A_109] : memref<320000xi32, #tpu.memory_space<hbm>> -> memref<3200xi32, #tpu.memory_space<hbm>>
        tpu.enqueue_dma source(%dma_start3A_111 : memref<3200xi32, #tpu.memory_space<hbm>>) target(%arg17 : memref<3200xi32, #tpu.memory_space<vmem>>) target_semaphore(%arg20 : memref<!tpu.dma_semaphore, #tpu.memory_space<semaphore_mem>>)
      } else {
      }
      %dma_wait3A_90 = arith.constant 0 : i32
      %dma_wait3A_91 = tpu.memref_slice %arg2[%dma_wait3A_90] : memref<320000xi32, #tpu.memory_space<hbm>> -> memref<3200xi32, #tpu.memory_space<hbm>>
      %dma_wait3A_92 = arith.constant 0 : i32
      %dma_wait3A_93 = tpu.memref_slice %arg2[%dma_wait3A_92] : memref<320000xi32, #tpu.memory_space<hbm>> -> memref<3200xi32, #tpu.memory_space<hbm>>
      tpu.wait_dma2 semaphore(%arg21 : memref<!tpu.dma_semaphore, #tpu.memory_space<semaphore_mem>>) src(%dma_wait3A_93 : memref<3200xi32, #tpu.memory_space<hbm>>) dst(%arg18 : memref<3200xi32, #tpu.memory_space<vmem>>)
      %dma_wait3A_94 = arith.constant 0 : i32
      %dma_wait3A_95 = tpu.memref_slice %arg3[%dma_wait3A_94] : memref<320000xi32, #tpu.memory_space<hbm>> -> memref<3200xi32, #tpu.memory_space<hbm>>
      %dma_wait3A_96 = arith.constant 0 : i32
      %dma_wait3A_97 = tpu.memref_slice %arg3[%dma_wait3A_96] : memref<320000xi32, #tpu.memory_space<hbm>> -> memref<3200xi32, #tpu.memory_space<hbm>>
      tpu.wait_dma2 semaphore(%arg21 : memref<!tpu.dma_semaphore, #tpu.memory_space<semaphore_mem>>) src(%dma_wait3A_97 : memref<3200xi32, #tpu.memory_space<hbm>>) dst(%arg19 : memref<3200xi32, #tpu.memory_space<vmem>>)
      %parallel_loop3A_98 = arith.constant 0 : i32
      %parallel_loop3A_99 = arith.constant 200 : i32
      %parallel_loop3A_100 = arith.constant 1 : i32
      scf.for %parallel_loop3A_102 = %parallel_loop3A_98 to %parallel_loop3A_99 step %parallel_loop3A_100  : i32 {
        %parallel_loop3A_103 = arith.constant 16 : i32
        %parallel_loop3A_104 = arith.muli %parallel_loop3A_102, %parallel_loop3A_103 : i32
        %parallel_loop3A_105 = arith.index_cast %parallel_loop3A_104 : i32 to index
        %parallel_loop3A_106 = tpu.vector_load %arg18[%parallel_loop3A_105] {strides = array<i32>} : memref<3200xi32, #tpu.memory_space<vmem>>, vector<16xi32>,
        %parallel_loop3A_107 = arith.index_cast %parallel_loop3A_104 : i32 to index
        %parallel_loop3A_108 = tpu.vector_load %arg19[%parallel_loop3A_107] {strides = array<i32>} : memref<3200xi32, #tpu.memory_space<vmem>>, vector<16xi32>,
        %parallel_loop3A_109 = tpu.vector_load_idx %arg13[%broadcast_in_dim3A_21, %parallel_loop3A_106] : memref<1x10240xf32, #tpu.memory_space<vmem>>[vector<16xi32>, vector<16xi32>], vector<16xf32>,
        %parallel_loop3A_110 = tpu.vector_load_idx %arg14[%broadcast_in_dim3A_21, %parallel_loop3A_108] : memref<1x10240xf32, #tpu.memory_space<vmem>>[vector<16xi32>, vector<16xi32>], vector<16xf32>,
        %parallel_loop3A_111 = arith.addf %parallel_loop3A_109, %parallel_loop3A_110 : vector<16xf32>
        %parallel_loop3A_112 = arith.constant 2.000000e-01 : f32
        %parallel_loop3A_113 = vector.broadcast %parallel_loop3A_112 : f32 to vector<16xf32>
        %parallel_loop3A_114 = arith.mulf %parallel_loop3A_113, %parallel_loop3A_111 : vector<16xf32>
        %parallel_loop3A_115 = arith.maximumf %parallel_loop3A_111, %parallel_loop3A_114 : vector<16xf32>
        %parallel_loop3A_116 = math.exp %parallel_loop3A_115 : vector<16xf32>
        tpu.vector_store_idx %arg15[%broadcast_in_dim3A_21, %parallel_loop3A_108], %parallel_loop3A_116 {add = true} : memref<1x10240xf32, #tpu.memory_space<vmem>>[vector<16xi32>, vector<16xi32>], vector<16xf32>,
        %parallel_loop3A_117 = tpu.vector_load_idx %arg11[%broadcast_in_dim3A_21, %parallel_loop3A_106] : memref<4x10240xf32, #tpu.memory_space<vmem>>[vector<16xi32>, vector<16xi32>], vector<16xf32>,
        %parallel_loop3A_118 = arith.mulf %parallel_loop3A_117, %parallel_loop3A_116 : vector<16xf32>
        tpu.vector_store_idx %arg12[%broadcast_in_dim3A_21, %parallel_loop3A_108], %parallel_loop3A_118 {add = true} : memref<4x10240xf32, #tpu.memory_space<vmem>>[vector<16xi32>, vector<16xi32>], vector<16xf32>,
        %parallel_loop3A_119 = tpu.vector_load_idx %arg11[%broadcast_in_dim3A_23, %parallel_loop3A_106] : memref<4x10240xf32, #tpu.memory_space<vmem>>[vector<16xi32>, vector<16xi32>], vector<16xf32>,
        %parallel_loop3A_120 = arith.mulf %parallel_loop3A_119, %parallel_loop3A_116 : vector<16xf32>
        tpu.vector_store_idx %arg12[%broadcast_in_dim3A_23, %parallel_loop3A_108], %parallel_loop3A_120 {add = true} : memref<4x10240xf32, #tpu.memory_space<vmem>>[vector<16xi32>, vector<16xi32>], vector<16xf32>,
        %parallel_loop3A_121 = tpu.vector_load_idx %arg11[%broadcast_in_dim3A_25, %parallel_loop3A_106] : memref<4x10240xf32, #tpu.memory_space<vmem>>[vector<16xi32>, vector<16xi32>], vector<16xf32>,
        %parallel_loop3A_122 = arith.mulf %parallel_loop3A_121, %parallel_loop3A_116 : vector<16xf32>
        tpu.vector_store_idx %arg12[%broadcast_in_dim3A_25, %parallel_loop3A_108], %parallel_loop3A_122 {add = true} : memref<4x10240xf32, #tpu.memory_space<vmem>>[vector<16xi32>, vector<16xi32>], vector<16xf32>,
        %parallel_loop3A_123 = tpu.vector_load_idx %arg11[%broadcast_in_dim3A_27, %parallel_loop3A_106] : memref<4x10240xf32, #tpu.memory_space<vmem>>[vector<16xi32>, vector<16xi32>], vector<16xf32>,
        %parallel_loop3A_124 = arith.mulf %parallel_loop3A_123, %parallel_loop3A_116 : vector<16xf32>
        tpu.vector_store_idx %arg12[%broadcast_in_dim3A_27, %parallel_loop3A_108], %parallel_loop3A_124 {add = true} : memref<4x10240xf32, #tpu.memory_space<vmem>>[vector<16xi32>, vector<16xi32>], vector<16xf32>,
      } {sc.loop_unroll_factor = 8 : i64, sc.parallel_access}
      %scan3A_101 = arith.constant 0 : i32
      scf.yield %scan3A_101 : i32
    }
    %scan3A_40 = arith.constant 50 : i32
    %mul3A_41 = arith.constant 4 : i32
    %mul3A_42 = arith.muli %mul3A_41, %add3A : i32
    "tpu.region"() ({
      %run_scoped3A = tpu.sem_alloc : memref<!tpu.dma_semaphore, #tpu.memory_space<semaphore_mem>>
      %dma_start3A_60 = arith.constant 0 : i32
      %dma_start3A_61 = tpu.memref_slice %arg9[%mul3A_42, %dma_start3A_60] : memref<128x10240xf32, #tpu.memory_space<hbm>> -> memref<4x10240xf32, #tpu.memory_space<hbm>>
      %dma_start3A_62 = arith.constant 0 : i32
      %dma_start3A_63 = tpu.memref_slice %arg9[%mul3A_42, %dma_start3A_62] : memref<128x10240xf32, #tpu.memory_space<hbm>> -> memref<4x10240xf32, #tpu.memory_space<hbm>>
      tpu.enqueue_dma source(%arg12 : memref<4x10240xf32, #tpu.memory_space<vmem>>) target(%dma_start3A_63 : memref<4x10240xf32, #tpu.memory_space<hbm>>) target_semaphore(%run_scoped3A : memref<!tpu.dma_semaphore, #tpu.memory_space<semaphore_mem>>)
      %dma_wait3A = arith.constant 0 : i32
      %dma_wait3A_64 = tpu.memref_slice %arg9[%mul3A_42, %dma_wait3A] : memref<128x10240xf32, #tpu.memory_space<hbm>> -> memref<4x10240xf32, #tpu.memory_space<hbm>>
      %dma_wait3A_65 = arith.constant 0 : i32
      %dma_wait3A_66 = tpu.memref_slice %arg9[%mul3A_42, %dma_wait3A_65] : memref<128x10240xf32, #tpu.memory_space<hbm>> -> memref<4x10240xf32, #tpu.memory_space<hbm>>
      tpu.wait_dma2 semaphore(%run_scoped3A : memref<!tpu.dma_semaphore, #tpu.memory_space<semaphore_mem>>) src(%arg12 : memref<4x10240xf32, #tpu.memory_space<vmem>>) dst(%dma_wait3A_66 : memref<4x10240xf32, #tpu.memory_space<hbm>>)
      tpu.yield
    }) : () -> ()
    %jit3A_43 = arith.constant 8 : i32
    %eq3A = arith.constant 0 : i32
    %eq3A_44 = arith.cmpi eq, %jit3A_43, %eq3A : i32
    %jit3A_45 = arith.constant 1 : i32
    %select_n3A_46 = arith.select %eq3A_44, %jit3A_45, %jit3A_43 : i32
    %rem3A_47 = arith.remsi %add3A, %select_n3A_46 : i32
    %ne3A_48 = arith.constant 0 : i32
    %ne3A_49 = arith.cmpi ne, %rem3A_47, %ne3A_48 : i32
    %lt3A = arith.constant 0 : i32
    %lt3A_50 = arith.cmpi slt, %rem3A_47, %lt3A : i32
    %lt3A_51 = arith.constant 0 : i32
    %lt3A_52 = arith.cmpi slt, %select_n3A_46, %lt3A_51 : i32
    %ne3A_53 = arith.xori %lt3A_50, %lt3A_52 : i1
    %and3A_54 = arith.andi %ne3A_53, %ne3A_49 : i1
    %add3A_55 = arith.addi %rem3A_47, %select_n3A_46 : i32
    %select_n3A_56 = arith.select %and3A_54, %add3A_55, %rem3A_47 : i32
    %eq3A_57 = arith.constant 0 : i32
    %eq3A_58 = arith.cmpi eq, %select_n3A_56, %eq3A_57 : i32
    %convert_element_type3A = arith.extui %eq3A_58 : i1 to i32
    %cond3A = arith.constant 0 : i32
    %cond3A_59 = arith.cmpi ne, %convert_element_type3A, %cond3A : i32
    scf.if %cond3A_59 {
      "tpu.region"() ({
        %run_scoped3A = tpu.sem_alloc : memref<!tpu.dma_semaphore, #tpu.memory_space<semaphore_mem>>
        %dma_start3A_60 = arith.constant 0 : i32
        %dma_start3A_61 = tpu.memref_slice %arg10[%select_n3A, %dma_start3A_60] : memref<4x10240xf32, #tpu.memory_space<hbm>> -> memref<1x10240xf32, #tpu.memory_space<hbm>>
        %dma_start3A_62 = arith.constant 0 : i32
        %dma_start3A_63 = tpu.memref_slice %arg10[%select_n3A, %dma_start3A_62] : memref<4x10240xf32, #tpu.memory_space<hbm>> -> memref<1x10240xf32, #tpu.memory_space<hbm>>
        tpu.enqueue_dma source(%arg15 : memref<1x10240xf32, #tpu.memory_space<vmem>>) target(%dma_start3A_63 : memref<1x10240xf32, #tpu.memory_space<hbm>>) target_semaphore(%run_scoped3A : memref<!tpu.dma_semaphore, #tpu.memory_space<semaphore_mem>>)
        %dma_wait3A = arith.constant 0 : i32
        %dma_wait3A_64 = tpu.memref_slice %arg10[%select_n3A, %dma_wait3A] : memref<4x10240xf32, #tpu.memory_space<hbm>> -> memref<1x10240xf32, #tpu.memory_space<hbm>>
        %dma_wait3A_65 = arith.constant 0 : i32
        %dma_wait3A_66 = tpu.memref_slice %arg10[%select_n3A, %dma_wait3A_65] : memref<4x10240xf32, #tpu.memory_space<hbm>> -> memref<1x10240xf32, #tpu.memory_space<hbm>>
        tpu.wait_dma2 semaphore(%run_scoped3A : memref<!tpu.dma_semaphore, #tpu.memory_space<semaphore_mem>>) src(%arg15 : memref<1x10240xf32, #tpu.memory_space<vmem>>) dst(%dma_wait3A_66 : memref<1x10240xf32, #tpu.memory_space<hbm>>)
        tpu.yield
      }) : () -> ()
    } else {
    }
    return
  }
}

#map = affine_map<(d0, d1) -> (0)>
#map1 = affine_map<(d0, d1) -> (0, 0)>
#map2 = affine_map<(d0, d1) -> (0, 0, 0)>
module attributes {stable_mosaic.version = 14 : i64} {
  func.func @k(%arg0: i32, %arg1: i32, %arg2: memref<320000xi32, #tpu.memory_space<hbm>>, %arg3: memref<320000xi32, #tpu.memory_space<hbm>>, %arg4: memref<1x10240xf32, #tpu.memory_space<hbm>>, %arg5: memref<1x10240xf32, #tpu.memory_space<hbm>>, %arg6: memref<32x10240xf32, #tpu.memory_space<hbm>>, %arg7: memref<32x10240xf32, #tpu.memory_space<hbm>>, %arg8: memref<1x10240xf32, #tpu.memory_space<hbm>>, %arg9: memref<2x32x10240xf32, #tpu.memory_space<hbm>>, %arg10: memref<2x10240xf32, #tpu.memory_space<hbm>>, %arg11: memref<2x10240xf32, #tpu.memory_space<vmem>>, %arg12: memref<2x10240xf32, #tpu.memory_space<vmem>>, %arg13: memref<1x10240xf32, #tpu.memory_space<vmem>>, %arg14: memref<1x10240xf32, #tpu.memory_space<vmem>>, %arg15: memref<1x10240xf32, #tpu.memory_space<vmem>>, %arg16: memref<3200xi32, #tpu.memory_space<vmem>>, %arg17: memref<3200xi32, #tpu.memory_space<vmem>>, %arg18: memref<3200xi32, #tpu.memory_space<vmem>>, %arg19: memref<3200xi32, #tpu.memory_space<vmem>>, %arg20: memref<!tpu.dma_semaphore, #tpu.memory_space<semaphore_mem>>, %arg21: memref<!tpu.dma_semaphore, #tpu.memory_space<semaphore_mem>>) attributes {dimension_semantics = [#tpu.dimension_semantics<core_parallel>, #tpu.dimension_semantics<subcore_parallel>], iteration_bounds = array<i64: 2, 16>, scalar_prefetch = 0 : i64, scratch_operands = 11 : i64, tpu.core_type = #tpu.core_type<sc_vector_subcore>, window_params = [{transform_indices = #map}, {transform_indices = #map}, {transform_indices = #map1}, {transform_indices = #map1}, {transform_indices = #map1}, {transform_indices = #map1}, {transform_indices = #map1}, {transform_indices = #map2}, {transform_indices = #map1}]} {
    %mul3A = arith.constant 2 : i32
    %mul3A_0 = arith.muli %arg1, %mul3A : i32
    %add3A = arith.addi %mul3A_0, %arg0 : i32
    %jit3A = arith.constant 16 : i32
    %div3A = arith.divsi %add3A, %jit3A : i32
    %sign3A = arith.constant 0 : i32
    %sign3A_1 = arith.cmpi sgt, %add3A, %sign3A : i32
    %sign3A_2 = arith.extui %sign3A_1 : i1 to i32
    %sign3A_3 = arith.constant 0 : i32
    %sign3A_4 = arith.cmpi slt, %add3A, %sign3A_3 : i32
    %sign3A_5 = arith.extui %sign3A_4 : i1 to i32
    %sign3A_6 = arith.subi %sign3A_2, %sign3A_5 : i32
    %sign3A_7 = arith.constant 0 : i32
    %sign3A_8 = arith.cmpi sgt, %jit3A, %sign3A_7 : i32
    %sign3A_9 = arith.extui %sign3A_8 : i1 to i32
    %sign3A_10 = arith.constant 0 : i32
    %sign3A_11 = arith.cmpi slt, %jit3A, %sign3A_10 : i32
    %sign3A_12 = arith.extui %sign3A_11 : i1 to i32
    %sign3A_13 = arith.subi %sign3A_9, %sign3A_12 : i32
    %ne3A = arith.cmpi ne, %sign3A_6, %sign3A_13 : i32
    %rem3A = arith.remsi %add3A, %jit3A : i32
    %ne3A_14 = arith.constant 0 : i32
    %ne3A_15 = arith.cmpi ne, %rem3A, %ne3A_14 : i32
    %and3A = arith.andi %ne3A, %ne3A_15 : i1
    %sub3A = arith.constant 1 : i32
    %sub3A_16 = arith.subi %div3A, %sub3A : i32
    %select_n3A = arith.select %and3A, %sub3A_16, %div3A : i32
    %jit3A_17 = arith.constant 16 : i32
    %eq3A = arith.constant 0 : i32
    %eq3A_18 = arith.cmpi eq, %jit3A_17, %eq3A : i32
    %jit3A_19 = arith.constant 1 : i32
    %select_n3A_20 = arith.select %eq3A_18, %jit3A_19, %jit3A_17 : i32
    %rem3A_21 = arith.remsi %add3A, %select_n3A_20 : i32
    %ne3A_22 = arith.constant 0 : i32
    %ne3A_23 = arith.cmpi ne, %rem3A_21, %ne3A_22 : i32
    %lt3A = arith.constant 0 : i32
    %lt3A_24 = arith.cmpi slt, %rem3A_21, %lt3A : i32
    %lt3A_25 = arith.constant 0 : i32
    %lt3A_26 = arith.cmpi slt, %select_n3A_20, %lt3A_25 : i32
    %ne3A_27 = arith.xori %lt3A_24, %lt3A_26 : i1
    %and3A_28 = arith.andi %ne3A_27, %ne3A_23 : i1
    %add3A_29 = arith.addi %rem3A_21, %select_n3A_20 : i32
    %select_n3A_30 = arith.select %and3A_28, %add3A_29, %rem3A_21 : i32
    %mul3A_31 = arith.constant 160000 : i32
    %mul3A_32 = arith.muli %select_n3A, %mul3A_31 : i32
    %mul3A_33 = arith.constant 2 : i32
    %mul3A_34 = arith.muli %mul3A_33, %select_n3A_30 : i32
    "tpu.region"() ({
      %run_scoped3A = tpu.sem_alloc : memref<!tpu.dma_semaphore, #tpu.memory_space<semaphore_mem>>
      %dma_start3A_66 = arith.constant 0 : i32
      %dma_start3A_67 = tpu.memref_slice %arg6[%mul3A_34, %dma_start3A_66] : memref<32x10240xf32, #tpu.memory_space<hbm>> -> memref<2x10240xf32, #tpu.memory_space<hbm>>
      %dma_start3A_68 = arith.constant 0 : i32
      %dma_start3A_69 = tpu.memref_slice %arg6[%mul3A_34, %dma_start3A_68] : memref<32x10240xf32, #tpu.memory_space<hbm>> -> memref<2x10240xf32, #tpu.memory_space<hbm>>
      tpu.enqueue_dma source(%dma_start3A_69 : memref<2x10240xf32, #tpu.memory_space<hbm>>) target(%arg11 : memref<2x10240xf32, #tpu.memory_space<vmem>>) target_semaphore(%run_scoped3A : memref<!tpu.dma_semaphore, #tpu.memory_space<semaphore_mem>>)
      %dma_wait3A = arith.constant 0 : i32
      %dma_wait3A_70 = tpu.memref_slice %arg6[%mul3A_34, %dma_wait3A] : memref<32x10240xf32, #tpu.memory_space<hbm>> -> memref<2x10240xf32, #tpu.memory_space<hbm>>
      %dma_wait3A_71 = arith.constant 0 : i32
      %dma_wait3A_72 = tpu.memref_slice %arg6[%mul3A_34, %dma_wait3A_71] : memref<32x10240xf32, #tpu.memory_space<hbm>> -> memref<2x10240xf32, #tpu.memory_space<hbm>>
      tpu.wait_dma2 semaphore(%run_scoped3A : memref<!tpu.dma_semaphore, #tpu.memory_space<semaphore_mem>>) src(%dma_wait3A_72 : memref<2x10240xf32, #tpu.memory_space<hbm>>) dst(%arg11 : memref<2x10240xf32, #tpu.memory_space<vmem>>)
      tpu.yield
    }) : () -> ()
    "tpu.region"() ({
      %run_scoped3A = tpu.sem_alloc : memref<!tpu.dma_semaphore, #tpu.memory_space<semaphore_mem>>
      tpu.enqueue_dma source(%arg4 : memref<1x10240xf32, #tpu.memory_space<hbm>>) target(%arg13 : memref<1x10240xf32, #tpu.memory_space<vmem>>) target_semaphore(%run_scoped3A : memref<!tpu.dma_semaphore, #tpu.memory_space<semaphore_mem>>)
      tpu.wait_dma2 semaphore(%run_scoped3A : memref<!tpu.dma_semaphore, #tpu.memory_space<semaphore_mem>>) src(%arg4 : memref<1x10240xf32, #tpu.memory_space<hbm>>) dst(%arg13 : memref<1x10240xf32, #tpu.memory_space<vmem>>)
      tpu.yield
    }) : () -> ()
    "tpu.region"() ({
      %run_scoped3A = tpu.sem_alloc : memref<!tpu.dma_semaphore, #tpu.memory_space<semaphore_mem>>
      tpu.enqueue_dma source(%arg5 : memref<1x10240xf32, #tpu.memory_space<hbm>>) target(%arg14 : memref<1x10240xf32, #tpu.memory_space<vmem>>) target_semaphore(%run_scoped3A : memref<!tpu.dma_semaphore, #tpu.memory_space<semaphore_mem>>)
      tpu.wait_dma2 semaphore(%run_scoped3A : memref<!tpu.dma_semaphore, #tpu.memory_space<semaphore_mem>>) src(%arg5 : memref<1x10240xf32, #tpu.memory_space<hbm>>) dst(%arg14 : memref<1x10240xf32, #tpu.memory_space<vmem>>)
      tpu.yield
    }) : () -> ()
    %eq3A_35 = arith.constant 0 : i32
    %eq3A_36 = arith.cmpi eq, %select_n3A, %eq3A_35 : i32
    %convert_element_type3A = arith.extui %eq3A_36 : i1 to i32
    %cond3A = arith.constant 0 : i32
    %cond3A_37 = arith.cmpi ne, %convert_element_type3A, %cond3A : i32
    scf.if %cond3A_37 {
      %mul3A_66 = arith.constant 2 : i32
      %mul3A_67 = arith.muli %mul3A_66, %select_n3A_30 : i32
      "tpu.region"() ({
        %run_scoped3A = tpu.sem_alloc : memref<!tpu.dma_semaphore, #tpu.memory_space<semaphore_mem>>
        %dma_start3A_68 = arith.constant 0 : i32
        %dma_start3A_69 = tpu.memref_slice %arg7[%mul3A_67, %dma_start3A_68] : memref<32x10240xf32, #tpu.memory_space<hbm>> -> memref<2x10240xf32, #tpu.memory_space<hbm>>
        %dma_start3A_70 = arith.constant 0 : i32
        %dma_start3A_71 = tpu.memref_slice %arg7[%mul3A_67, %dma_start3A_70] : memref<32x10240xf32, #tpu.memory_space<hbm>> -> memref<2x10240xf32, #tpu.memory_space<hbm>>
        tpu.enqueue_dma source(%dma_start3A_71 : memref<2x10240xf32, #tpu.memory_space<hbm>>) target(%arg12 : memref<2x10240xf32, #tpu.memory_space<vmem>>) target_semaphore(%run_scoped3A : memref<!tpu.dma_semaphore, #tpu.memory_space<semaphore_mem>>)
        %dma_wait3A = arith.constant 0 : i32
        %dma_wait3A_72 = tpu.memref_slice %arg7[%mul3A_67, %dma_wait3A] : memref<32x10240xf32, #tpu.memory_space<hbm>> -> memref<2x10240xf32, #tpu.memory_space<hbm>>
        %dma_wait3A_73 = arith.constant 0 : i32
        %dma_wait3A_74 = tpu.memref_slice %arg7[%mul3A_67, %dma_wait3A_73] : memref<32x10240xf32, #tpu.memory_space<hbm>> -> memref<2x10240xf32, #tpu.memory_space<hbm>>
        tpu.wait_dma2 semaphore(%run_scoped3A : memref<!tpu.dma_semaphore, #tpu.memory_space<semaphore_mem>>) src(%dma_wait3A_74 : memref<2x10240xf32, #tpu.memory_space<hbm>>) dst(%arg12 : memref<2x10240xf32, #tpu.memory_space<vmem>>)
        tpu.yield
      }) : () -> ()
      "tpu.region"() ({
        %run_scoped3A = tpu.sem_alloc : memref<!tpu.dma_semaphore, #tpu.memory_space<semaphore_mem>>
        tpu.enqueue_dma source(%arg8 : memref<1x10240xf32, #tpu.memory_space<hbm>>) target(%arg15 : memref<1x10240xf32, #tpu.memory_space<vmem>>) target_semaphore(%run_scoped3A : memref<!tpu.dma_semaphore, #tpu.memory_space<semaphore_mem>>)
        tpu.wait_dma2 semaphore(%run_scoped3A : memref<!tpu.dma_semaphore, #tpu.memory_space<semaphore_mem>>) src(%arg8 : memref<1x10240xf32, #tpu.memory_space<hbm>>) dst(%arg15 : memref<1x10240xf32, #tpu.memory_space<vmem>>)
        tpu.yield
      }) : () -> ()
    } else {
    }
    %eq3A_38 = arith.constant 1 : i32
    %eq3A_39 = arith.cmpi eq, %select_n3A, %eq3A_38 : i32
    %convert_element_type3A_40 = arith.extui %eq3A_39 : i1 to i32
    %cond3A_41 = arith.constant 0 : i32
    %cond3A_42 = arith.cmpi ne, %convert_element_type3A_40, %cond3A_41 : i32
    scf.if %cond3A_42 {
      %broadcast_in_dim3A_66 = arith.constant 0.000000e+00 : f32
      %broadcast_in_dim3A_67 = vector.broadcast %broadcast_in_dim3A_66 : f32 to vector<16xf32>
      %scan3A_68 = arith.constant 0 : i32
      %scan3A_69 = arith.constant 0 : i32
      %scan3A_70 = arith.constant 640 : i32
      %scan3A_71 = arith.addi %scan3A_69, %scan3A_70 : i32
      %scan3A_72 = arith.constant 1 : i32
      %scan3A_73 = scf.for %scan3A_75 = %scan3A_69 to %scan3A_71 step %scan3A_72 iter_args(%scan3A_76 = %scan3A_68) -> (i32)  : i32 {
        %mul3A_77 = arith.constant 16 : i32
        %mul3A_78 = arith.muli %scan3A_75, %mul3A_77 : i32
        %swap3A = arith.constant 0 : i32
        %swap3A_79 = arith.index_cast %swap3A : i32 to index
        %swap3A_80 = arith.index_cast %mul3A_78 : i32 to index
        %swap3A_81 = tpu.vector_load %arg12[%swap3A_79, %swap3A_80] {strides = array<i32>} : memref<2x10240xf32, #tpu.memory_space<vmem>>, vector<16xf32>,
        tpu.vector_store %arg12[%swap3A_79, %swap3A_80], %broadcast_in_dim3A_67 {strides = array<i32>} : memref<2x10240xf32, #tpu.memory_space<vmem>>, vector<16xf32>,
        %mul3A_82 = arith.constant 16 : i32
        %mul3A_83 = arith.muli %scan3A_75, %mul3A_82 : i32
        %swap3A_84 = arith.constant 1 : i32
        %swap3A_85 = arith.index_cast %swap3A_84 : i32 to index
        %swap3A_86 = arith.index_cast %mul3A_83 : i32 to index
        %swap3A_87 = tpu.vector_load %arg12[%swap3A_85, %swap3A_86] {strides = array<i32>} : memref<2x10240xf32, #tpu.memory_space<vmem>>, vector<16xf32>,
        tpu.vector_store %arg12[%swap3A_85, %swap3A_86], %broadcast_in_dim3A_67 {strides = array<i32>} : memref<2x10240xf32, #tpu.memory_space<vmem>>, vector<16xf32>,
        %mul3A_88 = arith.constant 16 : i32
        %mul3A_89 = arith.muli %scan3A_75, %mul3A_88 : i32
        %swap3A_90 = arith.constant 0 : i32
        %swap3A_91 = arith.index_cast %swap3A_90 : i32 to index
        %swap3A_92 = arith.index_cast %mul3A_89 : i32 to index
        %swap3A_93 = tpu.vector_load %arg15[%swap3A_91, %swap3A_92] {strides = array<i32>} : memref<1x10240xf32, #tpu.memory_space<vmem>>, vector<16xf32>,
        tpu.vector_store %arg15[%swap3A_91, %swap3A_92], %broadcast_in_dim3A_67 {strides = array<i32>} : memref<1x10240xf32, #tpu.memory_space<vmem>>, vector<16xf32>,
        %scan3A_94 = arith.constant 0 : i32
        scf.yield %scan3A_94 : i32
      }
      %scan3A_74 = arith.constant 640 : i32
    } else {
    }
    %broadcast_in_dim3A = arith.constant 0 : i32
    %broadcast_in_dim3A_43 = vector.broadcast %broadcast_in_dim3A : i32 to vector<16xi32>
    %broadcast_in_dim3A_44 = arith.constant 1 : i32
    %broadcast_in_dim3A_45 = vector.broadcast %broadcast_in_dim3A_44 : i32 to vector<16xi32>
    %add3A_46 = arith.constant 0 : i32
    %add3A_47 = arith.addi %mul3A_32, %add3A_46 : i32
    %dma_start3A = tpu.memref_slice %arg2[%add3A_47] : memref<320000xi32, #tpu.memory_space<hbm>> -> memref<3200xi32, #tpu.memory_space<hbm>>
    %dma_start3A_48 = tpu.memref_slice %arg2[%add3A_47] : memref<320000xi32, #tpu.memory_space<hbm>> -> memref<3200xi32, #tpu.memory_space<hbm>>
    tpu.enqueue_dma source(%dma_start3A_48 : memref<3200xi32, #tpu.memory_space<hbm>>) target(%arg16 : memref<3200xi32, #tpu.memory_space<vmem>>) target_semaphore(%arg20 : memref<!tpu.dma_semaphore, #tpu.memory_space<semaphore_mem>>)
    %add3A_49 = arith.constant 0 : i32
    %add3A_50 = arith.addi %mul3A_32, %add3A_49 : i32
    %dma_start3A_51 = tpu.memref_slice %arg3[%add3A_50] : memref<320000xi32, #tpu.memory_space<hbm>> -> memref<3200xi32, #tpu.memory_space<hbm>>
    %dma_start3A_52 = tpu.memref_slice %arg3[%add3A_50] : memref<320000xi32, #tpu.memory_space<hbm>> -> memref<3200xi32, #tpu.memory_space<hbm>>
    tpu.enqueue_dma source(%dma_start3A_52 : memref<3200xi32, #tpu.memory_space<hbm>>) target(%arg17 : memref<3200xi32, #tpu.memory_space<vmem>>) target_semaphore(%arg20 : memref<!tpu.dma_semaphore, #tpu.memory_space<semaphore_mem>>)
    %scan3A = arith.constant 0 : i32
    %scan3A_53 = arith.constant 0 : i32
    %scan3A_54 = arith.constant 25 : i32
    %scan3A_55 = arith.addi %scan3A_53, %scan3A_54 : i32
    %scan3A_56 = arith.constant 1 : i32
    %scan3A_57 = scf.for %scan3A_66 = %scan3A_53 to %scan3A_55 step %scan3A_56 iter_args(%scan3A_67 = %scan3A) -> (i32)  : i32 {
      %mul3A_68 = arith.constant 2 : i32
      %mul3A_69 = arith.muli %mul3A_68, %scan3A_66 : i32
      %add3A_70 = arith.constant 1 : i32
      %add3A_71 = arith.addi %mul3A_69, %add3A_70 : i32
      %mul3A_72 = arith.constant 3200 : i32
      %mul3A_73 = arith.muli %add3A_71, %mul3A_72 : i32
      %add3A_74 = arith.addi %mul3A_32, %mul3A_73 : i32
      %dma_start3A_75 = tpu.memref_slice %arg2[%add3A_74] : memref<320000xi32, #tpu.memory_space<hbm>> -> memref<3200xi32, #tpu.memory_space<hbm>>
      %dma_start3A_76 = tpu.memref_slice %arg2[%add3A_74] : memref<320000xi32, #tpu.memory_space<hbm>> -> memref<3200xi32, #tpu.memory_space<hbm>>
      tpu.enqueue_dma source(%dma_start3A_76 : memref<3200xi32, #tpu.memory_space<hbm>>) target(%arg18 : memref<3200xi32, #tpu.memory_space<vmem>>) target_semaphore(%arg21 : memref<!tpu.dma_semaphore, #tpu.memory_space<semaphore_mem>>)
      %mul3A_77 = arith.constant 3200 : i32
      %mul3A_78 = arith.muli %add3A_71, %mul3A_77 : i32
      %add3A_79 = arith.addi %mul3A_32, %mul3A_78 : i32
      %dma_start3A_80 = tpu.memref_slice %arg3[%add3A_79] : memref<320000xi32, #tpu.memory_space<hbm>> -> memref<3200xi32, #tpu.memory_space<hbm>>
      %dma_start3A_81 = tpu.memref_slice %arg3[%add3A_79] : memref<320000xi32, #tpu.memory_space<hbm>> -> memref<3200xi32, #tpu.memory_space<hbm>>
      tpu.enqueue_dma source(%dma_start3A_81 : memref<3200xi32, #tpu.memory_space<hbm>>) target(%arg19 : memref<3200xi32, #tpu.memory_space<vmem>>) target_semaphore(%arg21 : memref<!tpu.dma_semaphore, #tpu.memory_space<semaphore_mem>>)
      %dma_wait3A = arith.constant 0 : i32
      %dma_wait3A_82 = tpu.memref_slice %arg2[%dma_wait3A] : memref<320000xi32, #tpu.memory_space<hbm>> -> memref<3200xi32, #tpu.memory_space<hbm>>
      %dma_wait3A_83 = arith.constant 0 : i32
      %dma_wait3A_84 = tpu.memref_slice %arg2[%dma_wait3A_83] : memref<320000xi32, #tpu.memory_space<hbm>> -> memref<3200xi32, #tpu.memory_space<hbm>>
      tpu.wait_dma2 semaphore(%arg20 : memref<!tpu.dma_semaphore, #tpu.memory_space<semaphore_mem>>) src(%dma_wait3A_84 : memref<3200xi32, #tpu.memory_space<hbm>>) dst(%arg16 : memref<3200xi32, #tpu.memory_space<vmem>>)
      %dma_wait3A_85 = arith.constant 0 : i32
      %dma_wait3A_86 = tpu.memref_slice %arg3[%dma_wait3A_85] : memref<320000xi32, #tpu.memory_space<hbm>> -> memref<3200xi32, #tpu.memory_space<hbm>>
      %dma_wait3A_87 = arith.constant 0 : i32
      %dma_wait3A_88 = tpu.memref_slice %arg3[%dma_wait3A_87] : memref<320000xi32, #tpu.memory_space<hbm>> -> memref<3200xi32, #tpu.memory_space<hbm>>
      tpu.wait_dma2 semaphore(%arg20 : memref<!tpu.dma_semaphore, #tpu.memory_space<semaphore_mem>>) src(%dma_wait3A_88 : memref<3200xi32, #tpu.memory_space<hbm>>) dst(%arg17 : memref<3200xi32, #tpu.memory_space<vmem>>)
      %parallel_loop3A = arith.constant 0 : i32
      %parallel_loop3A_89 = arith.constant 200 : i32
      %parallel_loop3A_90 = arith.constant 1 : i32
      scf.for %parallel_loop3A_110 = %parallel_loop3A to %parallel_loop3A_89 step %parallel_loop3A_90  : i32 {
        %parallel_loop3A_111 = arith.constant 16 : i32
        %parallel_loop3A_112 = arith.muli %parallel_loop3A_110, %parallel_loop3A_111 : i32
        %parallel_loop3A_113 = arith.index_cast %parallel_loop3A_112 : i32 to index
        %parallel_loop3A_114 = tpu.vector_load %arg16[%parallel_loop3A_113] {strides = array<i32>} : memref<3200xi32, #tpu.memory_space<vmem>>, vector<16xi32>,
        %parallel_loop3A_115 = arith.index_cast %parallel_loop3A_112 : i32 to index
        %parallel_loop3A_116 = tpu.vector_load %arg17[%parallel_loop3A_115] {strides = array<i32>} : memref<3200xi32, #tpu.memory_space<vmem>>, vector<16xi32>,
        %parallel_loop3A_117 = tpu.vector_load_idx %arg13[%broadcast_in_dim3A_43, %parallel_loop3A_114] : memref<1x10240xf32, #tpu.memory_space<vmem>>[vector<16xi32>, vector<16xi32>], vector<16xf32>,
        %parallel_loop3A_118 = tpu.vector_load_idx %arg14[%broadcast_in_dim3A_43, %parallel_loop3A_116] : memref<1x10240xf32, #tpu.memory_space<vmem>>[vector<16xi32>, vector<16xi32>], vector<16xf32>,
        %parallel_loop3A_119 = arith.addf %parallel_loop3A_117, %parallel_loop3A_118 : vector<16xf32>
        %parallel_loop3A_120 = arith.constant 2.000000e-01 : f32
        %parallel_loop3A_121 = vector.broadcast %parallel_loop3A_120 : f32 to vector<16xf32>
        %parallel_loop3A_122 = arith.mulf %parallel_loop3A_121, %parallel_loop3A_119 : vector<16xf32>
        %parallel_loop3A_123 = arith.maximumf %parallel_loop3A_119, %parallel_loop3A_122 : vector<16xf32>
        %parallel_loop3A_124 = math.exp %parallel_loop3A_123 : vector<16xf32>
        tpu.vector_store_idx %arg15[%broadcast_in_dim3A_43, %parallel_loop3A_116], %parallel_loop3A_124 {add = true} : memref<1x10240xf32, #tpu.memory_space<vmem>>[vector<16xi32>, vector<16xi32>], vector<16xf32>,
        %parallel_loop3A_125 = tpu.vector_load_idx %arg11[%broadcast_in_dim3A_43, %parallel_loop3A_114] : memref<2x10240xf32, #tpu.memory_space<vmem>>[vector<16xi32>, vector<16xi32>], vector<16xf32>,
        %parallel_loop3A_126 = arith.mulf %parallel_loop3A_125, %parallel_loop3A_124 : vector<16xf32>
        tpu.vector_store_idx %arg12[%broadcast_in_dim3A_43, %parallel_loop3A_116], %parallel_loop3A_126 {add = true} : memref<2x10240xf32, #tpu.memory_space<vmem>>[vector<16xi32>, vector<16xi32>], vector<16xf32>,
        %parallel_loop3A_127 = tpu.vector_load_idx %arg11[%broadcast_in_dim3A_45, %parallel_loop3A_114] : memref<2x10240xf32, #tpu.memory_space<vmem>>[vector<16xi32>, vector<16xi32>], vector<16xf32>,
        %parallel_loop3A_128 = arith.mulf %parallel_loop3A_127, %parallel_loop3A_124 : vector<16xf32>
        tpu.vector_store_idx %arg12[%broadcast_in_dim3A_45, %parallel_loop3A_116], %parallel_loop3A_128 {add = true} : memref<2x10240xf32, #tpu.memory_space<vmem>>[vector<16xi32>, vector<16xi32>], vector<16xf32>,
      } {sc.loop_unroll_factor = 8 : i64, sc.parallel_access}
      %add3A_91 = arith.constant 2 : i32
      %add3A_92 = arith.addi %mul3A_69, %add3A_91 : i32
      %lt3A_93 = arith.constant 50 : i32
      %lt3A_94 = arith.cmpi slt, %add3A_92, %lt3A_93 : i32
      %convert_element_type3A_95 = arith.extui %lt3A_94 : i1 to i32
      %cond3A_96 = arith.constant 0 : i32
      %cond3A_97 = arith.cmpi ne, %convert_element_type3A_95, %cond3A_96 : i32
      scf.if %cond3A_97 {
        %add3A_110 = arith.constant 2 : i32
        %add3A_111 = arith.addi %mul3A_69, %add3A_110 : i32
        %mul3A_112 = arith.constant 3200 : i32
        %mul3A_113 = arith.muli %add3A_111, %mul3A_112 : i32
        %add3A_114 = arith.addi %mul3A_32, %mul3A_113 : i32
        %dma_start3A_115 = tpu.memref_slice %arg2[%add3A_114] : memref<320000xi32, #tpu.memory_space<hbm>> -> memref<3200xi32, #tpu.memory_space<hbm>>
        %dma_start3A_116 = tpu.memref_slice %arg2[%add3A_114] : memref<320000xi32, #tpu.memory_space<hbm>> -> memref<3200xi32, #tpu.memory_space<hbm>>
        tpu.enqueue_dma source(%dma_start3A_116 : memref<3200xi32, #tpu.memory_space<hbm>>) target(%arg16 : memref<3200xi32, #tpu.memory_space<vmem>>) target_semaphore(%arg20 : memref<!tpu.dma_semaphore, #tpu.memory_space<semaphore_mem>>)
        %mul3A_117 = arith.constant 3200 : i32
        %mul3A_118 = arith.muli %add3A_111, %mul3A_117 : i32
        %add3A_119 = arith.addi %mul3A_32, %mul3A_118 : i32
        %dma_start3A_120 = tpu.memref_slice %arg3[%add3A_119] : memref<320000xi32, #tpu.memory_space<hbm>> -> memref<3200xi32, #tpu.memory_space<hbm>>
        %dma_start3A_121 = tpu.memref_slice %arg3[%add3A_119] : memref<320000xi32, #tpu.memory_space<hbm>> -> memref<3200xi32, #tpu.memory_space<hbm>>
        tpu.enqueue_dma source(%dma_start3A_121 : memref<3200xi32, #tpu.memory_space<hbm>>) target(%arg17 : memref<3200xi32, #tpu.memory_space<vmem>>) target_semaphore(%arg20 : memref<!tpu.dma_semaphore, #tpu.memory_space<semaphore_mem>>)
      } else {
      }
      %dma_wait3A_98 = arith.constant 0 : i32
      %dma_wait3A_99 = tpu.memref_slice %arg2[%dma_wait3A_98] : memref<320000xi32, #tpu.memory_space<hbm>> -> memref<3200xi32, #tpu.memory_space<hbm>>
      %dma_wait3A_100 = arith.constant 0 : i32
      %dma_wait3A_101 = tpu.memref_slice %arg2[%dma_wait3A_100] : memref<320000xi32, #tpu.memory_space<hbm>> -> memref<3200xi32, #tpu.memory_space<hbm>>
      tpu.wait_dma2 semaphore(%arg21 : memref<!tpu.dma_semaphore, #tpu.memory_space<semaphore_mem>>) src(%dma_wait3A_101 : memref<3200xi32, #tpu.memory_space<hbm>>) dst(%arg18 : memref<3200xi32, #tpu.memory_space<vmem>>)
      %dma_wait3A_102 = arith.constant 0 : i32
      %dma_wait3A_103 = tpu.memref_slice %arg3[%dma_wait3A_102] : memref<320000xi32, #tpu.memory_space<hbm>> -> memref<3200xi32, #tpu.memory_space<hbm>>
      %dma_wait3A_104 = arith.constant 0 : i32
      %dma_wait3A_105 = tpu.memref_slice %arg3[%dma_wait3A_104] : memref<320000xi32, #tpu.memory_space<hbm>> -> memref<3200xi32, #tpu.memory_space<hbm>>
      tpu.wait_dma2 semaphore(%arg21 : memref<!tpu.dma_semaphore, #tpu.memory_space<semaphore_mem>>) src(%dma_wait3A_105 : memref<3200xi32, #tpu.memory_space<hbm>>) dst(%arg19 : memref<3200xi32, #tpu.memory_space<vmem>>)
      %parallel_loop3A_106 = arith.constant 0 : i32
      %parallel_loop3A_107 = arith.constant 200 : i32
      %parallel_loop3A_108 = arith.constant 1 : i32
      scf.for %parallel_loop3A_110 = %parallel_loop3A_106 to %parallel_loop3A_107 step %parallel_loop3A_108  : i32 {
        %parallel_loop3A_111 = arith.constant 16 : i32
        %parallel_loop3A_112 = arith.muli %parallel_loop3A_110, %parallel_loop3A_111 : i32
        %parallel_loop3A_113 = arith.index_cast %parallel_loop3A_112 : i32 to index
        %parallel_loop3A_114 = tpu.vector_load %arg18[%parallel_loop3A_113] {strides = array<i32>} : memref<3200xi32, #tpu.memory_space<vmem>>, vector<16xi32>,
        %parallel_loop3A_115 = arith.index_cast %parallel_loop3A_112 : i32 to index
        %parallel_loop3A_116 = tpu.vector_load %arg19[%parallel_loop3A_115] {strides = array<i32>} : memref<3200xi32, #tpu.memory_space<vmem>>, vector<16xi32>,
        %parallel_loop3A_117 = tpu.vector_load_idx %arg13[%broadcast_in_dim3A_43, %parallel_loop3A_114] : memref<1x10240xf32, #tpu.memory_space<vmem>>[vector<16xi32>, vector<16xi32>], vector<16xf32>,
        %parallel_loop3A_118 = tpu.vector_load_idx %arg14[%broadcast_in_dim3A_43, %parallel_loop3A_116] : memref<1x10240xf32, #tpu.memory_space<vmem>>[vector<16xi32>, vector<16xi32>], vector<16xf32>,
        %parallel_loop3A_119 = arith.addf %parallel_loop3A_117, %parallel_loop3A_118 : vector<16xf32>
        %parallel_loop3A_120 = arith.constant 2.000000e-01 : f32
        %parallel_loop3A_121 = vector.broadcast %parallel_loop3A_120 : f32 to vector<16xf32>
        %parallel_loop3A_122 = arith.mulf %parallel_loop3A_121, %parallel_loop3A_119 : vector<16xf32>
        %parallel_loop3A_123 = arith.maximumf %parallel_loop3A_119, %parallel_loop3A_122 : vector<16xf32>
        %parallel_loop3A_124 = math.exp %parallel_loop3A_123 : vector<16xf32>
        tpu.vector_store_idx %arg15[%broadcast_in_dim3A_43, %parallel_loop3A_116], %parallel_loop3A_124 {add = true} : memref<1x10240xf32, #tpu.memory_space<vmem>>[vector<16xi32>, vector<16xi32>], vector<16xf32>,
        %parallel_loop3A_125 = tpu.vector_load_idx %arg11[%broadcast_in_dim3A_43, %parallel_loop3A_114] : memref<2x10240xf32, #tpu.memory_space<vmem>>[vector<16xi32>, vector<16xi32>], vector<16xf32>,
        %parallel_loop3A_126 = arith.mulf %parallel_loop3A_125, %parallel_loop3A_124 : vector<16xf32>
        tpu.vector_store_idx %arg12[%broadcast_in_dim3A_43, %parallel_loop3A_116], %parallel_loop3A_126 {add = true} : memref<2x10240xf32, #tpu.memory_space<vmem>>[vector<16xi32>, vector<16xi32>], vector<16xf32>,
        %parallel_loop3A_127 = tpu.vector_load_idx %arg11[%broadcast_in_dim3A_45, %parallel_loop3A_114] : memref<2x10240xf32, #tpu.memory_space<vmem>>[vector<16xi32>, vector<16xi32>], vector<16xf32>,
        %parallel_loop3A_128 = arith.mulf %parallel_loop3A_127, %parallel_loop3A_124 : vector<16xf32>
        tpu.vector_store_idx %arg12[%broadcast_in_dim3A_45, %parallel_loop3A_116], %parallel_loop3A_128 {add = true} : memref<2x10240xf32, #tpu.memory_space<vmem>>[vector<16xi32>, vector<16xi32>], vector<16xf32>,
      } {sc.loop_unroll_factor = 8 : i64, sc.parallel_access}
      %scan3A_109 = arith.constant 0 : i32
      scf.yield %scan3A_109 : i32
    }
    %scan3A_58 = arith.constant 25 : i32
    %mul3A_59 = arith.constant 2 : i32
    %mul3A_60 = arith.muli %mul3A_59, %select_n3A_30 : i32
    "tpu.region"() ({
      %run_scoped3A = tpu.sem_alloc : memref<!tpu.dma_semaphore, #tpu.memory_space<semaphore_mem>>
      %dma_start3A_66 = arith.constant 0 : i32
      %dma_start3A_67 = tpu.memref_slice %arg9[%select_n3A, %mul3A_60, %dma_start3A_66] : memref<2x32x10240xf32, #tpu.memory_space<hbm>> -> memref<1x2x10240xf32, #tpu.memory_space<hbm>>
      %dma_start3A_68 = tpu.memref_squeeze %dma_start3A_67 : memref<1x2x10240xf32, #tpu.memory_space<hbm>> -> memref<2x10240xf32, #tpu.memory_space<hbm>>
      %dma_start3A_69 = arith.constant 0 : i32
      %dma_start3A_70 = tpu.memref_slice %arg9[%select_n3A, %mul3A_60, %dma_start3A_69] : memref<2x32x10240xf32, #tpu.memory_space<hbm>> -> memref<1x2x10240xf32, #tpu.memory_space<hbm>>
      %dma_start3A_71 = tpu.memref_squeeze %dma_start3A_70 : memref<1x2x10240xf32, #tpu.memory_space<hbm>> -> memref<2x10240xf32, #tpu.memory_space<hbm>>
      tpu.enqueue_dma source(%arg12 : memref<2x10240xf32, #tpu.memory_space<vmem>>) target(%dma_start3A_71 : memref<2x10240xf32, #tpu.memory_space<hbm>>) target_semaphore(%run_scoped3A : memref<!tpu.dma_semaphore, #tpu.memory_space<semaphore_mem>>)
      %dma_wait3A = arith.constant 0 : i32
      %dma_wait3A_72 = tpu.memref_slice %arg9[%select_n3A, %mul3A_60, %dma_wait3A] : memref<2x32x10240xf32, #tpu.memory_space<hbm>> -> memref<1x2x10240xf32, #tpu.memory_space<hbm>>
      %dma_wait3A_73 = tpu.memref_squeeze %dma_wait3A_72 : memref<1x2x10240xf32, #tpu.memory_space<hbm>> -> memref<2x10240xf32, #tpu.memory_space<hbm>>
      %dma_wait3A_74 = arith.constant 0 : i32
      %dma_wait3A_75 = tpu.memref_slice %arg9[%select_n3A, %mul3A_60, %dma_wait3A_74] : memref<2x32x10240xf32, #tpu.memory_space<hbm>> -> memref<1x2x10240xf32, #tpu.memory_space<hbm>>
      %dma_wait3A_76 = tpu.memref_squeeze %dma_wait3A_75 : memref<1x2x10240xf32, #tpu.memory_space<hbm>> -> memref<2x10240xf32, #tpu.memory_space<hbm>>
      tpu.wait_dma2 semaphore(%run_scoped3A : memref<!tpu.dma_semaphore, #tpu.memory_space<semaphore_mem>>) src(%arg12 : memref<2x10240xf32, #tpu.memory_space<vmem>>) dst(%dma_wait3A_76 : memref<2x10240xf32, #tpu.memory_space<hbm>>)
      tpu.yield
    }) : () -> ()
    %eq3A_61 = arith.constant 0 : i32
    %eq3A_62 = arith.cmpi eq, %select_n3A_30, %eq3A_61 : i32
    %convert_element_type3A_63 = arith.extui %eq3A_62 : i1 to i32
    %cond3A_64 = arith.constant 0 : i32
    %cond3A_65 = arith.cmpi ne, %convert_element_type3A_63, %cond3A_64 : i32
    scf.if %cond3A_65 {
      "tpu.region"() ({
        %run_scoped3A = tpu.sem_alloc : memref<!tpu.dma_semaphore, #tpu.memory_space<semaphore_mem>>
        %dma_start3A_66 = arith.constant 0 : i32
        %dma_start3A_67 = tpu.memref_slice %arg10[%select_n3A, %dma_start3A_66] : memref<2x10240xf32, #tpu.memory_space<hbm>> -> memref<1x10240xf32, #tpu.memory_space<hbm>>
        %dma_start3A_68 = arith.constant 0 : i32
        %dma_start3A_69 = tpu.memref_slice %arg10[%select_n3A, %dma_start3A_68] : memref<2x10240xf32, #tpu.memory_space<hbm>> -> memref<1x10240xf32, #tpu.memory_space<hbm>>
        tpu.enqueue_dma source(%arg15 : memref<1x10240xf32, #tpu.memory_space<vmem>>) target(%dma_start3A_69 : memref<1x10240xf32, #tpu.memory_space<hbm>>) target_semaphore(%run_scoped3A : memref<!tpu.dma_semaphore, #tpu.memory_space<semaphore_mem>>)
        %dma_wait3A = arith.constant 0 : i32
        %dma_wait3A_70 = tpu.memref_slice %arg10[%select_n3A, %dma_wait3A] : memref<2x10240xf32, #tpu.memory_space<hbm>> -> memref<1x10240xf32, #tpu.memory_space<hbm>>
        %dma_wait3A_71 = arith.constant 0 : i32
        %dma_wait3A_72 = tpu.memref_slice %arg10[%select_n3A, %dma_wait3A_71] : memref<2x10240xf32, #tpu.memory_space<hbm>> -> memref<1x10240xf32, #tpu.memory_space<hbm>>
        tpu.wait_dma2 semaphore(%run_scoped3A : memref<!tpu.dma_semaphore, #tpu.memory_space<semaphore_mem>>) src(%arg15 : memref<1x10240xf32, #tpu.memory_space<vmem>>) dst(%dma_wait3A_72 : memref<1x10240xf32, #tpu.memory_space<hbm>>)
        tpu.yield
      }) : () -> ()
    } else {
    }
    return
  }
}

module attributes {stable_mosaic.version = 14 : i64} {
  func.func @_tc_pre1_body(%arg0: i32, %arg1: memref<2048x128xf32, #tpu.memory_space<vmem>>, %arg2: memref<128x128xf32, #tpu.memory_space<vmem>>, %arg3: memref<4x128xf32, #tpu.memory_space<vmem>>, %arg4: memref<4x128xf32, #tpu.memory_space<vmem>>, %arg5: memref<128x4xf32, #tpu.memory_space<vmem>>, %arg6: memref<128x2048xf32, #tpu.memory_space<vmem>>, %arg7: memref<4x2048xf32, #tpu.memory_space<vmem>>, %arg8: memref<4x2048xf32, #tpu.memory_space<vmem>>, %arg9: memref<128x2048xf32, #tpu.memory_space<vmem>>, %arg10: memref<4x2048xf32, #tpu.memory_space<vmem>>) attributes {dimension_semantics = [#tpu.dimension_semantics<arbitrary>], iteration_bounds = array<i64: 5>, scalar_prefetch = 0 : i64, scratch_operands = 0 : i64, tpu.core_type = #tpu.core_type<tc>, window_params = [{transform_indices = @transform_0, window_bounds = array<i64: 2048, 128>}, {pipeline_mode = #tpu.pipeline_mode<synchronous>, transform_indices = @transform_1, window_bounds = array<i64: 128, 128>}, {pipeline_mode = #tpu.pipeline_mode<synchronous>, transform_indices = @transform_2, window_bounds = array<i64: 4, 128>}, {pipeline_mode = #tpu.pipeline_mode<synchronous>, transform_indices = @transform_3, window_bounds = array<i64: 4, 128>}, {pipeline_mode = #tpu.pipeline_mode<synchronous>, transform_indices = @transform_4, window_bounds = array<i64: 128, 4>}, {transform_indices = @transform_5, window_bounds = array<i64: 128, 2048>}, {transform_indices = @transform_6, window_bounds = array<i64: 4, 2048>}, {transform_indices = @transform_7, window_bounds = array<i64: 4, 2048>}, {transform_indices = @transform_8, window_bounds = array<i64: 128, 2048>}, {transform_indices = @transform_9, window_bounds = array<i64: 4, 2048>}]} {
    %get3A = arith.constant 0 : index
    %get3A_0 = arith.constant 0 : index
    %get3A_1 = vector.load %arg1[%get3A, %get3A_0] : memref<2048x128xf32, #tpu.memory_space<vmem>>, vector<2048x128xf32>
    %get3A_2 = arith.constant 0 : index
    %get3A_3 = arith.constant 0 : index
    %get3A_4 = vector.load %arg2[%get3A_2, %get3A_3] : memref<128x128xf32, #tpu.memory_space<vmem>>, vector<128x128xf32>
    %dot_general3A = arith.constant dense<0.000000e+00> : vector<128x2048xf32>
    %dot_general3A_5 = tpu.matmul %get3A_4, %get3A_1, %dot_general3A {dimension_numbers = #tpu.dot_dimension_numbers<[0], [1], [1], [0], [0, 1, 1, 0], [], []>, transpose_lhs_hint = false} : vector<128x128xf32>, vector<2048x128xf32>, vector<128x2048xf32> -> vector<128x2048xf32>
    %get3A_6 = arith.constant 0 : index
    %get3A_7 = arith.constant 0 : index
    %get3A_8 = vector.load %arg3[%get3A_6, %get3A_7] : memref<4x128xf32, #tpu.memory_space<vmem>>, vector<4x128xf32>
    %dot_general3A_9 = arith.constant dense<0.000000e+00> : vector<4x2048xf32>
    %dot_general3A_10 = tpu.matmul %get3A_8, %dot_general3A_5, %dot_general3A_9 {dimension_numbers = #tpu.dot_dimension_numbers<[1], [0], [0], [1], [0, 0, 1, 1], [], []>, transpose_lhs_hint = false} : vector<4x128xf32>, vector<128x2048xf32>, vector<4x2048xf32> -> vector<4x2048xf32>
    %get3A_11 = arith.constant 0 : index
    %get3A_12 = arith.constant 0 : index
    %get3A_13 = vector.load %arg4[%get3A_11, %get3A_12] : memref<4x128xf32, #tpu.memory_space<vmem>>, vector<4x128xf32>
    %dot_general3A_14 = arith.constant dense<0.000000e+00> : vector<4x2048xf32>
    %dot_general3A_15 = tpu.matmul %get3A_13, %dot_general3A_5, %dot_general3A_14 {dimension_numbers = #tpu.dot_dimension_numbers<[1], [0], [0], [1], [0, 0, 1, 1], [], []>, transpose_lhs_hint = false} : vector<4x128xf32>, vector<128x2048xf32>, vector<4x2048xf32> -> vector<4x2048xf32>
    %add3A = arith.addf %dot_general3A_10, %dot_general3A_15 : vector<4x2048xf32>
    %mul3A = arith.constant 2.000000e-01 : f32
    %mul3A_16 = vector.broadcast %mul3A : f32 to vector<4x2048xf32>
    %mul3A_17 = arith.mulf %mul3A_16, %add3A : vector<4x2048xf32>
    %max3A = arith.maximumf %add3A, %mul3A_17 : vector<4x2048xf32>
    %exp3A = math.exp %max3A : vector<4x2048xf32>
    %get3A_18 = arith.constant 0 : index
    %get3A_19 = arith.constant 0 : index
    %get3A_20 = vector.load %arg5[%get3A_18, %get3A_19] : memref<128x4xf32, #tpu.memory_space<vmem>>, vector<128x4xf32>
    %dot_general3A_21 = arith.constant dense<0.000000e+00> : vector<128x2048xf32>
    %dot_general3A_22 = tpu.matmul %get3A_20, %exp3A, %dot_general3A_21 {dimension_numbers = #tpu.dot_dimension_numbers<[1], [0], [0], [1], [0, 0, 1, 1], [], []>, transpose_lhs_hint = false} : vector<128x4xf32>, vector<4x2048xf32>, vector<128x2048xf32> -> vector<128x2048xf32>
    %swap3A = arith.constant 0 : index
    %swap3A_23 = arith.constant 0 : index
    %swap3A_24 = vector.load %arg6[%swap3A, %swap3A_23] : memref<128x2048xf32, #tpu.memory_space<vmem>>, vector<128x2048xf32>
    tpu.vector_store %arg6[%swap3A, %swap3A_23], %dot_general3A_5 {strides = array<i32>} : memref<128x2048xf32, #tpu.memory_space<vmem>>, vector<128x2048xf32>,
    %swap3A_25 = arith.constant 0 : index
    %swap3A_26 = arith.constant 0 : index
    %swap3A_27 = vector.load %arg7[%swap3A_25, %swap3A_26] : memref<4x2048xf32, #tpu.memory_space<vmem>>, vector<4x2048xf32>
    tpu.vector_store %arg7[%swap3A_25, %swap3A_26], %dot_general3A_10 {strides = array<i32>} : memref<4x2048xf32, #tpu.memory_space<vmem>>, vector<4x2048xf32>,
    %swap3A_28 = arith.constant 0 : index
    %swap3A_29 = arith.constant 0 : index
    %swap3A_30 = vector.load %arg8[%swap3A_28, %swap3A_29] : memref<4x2048xf32, #tpu.memory_space<vmem>>, vector<4x2048xf32>
    tpu.vector_store %arg8[%swap3A_28, %swap3A_29], %dot_general3A_15 {strides = array<i32>} : memref<4x2048xf32, #tpu.memory_space<vmem>>, vector<4x2048xf32>,
    %mul3A_31 = arith.mulf %dot_general3A_5, %dot_general3A_22 : vector<128x2048xf32>
    %swap3A_32 = arith.constant 0 : index
    %swap3A_33 = arith.constant 0 : index
    %swap3A_34 = vector.load %arg9[%swap3A_32, %swap3A_33] : memref<128x2048xf32, #tpu.memory_space<vmem>>, vector<128x2048xf32>
    tpu.vector_store %arg9[%swap3A_32, %swap3A_33], %mul3A_31 {strides = array<i32>} : memref<128x2048xf32, #tpu.memory_space<vmem>>, vector<128x2048xf32>,
    %swap3A_35 = arith.constant 0 : index
    %swap3A_36 = arith.constant 0 : index
    %swap3A_37 = vector.load %arg10[%swap3A_35, %swap3A_36] : memref<4x2048xf32, #tpu.memory_space<vmem>>, vector<4x2048xf32>
    tpu.vector_store %arg10[%swap3A_35, %swap3A_36], %exp3A {strides = array<i32>} : memref<4x2048xf32, #tpu.memory_space<vmem>>, vector<4x2048xf32>,
    return
  }
  func.func @transform_0(%arg0: i32) -> (i32, i32) {
    %c0_i32 = arith.constant 0 : i32
    %c0_i32_0 = arith.constant 0 : i32
    return %arg0, %c0_i32 : i32, i32
  }
  func.func @transform_1(%arg0: i32) -> (i32, i32) {
    %c0_i32 = arith.constant 0 : i32
    %c0_i32_0 = arith.constant 0 : i32
    %c0_i32_1 = arith.constant 0 : i32
    return %c0_i32, %c0_i32_0 : i32, i32
  }
  func.func @transform_2(%arg0: i32) -> (i32, i32) {
    %c0_i32 = arith.constant 0 : i32
    %c0_i32_0 = arith.constant 0 : i32
    %c0_i32_1 = arith.constant 0 : i32
    return %c0_i32, %c0_i32_0 : i32, i32
  }
  func.func @transform_3(%arg0: i32) -> (i32, i32) {
    %c0_i32 = arith.constant 0 : i32
    %c0_i32_0 = arith.constant 0 : i32
    %c0_i32_1 = arith.constant 0 : i32
    return %c0_i32, %c0_i32_0 : i32, i32
  }
  func.func @transform_4(%arg0: i32) -> (i32, i32) {
    %c0_i32 = arith.constant 0 : i32
    %c0_i32_0 = arith.constant 0 : i32
    %c0_i32_1 = arith.constant 0 : i32
    return %c0_i32, %c0_i32_0 : i32, i32
  }
  func.func @transform_5(%arg0: i32) -> (i32, i32) {
    %c0_i32 = arith.constant 0 : i32
    %c0_i32_0 = arith.constant 0 : i32
    return %c0_i32, %arg0 : i32, i32
  }
  func.func @transform_6(%arg0: i32) -> (i32, i32) {
    %c0_i32 = arith.constant 0 : i32
    %c0_i32_0 = arith.constant 0 : i32
    return %c0_i32, %arg0 : i32, i32
  }
  func.func @transform_7(%arg0: i32) -> (i32, i32) {
    %c0_i32 = arith.constant 0 : i32
    %c0_i32_0 = arith.constant 0 : i32
    return %c0_i32, %arg0 : i32, i32
  }
  func.func @transform_8(%arg0: i32) -> (i32, i32) {
    %c0_i32 = arith.constant 0 : i32
    %c0_i32_0 = arith.constant 0 : i32
    return %c0_i32, %arg0 : i32, i32
  }
  func.func @transform_9(%arg0: i32) -> (i32, i32) {
    %c0_i32 = arith.constant 0 : i32
    %c0_i32_0 = arith.constant 0 : i32
    return %c0_i32, %arg0 : i32, i32
  }
}

module attributes {stable_mosaic.version = 14 : i64} {
  func.func @_tc_mid_body(%arg0: i32, %arg1: memref<128x2048xf32, #tpu.memory_space<vmem>>, %arg2: memref<4x2048xf32, #tpu.memory_space<vmem>>, %arg3: memref<128x1xf32, #tpu.memory_space<vmem>>, %arg4: memref<128x32xf32, #tpu.memory_space<vmem>>, %arg5: memref<1x32xf32, #tpu.memory_space<vmem>>, %arg6: memref<1x32xf32, #tpu.memory_space<vmem>>, %arg7: memref<128x4xf32, #tpu.memory_space<vmem>>, %arg8: memref<32x2048xf32, #tpu.memory_space<vmem>>, %arg9: memref<1x2048xf32, #tpu.memory_space<vmem>>, %arg10: memref<1x2048xf32, #tpu.memory_space<vmem>>, %arg11: memref<32x2048xf32, #tpu.memory_space<vmem>>, %arg12: memref<1x2048xf32, #tpu.memory_space<vmem>>) attributes {dimension_semantics = [#tpu.dimension_semantics<arbitrary>], iteration_bounds = array<i64: 5>, scalar_prefetch = 0 : i64, scratch_operands = 0 : i64, tpu.core_type = #tpu.core_type<tc>, window_params = [{transform_indices = @transform_0, window_bounds = array<i64: 128, 2048>}, {transform_indices = @transform_1, window_bounds = array<i64: 4, 2048>}, {pipeline_mode = #tpu.pipeline_mode<synchronous>, transform_indices = @transform_2, window_bounds = array<i64: 128, 1>}, {pipeline_mode = #tpu.pipeline_mode<synchronous>, transform_indices = @transform_3, window_bounds = array<i64: 128, 32>}, {pipeline_mode = #tpu.pipeline_mode<synchronous>, transform_indices = @transform_4, window_bounds = array<i64: 1, 32>}, {pipeline_mode = #tpu.pipeline_mode<synchronous>, transform_indices = @transform_5, window_bounds = array<i64: 1, 32>}, {pipeline_mode = #tpu.pipeline_mode<synchronous>, transform_indices = @transform_6, window_bounds = array<i64: 128, 4>}, {transform_indices = @transform_7, window_bounds = array<i64: 32, 2048>}, {transform_indices = @transform_8, window_bounds = array<i64: 1, 2048>}, {transform_indices = @transform_9, window_bounds = array<i64: 1, 2048>}, {transform_indices = @transform_10, window_bounds = array<i64: 32, 2048>}, {transform_indices = @transform_11, window_bounds = array<i64: 1, 2048>}]} {
    %get3A = arith.constant 0 : index
    %get3A_0 = arith.constant 0 : index
    %get3A_1 = vector.load %arg7[%get3A, %get3A_0] : memref<128x4xf32, #tpu.memory_space<vmem>>, vector<128x4xf32>
    %get3A_2 = arith.constant 0 : index
    %get3A_3 = arith.constant 0 : index
    %get3A_4 = vector.load %arg2[%get3A_2, %get3A_3] : memref<4x2048xf32, #tpu.memory_space<vmem>>, vector<4x2048xf32>
    %add3A = arith.constant 1.000000e-16 : f32
    %add3A_5 = vector.broadcast %add3A : f32 to vector<4x2048xf32>
    %add3A_6 = arith.addf %get3A_4, %add3A_5 : vector<4x2048xf32>
    %dot_general3A = arith.constant dense<0.000000e+00> : vector<128x2048xf32>
    %dot_general3A_7 = tpu.matmul %get3A_1, %add3A_6, %dot_general3A {dimension_numbers = #tpu.dot_dimension_numbers<[1], [0], [0], [1], [0, 0, 1, 1], [], []>, transpose_lhs_hint = false} : vector<128x4xf32>, vector<4x2048xf32>, vector<128x2048xf32> -> vector<128x2048xf32>
    %get3A_8 = arith.constant 0 : index
    %get3A_9 = arith.constant 0 : index
    %get3A_10 = vector.load %arg1[%get3A_8, %get3A_9] : memref<128x2048xf32, #tpu.memory_space<vmem>>, vector<128x2048xf32>
    %div3A = arith.divf %get3A_10, %dot_general3A_7 : vector<128x2048xf32>
    %get3A_11 = arith.constant 0 : index
    %get3A_12 = arith.constant 0 : index
    %get3A_13 = vector.load %arg3[%get3A_11, %get3A_12] : memref<128x1xf32, #tpu.memory_space<vmem>>, vector<128x1xf32>
    %add3A_14 = vector.broadcast %get3A_13 : vector<128x1xf32> to vector<128x2048xf32>
    %add3A_15 = arith.addf %div3A, %add3A_14 : vector<128x2048xf32>
    %gt3A = arith.constant 0.000000e+00 : f32
    %gt3A_16 = vector.broadcast %gt3A : f32 to vector<128x2048xf32>
    %gt3A_17 = arith.cmpf ogt, %add3A_15, %gt3A_16 : vector<128x2048xf32>
    %min3A = arith.constant 0.000000e+00 : f32
    %min3A_18 = vector.broadcast %min3A : f32 to vector<128x2048xf32>
    %min3A_19 = arith.minimumf %add3A_15, %min3A_18 : vector<128x2048xf32>
    %exp3A = math.exp %min3A_19 : vector<128x2048xf32>
    %sub3A = arith.constant 1.000000e+00 : f32
    %sub3A_20 = vector.broadcast %sub3A : f32 to vector<128x2048xf32>
    %sub3A_21 = arith.subf %exp3A, %sub3A_20 : vector<128x2048xf32>
    %select_n3A = arith.select %gt3A_17, %add3A_15, %sub3A_21 : vector<128x2048xi1>, vector<128x2048xf32>
    %get3A_22 = arith.constant 0 : index
    %get3A_23 = arith.constant 0 : index
    %get3A_24 = vector.load %arg4[%get3A_22, %get3A_23] : memref<128x32xf32, #tpu.memory_space<vmem>>, vector<128x32xf32>
    %dot_general3A_25 = arith.constant dense<0.000000e+00> : vector<32x2048xf32>
    %dot_general3A_26 = tpu.matmul %get3A_24, %select_n3A, %dot_general3A_25 {dimension_numbers = #tpu.dot_dimension_numbers<[0], [0], [1], [1], [0, 1, 1, 1], [], []>, transpose_lhs_hint = false} : vector<128x32xf32>, vector<128x2048xf32>, vector<32x2048xf32> -> vector<32x2048xf32>
    %get3A_27 = arith.constant 0 : index
    %get3A_28 = arith.constant 0 : index
    %get3A_29 = vector.load %arg5[%get3A_27, %get3A_28] : memref<1x32xf32, #tpu.memory_space<vmem>>, vector<1x32xf32>
    %dot_general3A_30 = arith.constant dense<0.000000e+00> : vector<1x2048xf32>
    %dot_general3A_31 = tpu.matmul %get3A_29, %dot_general3A_26, %dot_general3A_30 {dimension_numbers = #tpu.dot_dimension_numbers<[1], [0], [0], [1], [0, 0, 1, 1], [], []>, transpose_lhs_hint = false} : vector<1x32xf32>, vector<32x2048xf32>, vector<1x2048xf32> -> vector<1x2048xf32>
    %get3A_32 = arith.constant 0 : index
    %get3A_33 = arith.constant 0 : index
    %get3A_34 = vector.load %arg6[%get3A_32, %get3A_33] : memref<1x32xf32, #tpu.memory_space<vmem>>, vector<1x32xf32>
    %dot_general3A_35 = arith.constant dense<0.000000e+00> : vector<1x2048xf32>
    %dot_general3A_36 = tpu.matmul %get3A_34, %dot_general3A_26, %dot_general3A_35 {dimension_numbers = #tpu.dot_dimension_numbers<[1], [0], [0], [1], [0, 0, 1, 1], [], []>, transpose_lhs_hint = false} : vector<1x32xf32>, vector<32x2048xf32>, vector<1x2048xf32> -> vector<1x2048xf32>
    %add3A_37 = arith.addf %dot_general3A_31, %dot_general3A_36 : vector<1x2048xf32>
    %mul3A = arith.constant 2.000000e-01 : f32
    %mul3A_38 = vector.broadcast %mul3A : f32 to vector<1x2048xf32>
    %mul3A_39 = arith.mulf %mul3A_38, %add3A_37 : vector<1x2048xf32>
    %max3A = arith.maximumf %add3A_37, %mul3A_39 : vector<1x2048xf32>
    %exp3A_40 = math.exp %max3A : vector<1x2048xf32>
    %swap3A = arith.constant 0 : index
    %swap3A_41 = arith.constant 0 : index
    %swap3A_42 = vector.load %arg8[%swap3A, %swap3A_41] : memref<32x2048xf32, #tpu.memory_space<vmem>>, vector<32x2048xf32>
    tpu.vector_store %arg8[%swap3A, %swap3A_41], %dot_general3A_26 {strides = array<i32>} : memref<32x2048xf32, #tpu.memory_space<vmem>>, vector<32x2048xf32>,
    %swap3A_43 = arith.constant 0 : index
    %swap3A_44 = arith.constant 0 : index
    %swap3A_45 = vector.load %arg9[%swap3A_43, %swap3A_44] : memref<1x2048xf32, #tpu.memory_space<vmem>>, vector<1x2048xf32>
    tpu.vector_store %arg9[%swap3A_43, %swap3A_44], %dot_general3A_31 {strides = array<i32>} : memref<1x2048xf32, #tpu.memory_space<vmem>>, vector<1x2048xf32>,
    %swap3A_46 = arith.constant 0 : index
    %swap3A_47 = arith.constant 0 : index
    %swap3A_48 = vector.load %arg10[%swap3A_46, %swap3A_47] : memref<1x2048xf32, #tpu.memory_space<vmem>>, vector<1x2048xf32>
    tpu.vector_store %arg10[%swap3A_46, %swap3A_47], %dot_general3A_36 {strides = array<i32>} : memref<1x2048xf32, #tpu.memory_space<vmem>>, vector<1x2048xf32>,
    %mul3A_49 = vector.broadcast %exp3A_40 : vector<1x2048xf32> to vector<32x2048xf32>
    %mul3A_50 = arith.mulf %dot_general3A_26, %mul3A_49 : vector<32x2048xf32>
    %swap3A_51 = arith.constant 0 : index
    %swap3A_52 = arith.constant 0 : index
    %swap3A_53 = vector.load %arg11[%swap3A_51, %swap3A_52] : memref<32x2048xf32, #tpu.memory_space<vmem>>, vector<32x2048xf32>
    tpu.vector_store %arg11[%swap3A_51, %swap3A_52], %mul3A_50 {strides = array<i32>} : memref<32x2048xf32, #tpu.memory_space<vmem>>, vector<32x2048xf32>,
    %swap3A_54 = arith.constant 0 : index
    %swap3A_55 = arith.constant 0 : index
    %swap3A_56 = vector.load %arg12[%swap3A_54, %swap3A_55] : memref<1x2048xf32, #tpu.memory_space<vmem>>, vector<1x2048xf32>
    tpu.vector_store %arg12[%swap3A_54, %swap3A_55], %exp3A_40 {strides = array<i32>} : memref<1x2048xf32, #tpu.memory_space<vmem>>, vector<1x2048xf32>,
    return
  }
  func.func @transform_0(%arg0: i32) -> (i32, i32) {
    %c0_i32 = arith.constant 0 : i32
    %c0_i32_0 = arith.constant 0 : i32
    return %c0_i32, %arg0 : i32, i32
  }
  func.func @transform_1(%arg0: i32) -> (i32, i32) {
    %c0_i32 = arith.constant 0 : i32
    %c0_i32_0 = arith.constant 0 : i32
    return %c0_i32, %arg0 : i32, i32
  }
  func.func @transform_2(%arg0: i32) -> (i32, i32) {
    %c0_i32 = arith.constant 0 : i32
    %c0_i32_0 = arith.constant 0 : i32
    %c0_i32_1 = arith.constant 0 : i32
    return %c0_i32, %c0_i32_0 : i32, i32
  }
  func.func @transform_3(%arg0: i32) -> (i32, i32) {
    %c0_i32 = arith.constant 0 : i32
    %c0_i32_0 = arith.constant 0 : i32
    %c0_i32_1 = arith.constant 0 : i32
    return %c0_i32, %c0_i32_0 : i32, i32
  }
  func.func @transform_4(%arg0: i32) -> (i32, i32) {
    %c0_i32 = arith.constant 0 : i32
    %c0_i32_0 = arith.constant 0 : i32
    %c0_i32_1 = arith.constant 0 : i32
    return %c0_i32, %c0_i32_0 : i32, i32
  }
  func.func @transform_5(%arg0: i32) -> (i32, i32) {
    %c0_i32 = arith.constant 0 : i32
    %c0_i32_0 = arith.constant 0 : i32
    %c0_i32_1 = arith.constant 0 : i32
    return %c0_i32, %c0_i32_0 : i32, i32
  }
  func.func @transform_6(%arg0: i32) -> (i32, i32) {
    %c0_i32 = arith.constant 0 : i32
    %c0_i32_0 = arith.constant 0 : i32
    %c0_i32_1 = arith.constant 0 : i32
    return %c0_i32, %c0_i32_0 : i32, i32
  }
  func.func @transform_7(%arg0: i32) -> (i32, i32) {
    %c0_i32 = arith.constant 0 : i32
    %c0_i32_0 = arith.constant 0 : i32
    return %c0_i32, %arg0 : i32, i32
  }
  func.func @transform_8(%arg0: i32) -> (i32, i32) {
    %c0_i32 = arith.constant 0 : i32
    %c0_i32_0 = arith.constant 0 : i32
    return %c0_i32, %arg0 : i32, i32
  }
  func.func @transform_9(%arg0: i32) -> (i32, i32) {
    %c0_i32 = arith.constant 0 : i32
    %c0_i32_0 = arith.constant 0 : i32
    return %c0_i32, %arg0 : i32, i32
  }
  func.func @transform_10(%arg0: i32) -> (i32, i32) {
    %c0_i32 = arith.constant 0 : i32
    %c0_i32_0 = arith.constant 0 : i32
    return %c0_i32, %arg0 : i32, i32
  }
  func.func @transform_11(%arg0: i32) -> (i32, i32) {
    %c0_i32 = arith.constant 0 : i32
    %c0_i32_0 = arith.constant 0 : i32
    return %c0_i32, %arg0 : i32, i32
  }
}

module attributes {stable_mosaic.version = 14 : i64} {
  func.func @_tc_post_body(%arg0: i32, %arg1: memref<2x32x2048xf32, #tpu.memory_space<vmem>>, %arg2: memref<2x2048xf32, #tpu.memory_space<vmem>>, %arg3: memref<32x1xf32, #tpu.memory_space<vmem>>, %arg4: memref<32x2xf32, #tpu.memory_space<vmem>>, %arg5: memref<2x1xf32, #tpu.memory_space<vmem>>, %arg6: memref<2x2048xf32, #tpu.memory_space<vmem>>) attributes {dimension_semantics = [#tpu.dimension_semantics<arbitrary>], iteration_bounds = array<i64: 5>, scalar_prefetch = 0 : i64, scratch_operands = 0 : i64, tpu.core_type = #tpu.core_type<tc>, window_params = [{transform_indices = @transform_0, window_bounds = array<i64: 2, 32, 2048>}, {transform_indices = @transform_1, window_bounds = array<i64: 2, 2048>}, {pipeline_mode = #tpu.pipeline_mode<synchronous>, transform_indices = @transform_2, window_bounds = array<i64: 32, 1>}, {pipeline_mode = #tpu.pipeline_mode<synchronous>, transform_indices = @transform_3, window_bounds = array<i64: 32, 2>}, {pipeline_mode = #tpu.pipeline_mode<synchronous>, transform_indices = @transform_4, window_bounds = array<i64: 2, 1>}, {transform_indices = @transform_5, window_bounds = array<i64: 2, 2048>}]} {
    %get3A = arith.constant 0 : index
    %get3A_0 = arith.constant 0 : index
    %get3A_1 = arith.constant 0 : index
    %get3A_2 = vector.load %arg1[%get3A, %get3A_0, %get3A_1] : memref<2x32x2048xf32, #tpu.memory_space<vmem>>, vector<1x32x2048xf32>
    %get3A_3 = vector.shape_cast %get3A_2 : vector<1x32x2048xf32> to vector<32x2048xf32>
    %get3A_4 = arith.constant 1 : index
    %get3A_5 = arith.constant 0 : index
    %get3A_6 = arith.constant 0 : index
    %get3A_7 = vector.load %arg1[%get3A_4, %get3A_5, %get3A_6] : memref<2x32x2048xf32, #tpu.memory_space<vmem>>, vector<1x32x2048xf32>
    %get3A_8 = vector.shape_cast %get3A_7 : vector<1x32x2048xf32> to vector<32x2048xf32>
    %add3A = arith.addf %get3A_3, %get3A_8 : vector<32x2048xf32>
    %get3A_9 = arith.constant 0 : index
    %get3A_10 = arith.constant 0 : index
    %get3A_11 = vector.load %arg2[%get3A_9, %get3A_10] : memref<2x2048xf32, #tpu.memory_space<vmem>>, vector<1x2048xf32>
    %get3A_12 = arith.constant 1 : index
    %get3A_13 = arith.constant 0 : index
    %get3A_14 = vector.load %arg2[%get3A_12, %get3A_13] : memref<2x2048xf32, #tpu.memory_space<vmem>>, vector<1x2048xf32>
    %add3A_15 = arith.addf %get3A_11, %get3A_14 : vector<1x2048xf32>
    %add3A_16 = arith.constant 1.000000e-16 : f32
    %add3A_17 = vector.broadcast %add3A_16 : f32 to vector<1x2048xf32>
    %add3A_18 = arith.addf %add3A_15, %add3A_17 : vector<1x2048xf32>
    %div3A = vector.broadcast %add3A_18 : vector<1x2048xf32> to vector<32x2048xf32>
    %div3A_19 = arith.divf %add3A, %div3A : vector<32x2048xf32>
    %get3A_20 = arith.constant 0 : index
    %get3A_21 = arith.constant 0 : index
    %get3A_22 = vector.load %arg3[%get3A_20, %get3A_21] : memref<32x1xf32, #tpu.memory_space<vmem>>, vector<32x1xf32>
    %add3A_23 = vector.broadcast %get3A_22 : vector<32x1xf32> to vector<32x2048xf32>
    %add3A_24 = arith.addf %div3A_19, %add3A_23 : vector<32x2048xf32>
    %gt3A = arith.constant 0.000000e+00 : f32
    %gt3A_25 = vector.broadcast %gt3A : f32 to vector<32x2048xf32>
    %gt3A_26 = arith.cmpf ogt, %add3A_24, %gt3A_25 : vector<32x2048xf32>
    %min3A = arith.constant 0.000000e+00 : f32
    %min3A_27 = vector.broadcast %min3A : f32 to vector<32x2048xf32>
    %min3A_28 = arith.minimumf %add3A_24, %min3A_27 : vector<32x2048xf32>
    %exp3A = math.exp %min3A_28 : vector<32x2048xf32>
    %sub3A = arith.constant 1.000000e+00 : f32
    %sub3A_29 = vector.broadcast %sub3A : f32 to vector<32x2048xf32>
    %sub3A_30 = arith.subf %exp3A, %sub3A_29 : vector<32x2048xf32>
    %select_n3A = arith.select %gt3A_26, %add3A_24, %sub3A_30 : vector<32x2048xi1>, vector<32x2048xf32>
    %get3A_31 = arith.constant 0 : index
    %get3A_32 = arith.constant 0 : index
    %get3A_33 = vector.load %arg4[%get3A_31, %get3A_32] : memref<32x2xf32, #tpu.memory_space<vmem>>, vector<32x2xf32>
    %dot_general3A = arith.constant dense<0.000000e+00> : vector<2x2048xf32>
    %dot_general3A_34 = tpu.matmul %get3A_33, %select_n3A, %dot_general3A {dimension_numbers = #tpu.dot_dimension_numbers<[0], [0], [1], [1], [0, 1, 1, 1], [], []>, transpose_lhs_hint = false} : vector<32x2xf32>, vector<32x2048xf32>, vector<2x2048xf32> -> vector<2x2048xf32>
    %get3A_35 = arith.constant 0 : index
    %get3A_36 = arith.constant 0 : index
    %get3A_37 = vector.load %arg5[%get3A_35, %get3A_36] : memref<2x1xf32, #tpu.memory_space<vmem>>, vector<2x1xf32>
    %add3A_38 = vector.broadcast %get3A_37 : vector<2x1xf32> to vector<2x2048xf32>
    %add3A_39 = arith.addf %dot_general3A_34, %add3A_38 : vector<2x2048xf32>
    %swap3A = arith.constant 0 : index
    %swap3A_40 = arith.constant 0 : index
    %swap3A_41 = vector.load %arg6[%swap3A, %swap3A_40] : memref<2x2048xf32, #tpu.memory_space<vmem>>, vector<2x2048xf32>
    tpu.vector_store %arg6[%swap3A, %swap3A_40], %add3A_39 {strides = array<i32>} : memref<2x2048xf32, #tpu.memory_space<vmem>>, vector<2x2048xf32>,
    return
  }
  func.func @transform_0(%arg0: i32) -> (i32, i32, i32) {
    %c0_i32 = arith.constant 0 : i32
    %c0_i32_0 = arith.constant 0 : i32
    %c0_i32_1 = arith.constant 0 : i32
    return %c0_i32, %c0_i32_0, %arg0 : i32, i32, i32
  }
  func.func @transform_1(%arg0: i32) -> (i32, i32) {
    %c0_i32 = arith.constant 0 : i32
    %c0_i32_0 = arith.constant 0 : i32
    return %c0_i32, %arg0 : i32, i32
  }
  func.func @transform_2(%arg0: i32) -> (i32, i32) {
    %c0_i32 = arith.constant 0 : i32
    %c0_i32_0 = arith.constant 0 : i32
    %c0_i32_1 = arith.constant 0 : i32
    return %c0_i32, %c0_i32_0 : i32, i32
  }
  func.func @transform_3(%arg0: i32) -> (i32, i32) {
    %c0_i32 = arith.constant 0 : i32
    %c0_i32_0 = arith.constant 0 : i32
    %c0_i32_1 = arith.constant 0 : i32
    return %c0_i32, %c0_i32_0 : i32, i32
  }
  func.func @transform_4(%arg0: i32) -> (i32, i32) {
    %c0_i32 = arith.constant 0 : i32
    %c0_i32_0 = arith.constant 0 : i32
    %c0_i32_1 = arith.constant 0 : i32
    return %c0_i32, %c0_i32_0 : i32, i32
  }
  func.func @transform_5(%arg0: i32) -> (i32, i32) {
    %c0_i32 = arith.constant 0 : i32
    %c0_i32_0 = arith.constant 0 : i32
    return %c0_i32, %arg0 : i32, i32
  }
}

</mosaic_0001>

<sc_bundles>
// kernel: kernel.10.cloned.1.call-start
scs
__scs_entry_jumppad:
0x0: {  	(pc) =	sbr.rel $0x88, $3  }
0x1: {  	(tag) =	ssettag $0x0;
	lr =	simm.s32 $0x1  }
0x2: {  	[smem:$0x3F95] =	sst lr;
	_ =	strace $0xD0000000  }
0x3: {  	_ = 	snop  }
0x4: {  	_ = 	snop  }
0x5: {  	_ = 	snop  }
0x6: {  	_ = 	snop  }
0x7: {  	_ = 	snop  }
__scs_overlays_trampoline_lowered:
0x8: {  	[smem:$0x3FA4] =	sst s0  }
0x9: {  	[smem:$0x3FA5] =	sst s1  }
0xa: {  	[smem:$0x3FA6] =	sst s2  }
0xb: {  	[smem:$0x3FA7] =	sst s3  }
0xc: {  	[smem:$0x3FA8] =	sst s4  }
0xd: {  	[smem:$0x3FA9] =	sst s5  }
0xe: {  	[smem:$0x3FAA] =	sst s6  }
0xf: {  	[smem:$0x3FAB] =	sst s7  }
0x10: {  	[smem:$0x3FAC] =	sst s8  }
0x11: {  	[smem:$0x3FAD] =	sst s9;
	s0 =	simm.s32 @!p0 $0x0  }
0x12: {  	s1 =	sld [smem:$0x3F93];
	s0 =	simm.s32 @p0 $0x1  }
0x13: {  	[smem:$0x3FAE] =	sst s0;
	s0 =	simm.s32 @!p1 $0x0  }
0x14: {  	s2 =	sld [smem:$0x3F92];
	s0 =	simm.s32 @p1 $0x1  }
0x15: {  	[smem:$0x3FAF] =	sst s0;
	s0 =	simm.s32 @!p2 $0x0  }
0x16: {  	s3 =	sld [smem:$0x3FDB];
	s0 =	simm.s32 @p2 $0x1  }
0x17: {  	s4 =	simm.s32 $0x1BF5;
	[smem:$0x3FB1] =	sst s0  }
0x18: {  	s0 =	sld [smem:$0x3F94];
	_ =	swait.ge [sflag:s4], $0x0  }
0x19: {  	s7 =	sld [smem:$0x3F95]  }
0x1a: {  	s8 =	sadd.s32 $0xFFFFE003, lr  }
0x1b: {  	s9 =	sadd.s32 $0xFFFFFEF7, lr;
	s5 =	simm.s32 $0xFFFFFFFF;
	p2 =	slt.u32 s8, $0xFFFFF086  }
0x1c: {  	p1 =	slt.u32 s9, $0xF7A;
	s5 =	simm.s32 @!p2 $0x0  }
0x1d: {  	s5 =	simm.s32 @p1 $0x1;
	p0 =	seq.s32 s7, s2  }
0x1e: {  	s7 =	smul.u32 @!p0 $0xF7A, s2;
	p2 =	seq.s32 @!p0 s5, $0x0  }
0x1f: {  	s9 =	smul.u32 $0xF7A, s1;
	s8 =	simm.s32 @!p0 $0x1BF5;
	p2 =	por !p2, p0  }
0x20: {  	[sflag:s8] =	ssyncset.s32 @!p0 $0xFFFFF086;
	s6 =	sadd.s32 @!p0 s3, s7;
	s7 =	simm.s32 @!p0 $0x108  }
0x21: {  	s3 =	sadd.s32 s3, s9;
	s6 =	sadd.s32 @!p0 $0x88, s6;
	s7 =	simm.s32 @p2 $0x1082  }
0x22: {  	[simem:s7], [sflag:s8] =	dma.local @!p0 [hbm:s6], $0xF7A  }
0x23: {  	s9 =	sor.u32 $0xD0000000, s2;
	s6 =	simm.s32 $0x108;
	_ =	swait.ge @!p0 [sflag:s8], $0x0  }
0x24: {  	s3 =	sadd.s32 $0x88, s3;
	s6 =	simm.s32 @!p1 $0x1082;
	[sflag:s4] =	ssyncset.s32 $0xFFFFF086  }
0x25: {  	[simem:s6], [sflag:s4] =	dma.local [hbm:s3], $0xF7A  }
0x26: {  	[smem:$0x3F95] =	sst s1;
	(tag) =	ssettag s2;
	_ =	strace s9  }
0x27: {  	s1 =	sld [smem:$0x3FA5]  }
0x28: {  	s2 =	sld [smem:$0x3FA6]  }
0x29: {  	s4 =	sld [smem:$0x3FA8]  }
0x2a: {  	p0 =	seq.s32 s5, $0x0;
	s5 =	sld [smem:$0x3FA9]  }
0x2b: {  	s6 =	sld [smem:$0x3FAA]  }
0x2c: {  	s7 =	sld [smem:$0x3FAB]  }
0x2d: {  	s3 =	simm.s32 $0x108;
	s8 =	sld [smem:$0x3FAC]  }
0x2e: {  	s3 =	simm.s32 @!p0 $0x1082;
	s9 =	sld [smem:$0x3FAD]  }
0x2f: {  	lr =	sadd.s32 s0, s3;
	s0 =	sld [smem:$0x3FA4]  }
0x30: {  	s3 =	sld [smem:$0x3FA7]  }
0x31: {  	[smem:$0x3FB0] =	sst s10  }
0x32: {  	s10 =	sld [smem:$0x3FAE];
	_ =	sdelay $0x3  }
0x33: {  	p0 =	seq.s32 s10, $0x1;
	s10 =	sld [smem:$0x3FB0];
	_ =	sdelay $0x3  }
0x34: {  	[smem:$0x3FB0] =	sst s10  }
0x35: {  	s10 =	sld [smem:$0x3FAF];
	_ =	sdelay $0x3  }
0x36: {  	p1 =	seq.s32 s10, $0x1;
	s10 =	sld [smem:$0x3FB0];
	_ =	sdelay $0x3  }
0x37: {  	[smem:$0x3FB0] =	sst s10  }
0x38: {  	s10 =	sld [smem:$0x3FB1]  }
0x39: {  	_ = 	snop;
	(pc) =	sbr.ind lr, $3  }
0x3a: {  	_ = 	snop  }
0x3b: {  	_ = 	snop  }
0x3c: {  	p2 =	seq.s32 s10, $0x1;
	s10 =	sld [smem:$0x3FB0]  }
0x3d: {  	_ =	shalt  }
0x3e: {  	_ =	shalt  }
0x3f: {  	_ =	shalt  }
0x40: {  	_ =	shalt  }
0x41: {  	_ =	shalt  }
0x42: {  	_ =	shalt  }
0x43: {  	_ =	shalt  }
0x44: {  	_ =	shalt  }
0x45: {  	_ =	shalt  }
0x46: {  	_ =	shalt  }
0x47: {  	_ =	shalt  }
0x48: {  	_ =	shalt  }
0x49: {  	_ =	shalt  }
0x4a: {  	_ =	shalt  }
0x4b: {  	_ =	shalt  }
0x4c: {  	_ =	shalt  }
0x4d: {  	_ =	shalt  }
0x4e: {  	_ =	shalt  }
0x4f: {  	_ =	shalt  }
0x50: {  	_ =	shalt  }
0x51: {  	_ =	shalt  }
0x52: {  	_ =	shalt  }
0x53: {  	_ =	shalt  }
0x54: {  	_ =	shalt  }
0x55: {  	_ =	shalt  }
0x56: {  	_ =	shalt  }
0x57: {  	_ =	shalt  }
0x58: {  	_ =	shalt  }
0x59: {  	_ =	shalt  }
0x5a: {  	_ =	shalt  }
0x5b: {  	_ =	shalt  }
0x5c: {  	_ =	shalt  }
0x5d: {  	_ =	shalt  }
0x5e: {  	_ =	shalt  }
0x5f: {  	_ =	shalt  }
0x60: {  	_ =	shalt  }
0x61: {  	_ =	shalt  }
0x62: {  	_ =	shalt  }
0x63: {  	_ =	shalt  }
0x64: {  	_ =	shalt  }
0x65: {  	_ =	shalt  }
0x66: {  	_ =	shalt  }
0x67: {  	_ =	shalt  }
0x68: {  	_ =	shalt  }
0x69: {  	_ =	shalt  }
0x6a: {  	_ =	shalt  }
0x6b: {  	_ =	shalt  }
0x6c: {  	_ =	shalt  }
0x6d: {  	_ =	shalt  }
0x6e: {  	_ =	shalt  }
0x6f: {  	_ =	shalt  }
0x70: {  	_ =	shalt  }
0x71: {  	_ =	shalt  }
0x72: {  	_ =	shalt  }
0x73: {  	_ =	shalt  }
0x74: {  	_ =	shalt  }
0x75: {  	_ =	shalt  }
0x76: {  	_ =	shalt  }
0x77: {  	_ =	shalt  }
0x78: {  	_ =	shalt  }
0x79: {  	_ =	shalt  }
0x7a: {  	_ =	shalt  }
0x7b: {  	_ =	shalt  }
0x7c: {  	_ =	shalt  }
0x7d: {  	_ =	shalt  }
0x7e: {  	_ =	shalt  }
0x7f: {  	_ =	shalt  }
0x80: {  	_ =	shalt  }
0x81: {  	_ =	shalt  }
0x82: {  	_ =	shalt  }
0x83: {  	_ =	shalt  }
0x84: {  	_ =	shalt  }
0x85: {  	_ =	shalt  }
0x86: {  	_ =	shalt  }
0x87: {  	_ =	shalt  }
.Lfunc_end0:
.L_simem_size_0:
called_computation.1_lowered:
.L_overlay_start_0:
0x88: {  	s2 =	sld [smem:$0x3FD9]  }
0x89: {  	s3 =	sld [smem:$0x3FFE];
	_ =	sdelay $0x1  }
0x8a: {  	s1 =	srdreg.scid  }
0x8b: {  	s0 =	sand.u32 $0x1, s1  }
0x8c: {  	s17 =	sshll.u32 s0, $0xA;
	s2 =	sadd.s32 s3, s2  }
0x8d: {  	s2 =	sadd.s32 s2, s17  }
0x8e: {  	[smem:$0x3FBC] =	sst s2  }
0x8f: {  	_ = 	snop  }
0x90: {  	s2 =	sld [smem:$0x3FD0];
	(tm) =	ssettm $0x1  }
0x91: {  	s18 =	sld [smem:$0x3FFB];
	_ =	sdelay $0x3  }
0x92: {  	_ =	strace s18  }
0x93: {  	s3 =	sld [smem:$0x3FFC];
	_ =	sdelay $0x3  }
0x94: {  	_ =	strace s3  }
0x95: {  	s3 =	sld [smem:$0x3FFD];
	_ =	sdelay $0x3  }
0x96: {  	_ =	strace s3  }
0x97: {  	_ =	strace $0x8FFFFFFF  }
0x98: {  	s19 =	sld [smem:$0x3FDB];
	_ =	sdelay $0x1  }
0x99: {  	s4 =	simm.s32 $_scs_section_size  }
0x9a: {  	s5 =	simm.s32 $_size__tile_overlayer_lowered;
	s6 =	simm.s32 $_tile_overlayer_lowered  }
0x9b: {  	s22 =	simm.s32 $0x1BFF;
	s21 =	sshll.u32 s6, $0x1;
	s3 =	sadd.s32 s4, s19  }
0x9c: {  	s7 =	simm.s32 $0x0;
	s20 =	sshll.u32 s5, $0x1;
	s5 =	sadd.s32 s21, s3  }
0x9d: {  	[timem:s7], [sflag:s22] =	dma.local [hbm:s5], s20  }
0x9e: {  	_ =	swait.ge [sflag:s22], s20  }
0x9f: {  	s4 =	ssub.s32 $0x0, s20;
	[sflag:s22] =	ssyncset.done $0x0  }
0xa0: {  	[sflag:s22] =	ssyncadd.s32 s4;
	_ =	sdelay $0x1  }
0xa1: {  	s23 =	simm.s32 $0x1B8B  }
0xa2: {  	_ =	swait.ge [sflag:s23], $0x1  }
0xa3: {  	[sflag:s23] =	ssyncset.done $0x0  }
0xa4: {  	s25 =	simm.s32 $0x1B8E;
	s24 =	sld [smem:$0x3FFE];
	[sflag:s23] =	ssyncadd.s32 $0xFFFFFFFF  }
0xa5: {  	s26 =	simm.s32 $execute0_lowered;
	[smem:$0x3FD2] =	sst s25  }
0xa6: {  	s5 =	sshll.u32 s26, $0x1;
	_ =	strace $0x80000049;
	[dreg:$0x1] =	wrdreg $0xFFFFFFFF  }
0xa7: {  	s28 =	simm.s32 $_size_execute0_lowered;
	s3 =	sadd.s32 s3, s5;
	[dreg:$0x0] =	wrdreg $0x0  }
0xa8: {  	s5 =	sshll.u32 s28, $0x1;
	[dreg:$0x2] =	wrdreg s3  }
0xa9: {  	[dreg:$0x3] =	wrdreg s5  }
0xaa: {  	[dreg:$0x4] =	wrdreg $0xC0  }
0xab: {  	_ =	task [dreg:s7], $0x5FFFF  }
0xac: {  	[dreg:$0x1] =	wrdreg $0xFFFFFFFF  }
0xad: {  	[dreg:$0x0] =	wrdreg $0x60  }
0xae: {  	[dreg:$0x2] =	wrdreg s24  }
0xaf: {  	[dreg:$0x3] =	wrdreg s2  }
0xb0: {  	[dreg:$0x4] =	wrdreg $0x9  }
0xb1: {  	_ =	task.clear_ibuf [dreg:s7], $0x5FFFF;
	_ =	strace $0x90000049  }
0xb2: {  	s29 =	simm.s32 $0x9;
	_ =	strace $0x8000004B  }
0xb3: {  	_ =	swait.ge [sflag:s29], $0x1  }
0xb4: {  	[sflag:s29] =	ssyncadd.s32 $0xFFFFFFFF  }
0xb5: {  	_ =	strace $0x9000004B  }
0xb6: {  	_ =	sfence  }
0xb7: {  	s30 =	sld [smem:$0x0];
	_ =	sdelay $0x2  }
0xb8: {  	s31 =	sshll.u32 s1, $0xD;
	s1 =	sshrl.u32 s1, $0x2  }
0xb9: {  	s3 =	sand.u32 $0x4000, s31;
	s1 =	sadd.s32 s1, s30  }
0xba: {  	s0 =	sor.u32 s3, s0;
	s1 =	sshll.u32 s1, $0x11  }
0xbb: {  	s0 =	sor.u32 s1, s0  }
0xbc: {  	s0 =	sadd.s32 $0x8F2B, s0  }
0xbd: {  	[sflag:s0] =	ssyncadd.remote.s32 $0x1  }
0xbe: {  	_ =	sfence.sel $0xFFFF  }
0xbf: {  	[dreg:$0x0] =	wrdreg $0xFFFFFFFF;
	(pc) =	sbr.abs _section_cstart, $3  }
0xc0: {  	[dreg:$0x1] =	wrdreg $0xFFFFFFFF  }
0xc1: {  	_ =	task.clear_ibuf [dreg:s7], $0x2FFFF;
	_ =	strace $0x9FFFFFFF  }
0xc2: {  	(tm) =	ssettm $0x7FFFFFFF  }
0xc3: {  	_ =	shalt  }
tec
execute0_lowered:
.L_overlay_start_1:
0x0: {  	(tag) =	ssettag $0x1  }
0x1: {  	s4 =	stileid.u32;
	s0 =	rddreg [dreg:$0x0]  }
0x2: {  	s1 =	srdreg.scid;
	s3 =	simm.s32 $0x0;
	s17 =	simm.s32 $0x3  }
0x3: {  	s18 =	simm.s32 $0xA000;
	s19 =	simm.s32 $0xC800;
	s20 =	simm.s32 $0x11800  }
0x4: {  	s21 =	simm.s32 $0x12480;
	s22 =	simm.s32 $0x13100;
	s23 =	simm.s32 $0x13D80  }
0x5: {  	s24 =	simm.s32 $0x1;
	s25 =	simm.s32 $0xF000;
	s26 =	simm.s32 $0x5000  }
0x6: {  	s28 =	simm.s32 $0x2;
	s29 =	simm.s32 $0x0;
	s2 =	sshll.u32 s4, $0x1  }
0x7: {  	s1 =	sand.u32 $0x1, s1;
	[smem:$0x7FF] =	sst s3;
	s9 =	sshrl.u32 s4, $0x3  }
0x8: {  	s4 =	sadd.s32 $0x60800, s0;
	s5 =	sadd.s32 $0x56A00, s0;
	s10 =	smul.u32 $0x50000, s9  }
0x9: {  	s6 =	sadd.s32 $0x2E00, s0;
	s2 =	sand.u32 $0xE, s2;
	s30 =	smul.u32 $0x500, s9  }
0xa: {  	_ =	strace $0x8000004A;
	s13 =	smul.u32 $0x27100, s9;
	s2 =	sor.u32 s1, s2  }
0xb: {  	s9 =	sand.u32 $0x1, s9;
	s1 =	ssub.s32 $0x2, s1;
	s8 =	smul.u32 $0x5000, s2  }
0xc: {  	p0 =	seq.s32 s9, $0x1;
	s31 =	sshrl.u32 s1, $0x1;
	s12 =	sshrl.u32 s13, $0x3  }
0xd: {  	p1 =	sne.s32 s2, $0x0;
	s1 =	ssub.s32 s1, s31;
	s7 =	sshrl.u32 s8, $0x3  }
0xe: {  	s8 =	sadd.s32 s10, s8;
	s10 =	sadd.s32 s4, s12;
	s16 =	smax.u32 s1, $0x1  }
0xf: {  	s11 =	sadd.s32 s7, s0;
	s7 =	sadd.s32 $0x3400, s0;
	s8 =	sshrl.u32 s8, $0x3  }
0x10: {  	s14 =	sadd.s32 s8, s0;
	s0 =	sadd.s32 s30, s0;
	s8 =	sadd.s32 $0xDA00, s11  }
0x11: {  	s9 =	sadd.s32 $0x3A00, s11;
	s11 =	sadd.s32 s5, s12;
	s12 =	sadd.s32 $0xC80, s13  }
0x12: {  	v0 =	vimm.f32 $0.0e+00;
	s13 =	sadd.s32 $0x1900, s13;
	s14 =	sadd.s32 $0x17A00, s14;
	s15 =	sadd.s32 $0x2BA00, s0  }
.LBB2_1:
0x13: {  	[tilespmem:s3], [sflag:$0x3] =	stream.linear.gather [hbm4b:s8+s3], $0x5000, $0x38;
	[tilespmem:$0x14A00] =	vst v63  }
0x14: {  	_ =	swait.ge [sflag:s17], $0x5000  }
0x15: {  	[sflag:s17] =	ssyncset.done $0x0  }
0x16: {  	[sflag:s17] =	ssyncadd.s32 $0xFFFFB000  }
0x17: {  	s0 =	rddreg [dreg:$0x1]  }
0x18: {  	[tilespmem:s18], [sflag:$0x3] =	stream.linear.gather [hbm4b:s0+s3], $0x2800, $0x38;
	[tilespmem:$0x14A00] =	vst v63  }
0x19: {  	_ =	swait.ge [sflag:s17], $0x2800  }
0x1a: {  	[sflag:s17] =	ssyncset.done $0x0  }
.Ltmp0:
0x1b: {  	[sflag:s17] =	ssyncadd.s32 $0xFFFFD800;
	(pc) =	sbr.rel @!p0 .LBB2_2-.Ltmp0, $4  }
0x1c: {  	[tilespmem:s19], [sflag:$0x3] =	stream.linear.gather [hbm4b:s6+s3], $0x2800, $0x38;
	[tilespmem:$0x14A00] =	vst v63  }
0x1d: {  	_ =	swait.ge [sflag:s17], $0x2800  }
0x1e: {  	[sflag:s17] =	ssyncset.done $0x0  }
0x1f: {  	[sflag:s17] =	ssyncadd.s32 $0xFFFFD800  }
0x20: {  	s0 =	simm.s32 $0x40;
	s1 =	simm.s32 $0x0  }
.LBB2_4:
0x21: {  	p2 =	sne.s32 s0, $0x9FC0;
	[tilespmem:s1+$0xF000] =	vst v0;
	s2 =	smov.u32 s0;
	s0 =	sadd.s32 $0x40, s0  }
.Ltmp1:
0x22: {  	[tilespmem:s1+$0x5000] =	vst v0;
	(pc) =	sbr.rel @p2 .LBB2_4-.Ltmp1, $2  }
0x23: {  	[tilespmem:s1+$0x7800] =	vst v0;
	_ =	sdelay $0x2  }
0x24: {  	s1 =	sshra.s32 s2, $0x2  }
.Ltmp2:
0x25: {  	(pc) =	sbr.rel .LBB2_6-.Ltmp2, $4  }
0x26: {  	_ = 	snop  }
0x27: {  	[tilespmem:s1+$0xF000] =	vst v0  }
0x28: {  	[tilespmem:s1+$0x5000] =	vst v0  }
0x29: {  	[tilespmem:s1+$0x7800] =	vst v0  }
.LBB2_2:
0x2a: {  	[tilespmem:s26], [sflag:$0x3] =	stream.linear.gather [hbm4b:s9+s3], $0x5000, $0x38;
	[tilespmem:$0x14A00] =	vst v63  }
0x2b: {  	_ =	swait.ge [sflag:s17], $0x5000  }
0x2c: {  	[sflag:s17] =	ssyncset.done $0x0  }
0x2d: {  	[sflag:s17] =	ssyncadd.s32 $0xFFFFB000  }
0x2e: {  	[tilespmem:s25], [sflag:$0x3] =	stream.linear.gather [hbm4b:s7+s3], $0x2800, $0x38;
	[tilespmem:$0x14A00] =	vst v63  }
0x2f: {  	_ =	swait.ge [sflag:s17], $0x2800  }
0x30: {  	[sflag:s17] =	ssyncset.done $0x0  }
0x31: {  	[sflag:s17] =	ssyncadd.s32 $0xFFFFD800  }
.LBB2_6:
0x32: {  	s30 =	simm.s32 $0x0  }
0x33: {  	[tilespmem:s20], [sflag:$0x1] =	stream.linear.gather [hbm4b:s10+s30], $0xC80, $0x38;
	[tilespmem:$0x14A00] =	vst v63  }
0x34: {  	_ = 	snop  }
0x35: {  	[tilespmem:s21], [sflag:$0x1] =	stream.linear.gather [hbm4b:s11+s30], $0xC80, $0x38;
	[tilespmem:$0x14A00] =	vst v63  }
.LBB2_7:
0x36: {  	s31 =	smul.u32 $0x1900, s30;
	_ =	sdelay $0x1  }
0x37: {  	s0 =	sadd.s32 s31, s12  }
0x38: {  	s0 =	sshrl.u32 s0, $0x3  }
0x39: {  	s1 =	sadd.s32 s4, s0  }
0x3a: {  	[tilespmem:s22], [sflag:$0x2] =	stream.linear.gather [hbm4b:s1+s3], $0xC80, $0x38;
	[tilespmem:$0x14A00] =	vst v63  }
0x3b: {  	s0 =	sadd.s32 s5, s0  }
0x3c: {  	[tilespmem:s23], [sflag:$0x2] =	stream.linear.gather [hbm4b:s0+s3], $0xC80, $0x38;
	[tilespmem:$0x14A00] =	vst v63  }
0x3d: {  	_ =	swait.ge [sflag:s24], $0xC80  }
0x3e: {  	[sflag:s24] =	ssyncset.done $0x0  }
0x3f: {  	[sflag:s24] =	ssyncadd.s32 $0xFFFFF380  }
0x40: {  	_ =	swait.ge [sflag:s24], $0xC80  }
0x41: {  	[sflag:s24] =	ssyncset.done $0x0  }
0x42: {  	s2 =	simm.s32 $0x11840;
	[sflag:s24] =	ssyncadd.s32 $0xFFFFF380  }
0x43: {  	s1 =	simm.s32 $0x124C0;
	v1 =	vld [tilespmem:s2+$0x30]  }
0x44: {  	v2 =	vld [tilespmem:s1+$0x30]  }
0x45: {  	v3 =	vld [tilespmem:s1+$0xFFFFFFC0]  }
0x46: {  	v4 =	vld [tilespmem:s2+$0xFFFFFFD0]  }
0x47: {  	v5 =	vld [tilespmem:s1+$0xFFFFFFD0]  }
0x48: {  	v6 =	vld [tilespmem:s2+$0xFFFFFFE0]  }
0x49: {  	v7 =	vld [tilespmem:s1+$0xFFFFFFE0]  }
0x4a: {  	v9 =	vld [tilespmem:s2+$0xFFFFFFF0]  }
0x4b: {  	v11 =	vld [tilespmem:s1+$0xFFFFFFF0]  }
0x4c: {  	v12 =	vld [tilespmem:s2+$0x0]  }
0x4d: {  	v8 =	vld.idx.msk [tilespmem:v1+s18+$0x0], $0xffff  }
0x4e: {  	v10 =	vld.idx.msk [tilespmem:v2+s19+$0x0], $0xffff  }
0x4f: {  	v13 =	vld [tilespmem:s1+$0x0]  }
0x50: {  	v15 =	vld [tilespmem:s2+$0x10]  }
0x51: {  	v16 =	vld [tilespmem:s1+$0x10]  }
0x52: {  	v14 =	vld [tilespmem:s2+$0xFFFFFFC0]  }
0x53: {  	v17 =	vld [tilespmem:s2+$0x20];
	v8 =	vadd.f32 v10, v8  }
0x54: {  	v18 =	vld [tilespmem:s1+$0x20]  }
0x55: {  	v19 =	vld.idx.msk [tilespmem:v3+s19+$0x0], $0xffff;
	v10 =	vmul.f32 $2.000000030e-01, v8  }
0x56: {  	v20 =	vld.idx.msk [tilespmem:v4+s18+$0x0], $0xffff  }
0x57: {  	v21 =	vld.idx.msk [tilespmem:v6+s18+$0x0], $0xffff;
	v8 =	vmax.f32 v8, v10  }
0x58: {  	v10 =	vld.idx.msk [tilespmem:v5+s19+$0x0], $0xffff;
	v8 =	vmul.f32 $1.442695020e+00, v8  }
0x59: {  	v22 =	vld.idx.msk [tilespmem:v7+s19+$0x0], $0xffff  }
0x5a: {  	v23 =	vld.idx.msk [tilespmem:v14+s18+$0x0], $0xffff;
	(erf) = vpow2.f32 v8  }
0x5b: {  	v24 =	vld.idx.msk [tilespmem:v11+s19+$0x0], $0xffff  }
0x5c: {  	v8 =	vld.idx.msk [tilespmem:v9+s18+$0x0], $0xffff  }
0x5d: {  	v25 =	vld.idx.msk [tilespmem:v12+s18+$0x0], $0xffff;
	v10 =	vadd.f32 v10, v20  }
0x5e: {  	v45 =	vld.idx.msk [tilespmem:v13+s19+$0x0], $0xffff  }
0x5f: {  	v19 =	vadd.f32 v19, v23;
	v26 =	vmul.f32 $2.000000030e-01, v10  }
0x60: {  	v21 =	vadd.f32 v22, v21  }
0x61: {  	v46 =	vld.idx.msk [tilespmem:v15+s18+$0x0], $0xffff;
	v29 =	vmul.f32 $2.000000030e-01, v19;
	v8 =	vadd.f32 v24, v8;
	v10 =	vmax.f32 v10, v26  }
0x62: {  	v27 =	vld.idx.msk [tilespmem:v16+s19+$0x0], $0xffff;
	v47 =	vmul.f32 $2.000000030e-01, v21;
	v10 =	vmul.f32 $1.442695020e+00, v10  }
0x63: {  	v48 =	vld.idx.msk [tilespmem:v17+s18+$0x0], $0xffff;
	v19 =	vmax.f32 v19, v29;
	v20 =	vadd.f32 v45, v25;
	v50 =	vmul.f32 $2.000000030e-01, v8;
	v28 =	vpop (erf)  }
0x64: {  	(erf) = vpow2.f32 v10;
	v10 =	vmul.f32 $1.442695020e+00, v19;
	[tilespmem:v2+s25+$0x0] =	vst.idx.add.f32.msk $0xffff, v28  }
0x65: {  	v21 =	vmax.f32 v21, v47;
	v19 =	vmul.f32 $2.000000030e-01, v20;
	v51 =	vld.idx.msk [tilespmem:v1+s3+$0x0], $0xffff  }
0x66: {  	v49 =	vld.idx.msk [tilespmem:v18+s19+$0x0], $0xffff;
	v21 =	vmul.f32 $1.442695020e+00, v21;
	v8 =	vmax.f32 v8, v50;
	(erf) = vpow2.f32 v10  }
0x67: {  	v22 =	vadd.f32 v27, v46;
	v8 =	vmul.f32 $1.442695020e+00, v8;
	v19 =	vmax.f32 v20, v19  }
0x68: {  	v1 =	vadd.s32 $0x2800, v1;
	v19 =	vmul.f32 $1.442695020e+00, v19;
	(erf) = vpow2.f32 v21  }
0x69: {  	v10 =	vmul.f32 $2.000000030e-01, v22;
	(erf) = vpow2.f32 v8  }
0x6a: {  	(erf) = vpow2.f32 v19;
	v54 =	vmul.f32 v28, v51  }
0x6b: {  	v52 =	vadd.f32 v49, v48;
	v10 =	vmax.f32 v22, v10  }
0x6c: {  	v10 =	vmul.f32 $1.442695020e+00, v10;
	[tilespmem:v2+s26+$0x0] =	vst.idx.add.f32.msk $0xffff, v54  }
0x6d: {  	v53 =	vmul.f32 $2.000000030e-01, v52;
	v30 =	vpop (erf);
	v1 =	vld.idx.msk [tilespmem:v1+s3+$0x0], $0xffff  }
0x6e: {  	(erf) = vpow2.f32 v10;
	[tilespmem:v5+s25+$0x0] =	vst.idx.add.f32.msk $0xffff, v30  }
0x6f: {  	v20 =	vmax.f32 v52, v53;
	v19 =	vld.idx.msk [tilespmem:v4+s3+$0x0], $0xffff;
	v55 =	vpop (erf)  }
0x70: {  	v8 =	vmul.f32 $1.442695020e+00, v20;
	[tilespmem:v3+s25+$0x0] =	vst.idx.add.f32.msk $0xffff, v55  }
0x71: {  	v34 =	vpop (erf);
	v56 =	vld.idx.msk [tilespmem:v14+s3+$0x0], $0xffff  }
0x72: {  	v2 =	vadd.s32 $0x2800, v2;
	(erf) = vpow2.f32 v8;
	[tilespmem:v7+s25+$0x0] =	vst.idx.add.f32.msk $0xffff, v34;
	v35 =	vpop (erf)  }
0x73: {  	[tilespmem:v11+s25+$0x0] =	vst.idx.add.f32.msk $0xffff, v35;
	v10 =	vpop (erf)  }
0x74: {  	[tilespmem:v13+s25+$0x0] =	vst.idx.add.f32.msk $0xffff, v10  }
0x75: {  	v1 =	vmul.f32 v28, v1;
	v57 =	vld.idx.msk [tilespmem:v9+s3+$0x0], $0xffff  }
0x76: {  	v58 =	vld.idx.msk [tilespmem:v12+s3+$0x0], $0xffff  }
0x77: {  	v8 =	vpop (erf);
	[tilespmem:v2+s26+$0x0] =	vst.idx.add.f32.msk $0xffff, v1  }
0x78: {  	[tilespmem:v16+s25+$0x0] =	vst.idx.add.f32.msk $0xffff, v8  }
0x79: {  	v14 =	vadd.s32 $0x2800, v14;
	v19 =	vmul.f32 v30, v19;
	v2 =	vld.idx.msk [tilespmem:v6+s3+$0x0], $0xffff  }
0x7a: {  	v59 =	vld.idx.msk [tilespmem:v15+s3+$0x0], $0xffff  }
0x7b: {  	v21 =	vmul.f32 v55, v56;
	[tilespmem:v5+s26+$0x0] =	vst.idx.add.f32.msk $0xffff, v19;
	v1 =	vpop (erf)  }
0x7c: {  	v61 =	vadd.s32 $0x2800, v4;
	[tilespmem:v18+s25+$0x0] =	vst.idx.add.f32.msk $0xffff, v1  }
0x7d: {  	[tilespmem:v3+s26+$0x0] =	vst.idx.add.f32.msk $0xffff, v21  }
0x7e: {  	v19 =	vld.idx.msk [tilespmem:v14+s3+$0x0], $0xffff;
	v14 =	vmul.f32 v35, v57  }
0x7f: {  	v62 =	vadd.s32 $0x2800, v6;
	v60 =	vld.idx.msk [tilespmem:v17+s3+$0x0], $0xffff  }
0x80: {  	v2 =	vmul.f32 v34, v2;
	[tilespmem:v11+s26+$0x0] =	vst.idx.add.f32.msk $0xffff, v14  }
0x81: {  	v63 =	vadd.s32 $0x2800, v9;
	v4 =	vmul.f32 v8, v59;
	v14 =	vld.idx.msk [tilespmem:v61+s3+$0x0], $0xffff  }
0x82: {  	[tilespmem:v7+s26+$0x0] =	vst.idx.add.f32.msk $0xffff, v2  }
0x83: {  	v2 =	vmul.f32 v10, v58;
	[tilespmem:v16+s26+$0x0] =	vst.idx.add.f32.msk $0xffff, v4;
	v4 =	vadd.s32 $0x2800, v3;
	v3 =	vadd.s32 $0x2800, v5  }
0x84: {  	v5 =	vadd.s32 $0x2800, v11;
	v11 =	vadd.s32 $0x2800, v12;
	v12 =	vadd.s32 $0x2800, v15;
	v15 =	vld.idx.msk [tilespmem:v62+s3+$0x0], $0xffff  }
0x85: {  	[tilespmem:v13+s26+$0x0] =	vst.idx.add.f32.msk $0xffff, v2;
	v2 =	vmul.f32 v1, v60  }
0x86: {  	v9 =	vadd.s32 $0x2800, v7;
	v6 =	vadd.s32 $0x2800, v13;
	v13 =	vadd.s32 $0x2800, v17;
	v17 =	vld.idx.msk [tilespmem:v63+s3+$0x0], $0xffff  }
0x87: {  	s0 =	simm.s32 $0x0;
	s2 =	simm.s32 $0x118C0;
	v7 =	vadd.s32 $0x2800, v18;
	v33 =	vmul.f32 v55, v19;
	[tilespmem:v18+s26+$0x0] =	vst.idx.add.f32.msk $0xffff, v2;
	v2 =	vadd.s32 $0x2800, v16  }
.LBB2_8:
0x88: {  	v36 =	vld [tilespmem:s2+$0x30];
	s1 =	sadd.s32 $0x80, s1  }
0x89: {  	s0 =	sadd.s32 $0x8, s0;
	v29 =	vld [tilespmem:s1+$0x30]  }
0x8a: {  	p2 =	slt.u32 s0, $0xC0;
	v16 =	vld [tilespmem:s1+$0xFFFFFFC0]  }
0x8b: {  	v30 =	vmul.f32 v30, v14;
	v31 =	vld [tilespmem:s2+$0xFFFFFFD0]  }
0x8c: {  	v37 =	vmul.f32 v34, v15;
	v18 =	vld [tilespmem:s1+$0xFFFFFFD0]  }
0x8d: {  	v35 =	vmul.f32 v35, v17;
	v23 =	vld [tilespmem:s2+$0xFFFFFFE0]  }
0x8e: {  	v19 =	vld [tilespmem:s1+$0xFFFFFFE0]  }
0x8f: {  	v38 =	vadd.s32 $0x2800, v16;
	v25 =	vld [tilespmem:s2+$0xFFFFFFF0]  }
0x90: {  	v14 =	vadd.s32 $0x2800, v31;
	v24 =	vld.idx.msk [tilespmem:v36+s18+$0x0], $0xffff  }
0x91: {  	v39 =	vadd.s32 $0x2800, v18;
	v32 =	vld.idx.msk [tilespmem:v29+s19+$0x0], $0xffff  }
0x92: {  	v15 =	vadd.s32 $0x2800, v23;
	v20 =	vld [tilespmem:s1+$0xFFFFFFF0]  }
0x93: {  	v40 =	vadd.s32 $0x2800, v19;
	v26 =	vld [tilespmem:s2+$0x0]  }
0x94: {  	v17 =	vadd.s32 $0x2800, v25;
	v21 =	vld [tilespmem:s1+$0x0]  }
0x95: {  	v27 =	vld [tilespmem:s2+$0x10]  }
0x96: {  	v22 =	vld [tilespmem:s1+$0x10]  }
0x97: {  	v32 =	vadd.f32 v32, v24;
	v41 =	vadd.s32 $0x2800, v20;
	v28 =	vld [tilespmem:s2+$0x20]  }
0x98: {  	v42 =	vadd.s32 $0x2800, v26;
	v24 =	vld [tilespmem:s1+$0x20]  }
0x99: {  	v44 =	vmul.f32 $2.000000030e-01, v32;
	v34 =	vld [tilespmem:s2+$0xFFFFFFC0];
	v43 =	vadd.s32 $0x2800, v21  }
0x9a: {  	v45 =	vld.idx.msk [tilespmem:v16+s19+$0x0], $0xffff;
	v46 =	vadd.s32 $0x2800, v27  }
0x9b: {  	v32 =	vmax.f32 v32, v44;
	v47 =	vld.idx.msk [tilespmem:v31+s18+$0x0], $0xffff;
	v48 =	vadd.s32 $0x2800, v22  }
0x9c: {  	v50 =	vmul.f32 $1.442695020e+00, v32;
	v44 =	vld.idx.msk [tilespmem:v18+s19+$0x0], $0xffff;
	v49 =	vadd.s32 $0x2800, v28  }
0x9d: {  	v51 =	vld.idx.msk [tilespmem:v23+s18+$0x0], $0xffff;
	v52 =	vadd.s32 $0x2800, v24  }
0x9e: {  	v32 =	vadd.s32 $0x2800, v34;
	v53 =	vld.idx.msk [tilespmem:v19+s19+$0x0], $0xffff;
	(erf) = vpow2.f32 v50  }
0x9f: {  	v50 =	vld.idx.msk [tilespmem:v25+s18+$0x0], $0xffff  }
0xa0: {  	v54 =	vld.idx.msk [tilespmem:v20+s19+$0x0], $0xffff  }
0xa1: {  	v55 =	vld.idx.msk [tilespmem:v34+s18+$0x0], $0xffff  }
0xa2: {  	v44 =	vadd.f32 v44, v47;
	v47 =	vld.idx.msk [tilespmem:v26+s18+$0x0], $0xffff  }
0xa3: {  	v56 =	vld.idx.msk [tilespmem:v21+s19+$0x0], $0xffff  }
0xa4: {  	v57 =	vmul.f32 $2.000000030e-01, v44;
	v51 =	vadd.f32 v53, v51;
	v53 =	vld.idx.msk [tilespmem:v27+s18+$0x0], $0xffff  }
0xa5: {  	v58 =	vld.idx.msk [tilespmem:v22+s19+$0x0], $0xffff  }
0xa6: {  	v44 =	vmax.f32 v44, v57;
	v57 =	vmul.f32 $2.000000030e-01, v51;
	v50 =	vadd.f32 v54, v50;
	v54 =	vld.idx.msk [tilespmem:v28+s18+$0x0], $0xffff  }
0xa7: {  	v45 =	vadd.f32 v45, v55;
	v44 =	vmul.f32 $1.442695020e+00, v44;
	v55 =	vld.idx.msk [tilespmem:v24+s19+$0x0], $0xffff;
	v59 =	vpop (erf)  }
0xa8: {  	v51 =	vmax.f32 v51, v57;
	v57 =	vmul.f32 $2.000000030e-01, v50;
	[tilespmem:v29+s25+$0x0] =	vst.idx.add.f32.msk $0xffff, v59  }
0xa9: {  	v60 =	vmul.f32 $2.000000030e-01, v45;
	v51 =	vmul.f32 $1.442695020e+00, v51;
	v47 =	vadd.f32 v56, v47;
	v56 =	vld.idx.msk [tilespmem:v36+s3+$0x0], $0xffff  }
0xaa: {  	v50 =	vmax.f32 v50, v57;
	(erf) = vpow2.f32 v44;
	v44 =	vld.idx.msk [tilespmem:v11+s3+$0x0], $0xffff;
	v11 =	vmov v42  }
0xab: {  	v42 =	vmax.f32 v45, v60;
	v45 =	vmul.f32 $2.000000030e-01, v47;
	v53 =	vadd.f32 v58, v53;
	v57 =	vld.idx.msk [tilespmem:v12+s3+$0x0], $0xffff;
	v12 =	vmovc v46  }
0xac: {  	v42 =	vmul.f32 $1.442695020e+00, v42;
	v46 =	vmul.f32 $1.442695020e+00, v50;
	v50 =	vld.idx.msk [tilespmem:v13+s3+$0x0], $0xffff;
	v13 =	vmov v49  }
0xad: {  	v36 =	vadd.s32 $0x2800, v36;
	v49 =	vmul.f32 $2.000000030e-01, v53;
	v54 =	vadd.f32 v55, v54;
	[tilespmem:v4+s26+$0x0] =	vst.idx.add.f32.msk $0xffff, v33;
	v4 =	vmovc v38  }
0xae: {  	v33 =	vmax.f32 v47, v45;
	(erf) = vpow2.f32 v42;
	[tilespmem:v3+s26+$0x0] =	vst.idx.add.f32.msk $0xffff, v30;
	v3 =	vmov v39  }
0xaf: {  	v30 =	vmax.f32 v53, v49;
	v38 =	vmul.f32 $2.000000030e-01, v54;
	v39 =	vmul.f32 v59, v56;
	[tilespmem:v9+s26+$0x0] =	vst.idx.add.f32.msk $0xffff, v37  }
0xb0: {  	v33 =	vmul.f32 $1.442695020e+00, v33;
	v37 =	vmul.f32 $1.442695020e+00, v30;
	v9 =	vmovc v40;
	[tilespmem:v5+s26+$0x0] =	vst.idx.add.f32.msk $0xffff, v35;
	v5 =	vmov v41  }
0xb1: {  	v10 =	vmul.f32 v10, v44;
	v38 =	vmax.f32 v54, v38;
	[tilespmem:v29+s26+$0x0] =	vst.idx.add.f32.msk $0xffff, v39;
	(erf) = vpow2.f32 v51  }
0xb2: {  	v35 =	vmul.f32 $1.442695020e+00, v38;
	v36 =	vld.idx.msk [tilespmem:v36+s3+$0x0], $0xffff;
	(erf) = vpow2.f32 v46  }
0xb3: {  	v8 =	vmul.f32 v8, v57;
	v30 =	vpop (erf);
	(erf) = vpow2.f32 v33;
	[tilespmem:v6+s26+$0x0] =	vst.idx.add.f32.msk $0xffff, v10;
	v6 =	vmov v43  }
0xb4: {  	v1 =	vmul.f32 v1, v50;
	[tilespmem:v18+s25+$0x0] =	vst.idx.add.f32.msk $0xffff, v30;
	(erf) = vpow2.f32 v37  }
0xb5: {  	v29 =	vadd.s32 $0x2800, v29;
	v10 =	vld.idx.msk [tilespmem:v31+s3+$0x0], $0xffff;
	(erf) = vpow2.f32 v35  }
0xb6: {  	[tilespmem:v2+s26+$0x0] =	vst.idx.add.f32.msk $0xffff, v8;
	v2 =	vmov v48  }
0xb7: {  	v31 =	vpop (erf);
	[tilespmem:v7+s26+$0x0] =	vst.idx.add.f32.msk $0xffff, v1;
	v7 =	vmov v52  }
0xb8: {  	v1 =	vmul.f32 v59, v36;
	[tilespmem:v16+s25+$0x0] =	vst.idx.add.f32.msk $0xffff, v31  }
0xb9: {  	v33 =	vld.idx.msk [tilespmem:v34+s3+$0x0], $0xffff  }
0xba: {  	[tilespmem:v29+s26+$0x0] =	vst.idx.add.f32.msk $0xffff, v1;
	v34 =	vpop (erf)  }
0xbb: {  	v29 =	vmul.f32 v30, v10;
	[tilespmem:v19+s25+$0x0] =	vst.idx.add.f32.msk $0xffff, v34;
	v35 =	vpop (erf)  }
0xbc: {  	[tilespmem:v20+s25+$0x0] =	vst.idx.add.f32.msk $0xffff, v35;
	v10 =	vpop (erf)  }
0xbd: {  	[tilespmem:v21+s25+$0x0] =	vst.idx.add.f32.msk $0xffff, v10;
	v8 =	vpop (erf)  }
0xbe: {  	[tilespmem:v22+s25+$0x0] =	vst.idx.add.f32.msk $0xffff, v8;
	v1 =	vpop (erf)  }
0xbf: {  	v33 =	vmul.f32 v31, v33;
	[tilespmem:v24+s25+$0x0] =	vst.idx.add.f32.msk $0xffff, v1  }
0xc0: {  	v23 =	vld.idx.msk [tilespmem:v23+s3+$0x0], $0xffff  }
0xc1: {  	v25 =	vld.idx.msk [tilespmem:v25+s3+$0x0], $0xffff  }
0xc2: {  	v26 =	vld.idx.msk [tilespmem:v26+s3+$0x0], $0xffff  }
0xc3: {  	v27 =	vld.idx.msk [tilespmem:v27+s3+$0x0], $0xffff  }
0xc4: {  	v28 =	vld.idx.msk [tilespmem:v28+s3+$0x0], $0xffff  }
0xc5: {  	[tilespmem:v16+s26+$0x0] =	vst.idx.add.f32.msk $0xffff, v33  }
0xc6: {  	v16 =	vmul.f32 v34, v23;
	[tilespmem:v18+s26+$0x0] =	vst.idx.add.f32.msk $0xffff, v29  }
0xc7: {  	v23 =	vmul.f32 v35, v25;
	v18 =	vld.idx.msk [tilespmem:v32+s3+$0x0], $0xffff  }
0xc8: {  	[tilespmem:v19+s26+$0x0] =	vst.idx.add.f32.msk $0xffff, v16;
	v16 =	vmul.f32 v10, v26  }
0xc9: {  	v19 =	vmul.f32 v8, v27;
	[tilespmem:v20+s26+$0x0] =	vst.idx.add.f32.msk $0xffff, v23  }
0xca: {  	[tilespmem:v21+s26+$0x0] =	vst.idx.add.f32.msk $0xffff, v16;
	v16 =	vmul.f32 v1, v28  }
.Ltmp3:
0xcb: {  	[tilespmem:v22+s26+$0x0] =	vst.idx.add.f32.msk $0xffff, v19;
	(pc) =	sbr.rel @p2 .LBB2_8-.Ltmp3, $4  }
0xcc: {  	[tilespmem:v24+s26+$0x0] =	vst.idx.add.f32.msk $0xffff, v16  }
0xcd: {  	v33 =	vmul.f32 v31, v18;
	v14 =	vld.idx.msk [tilespmem:v14+s3+$0x0], $0xffff  }
0xce: {  	v15 =	vld.idx.msk [tilespmem:v15+s3+$0x0], $0xffff  }
0xcf: {  	s2 =	sadd.s32 $0x80, s2;
	v17 =	vld.idx.msk [tilespmem:v17+s3+$0x0], $0xffff  }
0xd0: {  	_ =	sdelay $0x3  }
0xd1: {  	v11 =	vld.idx.msk [tilespmem:v11+s3+$0x0], $0xffff  }
0xd2: {  	v13 =	vld.idx.msk [tilespmem:v13+s3+$0x0], $0xffff  }
0xd3: {  	v12 =	vld.idx.msk [tilespmem:v12+s3+$0x0], $0xffff;
	v14 =	vmul.f32 v30, v14  }
0xd4: {  	[tilespmem:v4+s26+$0x0] =	vst.idx.add.f32.msk $0xffff, v33;
	v15 =	vmul.f32 v34, v15  }
0xd5: {  	v4 =	vmul.f32 v35, v17;
	[tilespmem:v3+s26+$0x0] =	vst.idx.add.f32.msk $0xffff, v14  }
0xd6: {  	[tilespmem:v9+s26+$0x0] =	vst.idx.add.f32.msk $0xffff, v15;
	v3 =	vmul.f32 v10, v11  }
0xd7: {  	p2 =	seq.s32 s30, $0x18;
	v1 =	vmul.f32 v1, v13;
	[tilespmem:v5+s26+$0x0] =	vst.idx.add.f32.msk $0xffff, v4  }
0xd8: {  	s0 =	sadd.s32 @!p2 s31, s13;
	v4 =	vmul.f32 v8, v12;
	[tilespmem:v6+s26+$0x0] =	vst.idx.add.f32.msk $0xffff, v3  }
0xd9: {  	s0 =	sshrl.u32 @!p2 s0, $0x3;
	[tilespmem:v7+s26+$0x0] =	vst.idx.add.f32.msk $0xffff, v1  }
0xda: {  	s2 =	simm.s32 @!p2 $0x0;
	s31 =	simm.s32 @!p2 $0x11800;
	s1 =	sadd.s32 @!p2 s4, s0;
	[tilespmem:v2+s26+$0x0] =	vst.idx.add.f32.msk $0xffff, v4  }
0xdb: {  	[tilespmem:s31], [sflag:$0x1] =	stream.linear.gather @!p2 [hbm4b:s1+s2], $0xC80, $0x38;
	[tilespmem:$0x14A00] =	vst v63  }
0xdc: {  	s0 =	sadd.s32 @!p2 s5, s0;
	s1 =	simm.s32 @!p2 $0x12480  }
0xdd: {  	[tilespmem:s1], [sflag:$0x1] =	stream.linear.gather @!p2 [hbm4b:s0+s2], $0xC80, $0x38;
	[tilespmem:$0x14A00] =	vst v63  }
0xde: {  	_ =	swait.ge [sflag:s28], $0xC80  }
0xdf: {  	[sflag:s28] =	ssyncset.done $0x0  }
0xe0: {  	[sflag:s28] =	ssyncadd.s32 $0xFFFFF380  }
0xe1: {  	_ =	swait.ge [sflag:s28], $0xC80  }
0xe2: {  	[sflag:s28] =	ssyncset.done $0x0  }
0xe3: {  	s31 =	simm.s32 $0x13140;
	[sflag:s28] =	ssyncadd.s32 $0xFFFFF380  }
0xe4: {  	s1 =	simm.s32 $0x13DC0;
	v1 =	vld [tilespmem:s31+$0x30]  }
0xe5: {  	v2 =	vld [tilespmem:s1+$0x30]  }
0xe6: {  	v3 =	vld [tilespmem:s1+$0xFFFFFFC0]  }
0xe7: {  	v4 =	vld [tilespmem:s31+$0xFFFFFFD0]  }
0xe8: {  	v5 =	vld [tilespmem:s1+$0xFFFFFFD0]  }
0xe9: {  	v7 =	vld [tilespmem:s31+$0xFFFFFFE0]  }
0xea: {  	v8 =	vld [tilespmem:s1+$0xFFFFFFE0]  }
0xeb: {  	v9 =	vld [tilespmem:s31+$0xFFFFFFF0]  }
0xec: {  	v11 =	vld [tilespmem:s1+$0xFFFFFFF0]  }
0xed: {  	v12 =	vld [tilespmem:s31+$0x0]  }
0xee: {  	v6 =	vld.idx.msk [tilespmem:v1+s18+$0x0], $0xffff  }
0xef: {  	v10 =	vld.idx.msk [tilespmem:v2+s19+$0x0], $0xffff  }
0xf0: {  	v13 =	vld [tilespmem:s1+$0x0]  }
0xf1: {  	v15 =	vld [tilespmem:s31+$0x10]  }
0xf2: {  	v16 =	vld [tilespmem:s1+$0x10]  }
0xf3: {  	v14 =	vld [tilespmem:s31+$0xFFFFFFC0]  }
0xf4: {  	v17 =	vld [tilespmem:s31+$0x20];
	v6 =	vadd.f32 v10, v6  }
0xf5: {  	v18 =	vld [tilespmem:s1+$0x20]  }
0xf6: {  	v19 =	vld.idx.msk [tilespmem:v3+s19+$0x0], $0xffff;
	v10 =	vmul.f32 $2.000000030e-01, v6  }
0xf7: {  	v20 =	vld.idx.msk [tilespmem:v4+s18+$0x0], $0xffff  }
0xf8: {  	v21 =	vld.idx.msk [tilespmem:v7+s18+$0x0], $0xffff;
	v6 =	vmax.f32 v6, v10  }
0xf9: {  	v10 =	vld.idx.msk [tilespmem:v5+s19+$0x0], $0xffff;
	v6 =	vmul.f32 $1.442695020e+00, v6  }
0xfa: {  	v22 =	vld.idx.msk [tilespmem:v8+s19+$0x0], $0xffff  }
0xfb: {  	v23 =	vld.idx.msk [tilespmem:v14+s18+$0x0], $0xffff;
	(erf) = vpow2.f32 v6  }
0xfc: {  	v24 =	vld.idx.msk [tilespmem:v11+s19+$0x0], $0xffff  }
0xfd: {  	v6 =	vld.idx.msk [tilespmem:v9+s18+$0x0], $0xffff  }
0xfe: {  	v25 =	vld.idx.msk [tilespmem:v12+s18+$0x0], $0xffff;
	v10 =	vadd.f32 v10, v20  }
0xff: {  	v45 =	vld.idx.msk [tilespmem:v13+s19+$0x0], $0xffff  }
0x100: {  	v19 =	vadd.f32 v19, v23;
	v26 =	vmul.f32 $2.000000030e-01, v10  }
0x101: {  	v21 =	vadd.f32 v22, v21  }
0x102: {  	v46 =	vld.idx.msk [tilespmem:v15+s18+$0x0], $0xffff;
	v29 =	vmul.f32 $2.000000030e-01, v19;
	v6 =	vadd.f32 v24, v6;
	v10 =	vmax.f32 v10, v26  }
0x103: {  	v27 =	vld.idx.msk [tilespmem:v16+s19+$0x0], $0xffff;
	v47 =	vmul.f32 $2.000000030e-01, v21;
	v10 =	vmul.f32 $1.442695020e+00, v10  }
0x104: {  	v48 =	vld.idx.msk [tilespmem:v17+s18+$0x0], $0xffff;
	v19 =	vmax.f32 v19, v29;
	v20 =	vadd.f32 v45, v25;
	v50 =	vmul.f32 $2.000000030e-01, v6;
	v28 =	vpop (erf)  }
0x105: {  	(erf) = vpow2.f32 v10;
	v10 =	vmul.f32 $1.442695020e+00, v19;
	[tilespmem:v2+s25+$0x0] =	vst.idx.add.f32.msk $0xffff, v28  }
0x106: {  	v21 =	vmax.f32 v21, v47;
	v19 =	vmul.f32 $2.000000030e-01, v20;
	v51 =	vld.idx.msk [tilespmem:v1+s3+$0x0], $0xffff  }
0x107: {  	v49 =	vld.idx.msk [tilespmem:v18+s19+$0x0], $0xffff;
	v21 =	vmul.f32 $1.442695020e+00, v21;
	v6 =	vmax.f32 v6, v50;
	(erf) = vpow2.f32 v10  }
0x108: {  	v22 =	vadd.f32 v27, v46;
	v6 =	vmul.f32 $1.442695020e+00, v6;
	v19 =	vmax.f32 v20, v19  }
0x109: {  	v1 =	vadd.s32 $0x2800, v1;
	v19 =	vmul.f32 $1.442695020e+00, v19;
	(erf) = vpow2.f32 v21  }
0x10a: {  	v10 =	vmul.f32 $2.000000030e-01, v22;
	(erf) = vpow2.f32 v6  }
0x10b: {  	(erf) = vpow2.f32 v19;
	v54 =	vmul.f32 v28, v51  }
0x10c: {  	v52 =	vadd.f32 v49, v48;
	v10 =	vmax.f32 v22, v10  }
0x10d: {  	v10 =	vmul.f32 $1.442695020e+00, v10;
	[tilespmem:v2+s26+$0x0] =	vst.idx.add.f32.msk $0xffff, v54  }
0x10e: {  	v53 =	vmul.f32 $2.000000030e-01, v52;
	v30 =	vpop (erf);
	v1 =	vld.idx.msk [tilespmem:v1+s3+$0x0], $0xffff  }
0x10f: {  	(erf) = vpow2.f32 v10;
	[tilespmem:v5+s25+$0x0] =	vst.idx.add.f32.msk $0xffff, v30  }
0x110: {  	v20 =	vmax.f32 v52, v53;
	v19 =	vld.idx.msk [tilespmem:v4+s3+$0x0], $0xffff;
	v55 =	vpop (erf)  }
0x111: {  	v6 =	vmul.f32 $1.442695020e+00, v20;
	[tilespmem:v3+s25+$0x0] =	vst.idx.add.f32.msk $0xffff, v55  }
0x112: {  	v34 =	vpop (erf);
	v56 =	vld.idx.msk [tilespmem:v14+s3+$0x0], $0xffff  }
0x113: {  	v2 =	vadd.s32 $0x2800, v2;
	(erf) = vpow2.f32 v6;
	[tilespmem:v8+s25+$0x0] =	vst.idx.add.f32.msk $0xffff, v34;
	v35 =	vpop (erf)  }
0x114: {  	[tilespmem:v11+s25+$0x0] =	vst.idx.add.f32.msk $0xffff, v35;
	v10 =	vpop (erf)  }
0x115: {  	[tilespmem:v13+s25+$0x0] =	vst.idx.add.f32.msk $0xffff, v10  }
0x116: {  	v1 =	vmul.f32 v28, v1;
	v57 =	vld.idx.msk [tilespmem:v9+s3+$0x0], $0xffff  }
0x117: {  	v58 =	vld.idx.msk [tilespmem:v12+s3+$0x0], $0xffff  }
0x118: {  	v6 =	vpop (erf);
	[tilespmem:v2+s26+$0x0] =	vst.idx.add.f32.msk $0xffff, v1  }
0x119: {  	[tilespmem:v16+s25+$0x0] =	vst.idx.add.f32.msk $0xffff, v6  }
0x11a: {  	v14 =	vadd.s32 $0x2800, v14;
	v19 =	vmul.f32 v30, v19;
	v2 =	vld.idx.msk [tilespmem:v7+s3+$0x0], $0xffff  }
0x11b: {  	v59 =	vld.idx.msk [tilespmem:v15+s3+$0x0], $0xffff  }
0x11c: {  	v21 =	vmul.f32 v55, v56;
	[tilespmem:v5+s26+$0x0] =	vst.idx.add.f32.msk $0xffff, v19;
	v1 =	vpop (erf)  }
0x11d: {  	v61 =	vadd.s32 $0x2800, v4;
	[tilespmem:v18+s25+$0x0] =	vst.idx.add.f32.msk $0xffff, v1  }
0x11e: {  	[tilespmem:v3+s26+$0x0] =	vst.idx.add.f32.msk $0xffff, v21  }
0x11f: {  	v19 =	vld.idx.msk [tilespmem:v14+s3+$0x0], $0xffff;
	v14 =	vmul.f32 v35, v57  }
0x120: {  	v60 =	vld.idx.msk [tilespmem:v17+s3+$0x0], $0xffff  }
0x121: {  	v62 =	vadd.s32 $0x2800, v7;
	v2 =	vmul.f32 v34, v2;
	[tilespmem:v11+s26+$0x0] =	vst.idx.add.f32.msk $0xffff, v14  }
0x122: {  	v4 =	vmul.f32 v6, v59;
	v14 =	vld.idx.msk [tilespmem:v61+s3+$0x0], $0xffff  }
0x123: {  	v63 =	vadd.s32 $0x2800, v9;
	[tilespmem:v8+s26+$0x0] =	vst.idx.add.f32.msk $0xffff, v2;
	v2 =	vmul.f32 v10, v58  }
0x124: {  	[tilespmem:v16+s26+$0x0] =	vst.idx.add.f32.msk $0xffff, v4  }
0x125: {  	v9 =	vadd.s32 $0x2800, v8;
	[tilespmem:v13+s26+$0x0] =	vst.idx.add.f32.msk $0xffff, v2;
	v7 =	vmul.f32 v1, v60;
	v2 =	vadd.s32 $0x2800, v5  }
0x126: {  	v5 =	vadd.s32 $0x2800, v11;
	v11 =	vadd.s32 $0x2800, v12;
	v12 =	vadd.s32 $0x2800, v15;
	v15 =	vld.idx.msk [tilespmem:v62+s3+$0x0], $0xffff  }
0x127: {  	v8 =	vadd.s32 $0x2800, v18;
	v4 =	vadd.s32 $0x2800, v3;
	v3 =	vadd.s32 $0x2800, v16;
	[tilespmem:v18+s26+$0x0] =	vst.idx.add.f32.msk $0xffff, v7  }
0x128: {  	s0 =	simm.s32 $0x0;
	s2 =	simm.s32 $0x131C0;
	v33 =	vmul.f32 v55, v19;
	v7 =	vadd.s32 $0x2800, v13;
	v13 =	vadd.s32 $0x2800, v17;
	v17 =	vld.idx.msk [tilespmem:v63+s3+$0x0], $0xffff  }
.LBB2_10:
0x129: {  	v36 =	vld [tilespmem:s2+$0x30];
	s1 =	sadd.s32 $0x80, s1  }
0x12a: {  	s0 =	sadd.s32 $0x8, s0;
	v29 =	vld [tilespmem:s1+$0x30]  }
0x12b: {  	p2 =	slt.u32 s0, $0xC0;
	v16 =	vld [tilespmem:s1+$0xFFFFFFC0]  }
0x12c: {  	v30 =	vmul.f32 v30, v14;
	v31 =	vld [tilespmem:s2+$0xFFFFFFD0]  }
0x12d: {  	v37 =	vmul.f32 v34, v15;
	v18 =	vld [tilespmem:s1+$0xFFFFFFD0]  }
0x12e: {  	v35 =	vmul.f32 v35, v17;
	v23 =	vld [tilespmem:s2+$0xFFFFFFE0]  }
0x12f: {  	v19 =	vld [tilespmem:s1+$0xFFFFFFE0]  }
0x130: {  	v38 =	vadd.s32 $0x2800, v16;
	v25 =	vld [tilespmem:s2+$0xFFFFFFF0]  }
0x131: {  	v14 =	vadd.s32 $0x2800, v31;
	v24 =	vld.idx.msk [tilespmem:v36+s18+$0x0], $0xffff  }
0x132: {  	v39 =	vadd.s32 $0x2800, v18;
	v32 =	vld.idx.msk [tilespmem:v29+s19+$0x0], $0xffff  }
0x133: {  	v15 =	vadd.s32 $0x2800, v23;
	v20 =	vld [tilespmem:s1+$0xFFFFFFF0]  }
0x134: {  	v40 =	vadd.s32 $0x2800, v19;
	v26 =	vld [tilespmem:s2+$0x0]  }
0x135: {  	v17 =	vadd.s32 $0x2800, v25;
	v21 =	vld [tilespmem:s1+$0x0]  }
0x136: {  	v27 =	vld [tilespmem:s2+$0x10]  }
0x137: {  	v22 =	vld [tilespmem:s1+$0x10]  }
0x138: {  	v32 =	vadd.f32 v32, v24;
	v41 =	vadd.s32 $0x2800, v20;
	v28 =	vld [tilespmem:s2+$0x20]  }
0x139: {  	v42 =	vadd.s32 $0x2800, v26;
	v24 =	vld [tilespmem:s1+$0x20]  }
0x13a: {  	v44 =	vmul.f32 $2.000000030e-01, v32;
	v34 =	vld [tilespmem:s2+$0xFFFFFFC0];
	v43 =	vadd.s32 $0x2800, v21  }
0x13b: {  	v45 =	vld.idx.msk [tilespmem:v16+s19+$0x0], $0xffff;
	v46 =	vadd.s32 $0x2800, v27  }
0x13c: {  	v32 =	vmax.f32 v32, v44;
	v47 =	vld.idx.msk [tilespmem:v31+s18+$0x0], $0xffff;
	v48 =	vadd.s32 $0x2800, v22  }
0x13d: {  	v50 =	vmul.f32 $1.442695020e+00, v32;
	v44 =	vld.idx.msk [tilespmem:v18+s19+$0x0], $0xffff;
	v49 =	vadd.s32 $0x2800, v28  }
0x13e: {  	v51 =	vld.idx.msk [tilespmem:v23+s18+$0x0], $0xffff;
	v52 =	vadd.s32 $0x2800, v24  }
0x13f: {  	v32 =	vadd.s32 $0x2800, v34;
	v53 =	vld.idx.msk [tilespmem:v19+s19+$0x0], $0xffff;
	(erf) = vpow2.f32 v50  }
0x140: {  	v50 =	vld.idx.msk [tilespmem:v25+s18+$0x0], $0xffff  }
0x141: {  	v54 =	vld.idx.msk [tilespmem:v20+s19+$0x0], $0xffff  }
0x142: {  	v55 =	vld.idx.msk [tilespmem:v34+s18+$0x0], $0xffff  }
0x143: {  	v44 =	vadd.f32 v44, v47;
	v47 =	vld.idx.msk [tilespmem:v26+s18+$0x0], $0xffff  }
0x144: {  	v56 =	vld.idx.msk [tilespmem:v21+s19+$0x0], $0xffff  }
0x145: {  	v57 =	vmul.f32 $2.000000030e-01, v44;
	v51 =	vadd.f32 v53, v51;
	v53 =	vld.idx.msk [tilespmem:v27+s18+$0x0], $0xffff  }
0x146: {  	v58 =	vld.idx.msk [tilespmem:v22+s19+$0x0], $0xffff  }
0x147: {  	v44 =	vmax.f32 v44, v57;
	v57 =	vmul.f32 $2.000000030e-01, v51;
	v50 =	vadd.f32 v54, v50;
	v54 =	vld.idx.msk [tilespmem:v28+s18+$0x0], $0xffff  }
0x148: {  	v45 =	vadd.f32 v45, v55;
	v44 =	vmul.f32 $1.442695020e+00, v44;
	v55 =	vld.idx.msk [tilespmem:v24+s19+$0x0], $0xffff;
	v59 =	vpop (erf)  }
0x149: {  	v51 =	vmax.f32 v51, v57;
	v57 =	vmul.f32 $2.000000030e-01, v50;
	[tilespmem:v29+s25+$0x0] =	vst.idx.add.f32.msk $0xffff, v59  }
0x14a: {  	v60 =	vmul.f32 $2.000000030e-01, v45;
	v51 =	vmul.f32 $1.442695020e+00, v51;
	v47 =	vadd.f32 v56, v47;
	v56 =	vld.idx.msk [tilespmem:v36+s3+$0x0], $0xffff  }
0x14b: {  	v50 =	vmax.f32 v50, v57;
	(erf) = vpow2.f32 v44;
	v44 =	vld.idx.msk [tilespmem:v11+s3+$0x0], $0xffff;
	v11 =	vmov v42  }
0x14c: {  	v42 =	vmax.f32 v45, v60;
	v45 =	vmul.f32 $2.000000030e-01, v47;
	v53 =	vadd.f32 v58, v53;
	v57 =	vld.idx.msk [tilespmem:v12+s3+$0x0], $0xffff;
	v12 =	vmovc v46  }
0x14d: {  	v42 =	vmul.f32 $1.442695020e+00, v42;
	v46 =	vmul.f32 $1.442695020e+00, v50;
	v50 =	vld.idx.msk [tilespmem:v13+s3+$0x0], $0xffff;
	v13 =	vmov v49  }
0x14e: {  	v36 =	vadd.s32 $0x2800, v36;
	v49 =	vmul.f32 $2.000000030e-01, v53;
	v54 =	vadd.f32 v55, v54;
	[tilespmem:v4+s26+$0x0] =	vst.idx.add.f32.msk $0xffff, v33;
	v4 =	vmovc v38  }
0x14f: {  	v33 =	vmax.f32 v47, v45;
	(erf) = vpow2.f32 v42;
	[tilespmem:v2+s26+$0x0] =	vst.idx.add.f32.msk $0xffff, v30;
	v2 =	vmov v39  }
0x150: {  	v30 =	vmax.f32 v53, v49;
	v38 =	vmul.f32 $2.000000030e-01, v54;
	v39 =	vmul.f32 v59, v56;
	[tilespmem:v9+s26+$0x0] =	vst.idx.add.f32.msk $0xffff, v37  }
0x151: {  	v33 =	vmul.f32 $1.442695020e+00, v33;
	v37 =	vmul.f32 $1.442695020e+00, v30;
	v9 =	vmovc v40;
	[tilespmem:v5+s26+$0x0] =	vst.idx.add.f32.msk $0xffff, v35;
	v5 =	vmov v41  }
0x152: {  	v10 =	vmul.f32 v10, v44;
	v38 =	vmax.f32 v54, v38;
	[tilespmem:v29+s26+$0x0] =	vst.idx.add.f32.msk $0xffff, v39;
	(erf) = vpow2.f32 v51  }
0x153: {  	v35 =	vmul.f32 $1.442695020e+00, v38;
	v36 =	vld.idx.msk [tilespmem:v36+s3+$0x0], $0xffff;
	(erf) = vpow2.f32 v46  }
0x154: {  	v6 =	vmul.f32 v6, v57;
	v30 =	vpop (erf);
	(erf) = vpow2.f32 v33;
	[tilespmem:v7+s26+$0x0] =	vst.idx.add.f32.msk $0xffff, v10;
	v7 =	vmov v43  }
0x155: {  	v1 =	vmul.f32 v1, v50;
	[tilespmem:v18+s25+$0x0] =	vst.idx.add.f32.msk $0xffff, v30;
	(erf) = vpow2.f32 v37  }
0x156: {  	v29 =	vadd.s32 $0x2800, v29;
	v10 =	vld.idx.msk [tilespmem:v31+s3+$0x0], $0xffff;
	(erf) = vpow2.f32 v35  }
0x157: {  	[tilespmem:v3+s26+$0x0] =	vst.idx.add.f32.msk $0xffff, v6;
	v3 =	vmov v48  }
0x158: {  	v31 =	vpop (erf);
	[tilespmem:v8+s26+$0x0] =	vst.idx.add.f32.msk $0xffff, v1;
	v8 =	vmov v52  }
0x159: {  	v1 =	vmul.f32 v59, v36;
	[tilespmem:v16+s25+$0x0] =	vst.idx.add.f32.msk $0xffff, v31  }
0x15a: {  	v33 =	vld.idx.msk [tilespmem:v34+s3+$0x0], $0xffff  }
0x15b: {  	[tilespmem:v29+s26+$0x0] =	vst.idx.add.f32.msk $0xffff, v1;
	v34 =	vpop (erf)  }
0x15c: {  	v29 =	vmul.f32 v30, v10;
	[tilespmem:v19+s25+$0x0] =	vst.idx.add.f32.msk $0xffff, v34;
	v35 =	vpop (erf)  }
0x15d: {  	[tilespmem:v20+s25+$0x0] =	vst.idx.add.f32.msk $0xffff, v35;
	v10 =	vpop (erf)  }
0x15e: {  	[tilespmem:v21+s25+$0x0] =	vst.idx.add.f32.msk $0xffff, v10;
	v6 =	vpop (erf)  }
0x15f: {  	[tilespmem:v22+s25+$0x0] =	vst.idx.add.f32.msk $0xffff, v6;
	v1 =	vpop (erf)  }
0x160: {  	v33 =	vmul.f32 v31, v33;
	[tilespmem:v24+s25+$0x0] =	vst.idx.add.f32.msk $0xffff, v1  }
0x161: {  	v23 =	vld.idx.msk [tilespmem:v23+s3+$0x0], $0xffff  }
0x162: {  	v25 =	vld.idx.msk [tilespmem:v25+s3+$0x0], $0xffff  }
0x163: {  	v26 =	vld.idx.msk [tilespmem:v26+s3+$0x0], $0xffff  }
0x164: {  	v27 =	vld.idx.msk [tilespmem:v27+s3+$0x0], $0xffff  }
0x165: {  	v28 =	vld.idx.msk [tilespmem:v28+s3+$0x0], $0xffff  }
0x166: {  	[tilespmem:v16+s26+$0x0] =	vst.idx.add.f32.msk $0xffff, v33  }
0x167: {  	v16 =	vmul.f32 v34, v23;
	[tilespmem:v18+s26+$0x0] =	vst.idx.add.f32.msk $0xffff, v29  }
0x168: {  	v23 =	vmul.f32 v35, v25;
	v18 =	vld.idx.msk [tilespmem:v32+s3+$0x0], $0xffff  }
0x169: {  	[tilespmem:v19+s26+$0x0] =	vst.idx.add.f32.msk $0xffff, v16;
	v16 =	vmul.f32 v10, v26  }
0x16a: {  	v19 =	vmul.f32 v6, v27;
	[tilespmem:v20+s26+$0x0] =	vst.idx.add.f32.msk $0xffff, v23  }
0x16b: {  	[tilespmem:v21+s26+$0x0] =	vst.idx.add.f32.msk $0xffff, v16;
	v16 =	vmul.f32 v1, v28  }
.Ltmp4:
0x16c: {  	[tilespmem:v22+s26+$0x0] =	vst.idx.add.f32.msk $0xffff, v19;
	(pc) =	sbr.rel @p2 .LBB2_10-.Ltmp4, $4  }
0x16d: {  	[tilespmem:v24+s26+$0x0] =	vst.idx.add.f32.msk $0xffff, v16  }
0x16e: {  	v33 =	vmul.f32 v31, v18;
	v14 =	vld.idx.msk [tilespmem:v14+s3+$0x0], $0xffff  }
0x16f: {  	v15 =	vld.idx.msk [tilespmem:v15+s3+$0x0], $0xffff  }
0x170: {  	s2 =	sadd.s32 $0x80, s2;
	v17 =	vld.idx.msk [tilespmem:v17+s3+$0x0], $0xffff  }
0x171: {  	_ =	sdelay $0x3  }
0x172: {  	v11 =	vld.idx.msk [tilespmem:v11+s3+$0x0], $0xffff  }
0x173: {  	v12 =	vld.idx.msk [tilespmem:v12+s3+$0x0], $0xffff  }
0x174: {  	v13 =	vld.idx.msk [tilespmem:v13+s3+$0x0], $0xffff;
	v14 =	vmul.f32 v30, v14  }
0x175: {  	[tilespmem:v4+s26+$0x0] =	vst.idx.add.f32.msk $0xffff, v33;
	s30 =	sadd.s32 $0x1, s30;
	v15 =	vmul.f32 v34, v15  }
0x176: {  	p2 =	sne.s32 s30, $0x19;
	v62 =	vmul.f32 v35, v17;
	[tilespmem:v2+s26+$0x0] =	vst.idx.add.f32.msk $0xffff, v14  }
.Ltmp5:
0x177: {  	[tilespmem:v9+s26+$0x0] =	vst.idx.add.f32.msk $0xffff, v15;
	v2 =	vmul.f32 v10, v11;
	(pc) =	sbr.rel @p2 .LBB2_7-.Ltmp5, $4  }
0x178: {  	v63 =	vmul.f32 v6, v12;
	[tilespmem:v5+s26+$0x0] =	vst.idx.add.f32.msk $0xffff, v62  }
0x179: {  	v1 =	vmul.f32 v1, v13;
	[tilespmem:v7+s26+$0x0] =	vst.idx.add.f32.msk $0xffff, v2  }
0x17a: {  	[tilespmem:v3+s26+$0x0] =	vst.idx.add.f32.msk $0xffff, v63  }
0x17b: {  	[tilespmem:v8+s26+$0x0] =	vst.idx.add.f32.msk $0xffff, v1  }
0x17c: {  	[hbm4b:s14+s3] =	stream.linear.scatter [tilespmem:s26], [sflag:$0x3], $0x5000, $0x38;
	[tilespmem:$0x14A00] =	vst v63  }
0x17d: {  	_ =	swait.ge [sflag:s17], $0x5000  }
0x17e: {  	s0 =	simm.s32 @!p1 $0x0;
	s29 =	sadd.s32 $0x1, s29;
	[sflag:s17] =	ssyncset.done $0x0  }
0x17f: {  	s1 =	simm.s32 @!p1 $0xF000;
	p2 =	sne.s32 s29, s16;
	[sflag:s17] =	ssyncadd.s32 $0xFFFFB000  }
0x180: {  	[hbm4b:s15+s0] =	stream.linear.scatter @!p1 [tilespmem:s1], [sflag:$0x3], $0x2800, $0x38;
	[tilespmem:$0x14A00] =	vst v63  }
.Ltmp6:
0x181: {  	_ = 	snop;
	(pc) =	sbr.rel @p2 .LBB2_1-.Ltmp6, $4  }
0x182: {  	s0 =	simm.s32 @!p1 $0x3  }
0x183: {  	_ =	swait.ge @!p1 [sflag:s0], $0x2800  }
0x184: {  	[sflag:s0] =	ssyncset.done @!p1 $0x0  }
0x185: {  	[sflag:s0] =	ssyncadd.s32 @!p1 $0xFFFFD800  }
0x186: {  	_ =	sfence.sel $0x180000  }
0x187: {  	[bflag:$0x0] =	sbarrier.arrive $0xFFFF  }
0x188: {  	_ =	strace $0x9000004A  }
0x189: {  	s0 =	stileid.u32;
	[bflag:$0x2] =	sbarrier.arrive $0xFFFF  }
0x18a: {  	p0 =	sne.s32 s0, $0x0;
	s0 =	rddreg [dreg:$0x2]  }
0x18b: {  	s0 =	sadd.s32 @!p0 $0x100000, s0  }
0x18c: {  	[sflag:s0] =	ssyncadd.tile.s32 @!p0 $0x1;
	_ =	shalt  }
.Lfunc_end2:
_tile_overlayer_lowered:
.L_overlay_start_2:
0x18d: {  	(tag) =	ssettag $0x2  }
0x18e: {  	s0 =	rddreg [dreg:$0x0];
	s2 =	stileid.u32  }
0x18f: {  	s1 =	rddreg [dreg:$0x1];
	p0 =	sne.s32 s2, $0x0  }
0x190: {  	s3 =	rddreg [dreg:$0x2];
	[bflag:$0x3] =	sbarrier.arrive $0xFFFF;
	s2 =	simm.s32 @!p0 $0x1C03  }
0x191: {  	[timem:s3], [sflag:s2] =	dma.local @!p0 [hbm:s0], s1  }
0x192: {  	s0 =	simm.s32 @!p0 $0x3  }
0x193: {  	_ =	swait.ge @!p0 [sflag:s0], s1  }
0x194: {  	s1 =	ssub.s32 @!p0 $0x0, s1;
	[sflag:s0] =	ssyncset.done @!p0 $0x0  }
0x195: {  	[sflag:s0] =	ssyncadd.s32 @!p0 s1  }
0x196: {  	[bflag:$0x3] =	sbarrier.arrive $0xFFFF  }
0x197: {  	_ =	shalt  }

// kernel: kernel.7.cloned.1.call-start
scs
__scs_entry_jumppad:
0x0: {  	(pc) =	sbr.rel $0x88, $3  }
0x1: {  	(tag) =	ssettag $0x0;
	lr =	simm.s32 $0x1  }
0x2: {  	[smem:$0x3F95] =	sst lr;
	_ =	strace $0xD0000000  }
0x3: {  	_ = 	snop  }
0x4: {  	_ = 	snop  }
0x5: {  	_ = 	snop  }
0x6: {  	_ = 	snop  }
0x7: {  	_ = 	snop  }
__scs_overlays_trampoline_lowered:
0x8: {  	[smem:$0x3FA4] =	sst s0  }
0x9: {  	[smem:$0x3FA5] =	sst s1  }
0xa: {  	[smem:$0x3FA6] =	sst s2  }
0xb: {  	[smem:$0x3FA7] =	sst s3  }
0xc: {  	[smem:$0x3FA8] =	sst s4  }
0xd: {  	[smem:$0x3FA9] =	sst s5  }
0xe: {  	[smem:$0x3FAA] =	sst s6  }
0xf: {  	[smem:$0x3FAB] =	sst s7  }
0x10: {  	[smem:$0x3FAC] =	sst s8  }
0x11: {  	[smem:$0x3FAD] =	sst s9;
	s0 =	simm.s32 @!p0 $0x0  }
0x12: {  	s1 =	sld [smem:$0x3F93];
	s0 =	simm.s32 @p0 $0x1  }
0x13: {  	[smem:$0x3FAE] =	sst s0;
	s0 =	simm.s32 @!p1 $0x0  }
0x14: {  	s2 =	sld [smem:$0x3F92];
	s0 =	simm.s32 @p1 $0x1  }
0x15: {  	[smem:$0x3FAF] =	sst s0;
	s0 =	simm.s32 @!p2 $0x0  }
0x16: {  	s3 =	sld [smem:$0x3FDB];
	s0 =	simm.s32 @p2 $0x1  }
0x17: {  	s4 =	simm.s32 $0x1BF5;
	[smem:$0x3FB1] =	sst s0  }
0x18: {  	s0 =	sld [smem:$0x3F94];
	_ =	swait.ge [sflag:s4], $0x0  }
0x19: {  	s7 =	sld [smem:$0x3F95]  }
0x1a: {  	s8 =	sadd.s32 $0xFFFFE003, lr  }
0x1b: {  	s9 =	sadd.s32 $0xFFFFFEF7, lr;
	s5 =	simm.s32 $0xFFFFFFFF;
	p2 =	slt.u32 s8, $0xFFFFF086  }
0x1c: {  	p1 =	slt.u32 s9, $0xF7A;
	s5 =	simm.s32 @!p2 $0x0  }
0x1d: {  	s5 =	simm.s32 @p1 $0x1;
	p0 =	seq.s32 s7, s2  }
0x1e: {  	s7 =	smul.u32 @!p0 $0xF7A, s2;
	p2 =	seq.s32 @!p0 s5, $0x0  }
0x1f: {  	s9 =	smul.u32 $0xF7A, s1;
	s8 =	simm.s32 @!p0 $0x1BF5;
	p2 =	por !p2, p0  }
0x20: {  	[sflag:s8] =	ssyncset.s32 @!p0 $0xFFFFF086;
	s6 =	sadd.s32 @!p0 s3, s7;
	s7 =	simm.s32 @!p0 $0x108  }
0x21: {  	s3 =	sadd.s32 s3, s9;
	s6 =	sadd.s32 @!p0 $0x88, s6;
	s7 =	simm.s32 @p2 $0x1082  }
0x22: {  	[simem:s7], [sflag:s8] =	dma.local @!p0 [hbm:s6], $0xF7A  }
0x23: {  	s9 =	sor.u32 $0xD0000000, s2;
	s6 =	simm.s32 $0x108;
	_ =	swait.ge @!p0 [sflag:s8], $0x0  }
0x24: {  	s3 =	sadd.s32 $0x88, s3;
	s6 =	simm.s32 @!p1 $0x1082;
	[sflag:s4] =	ssyncset.s32 $0xFFFFF086  }
0x25: {  	[simem:s6], [sflag:s4] =	dma.local [hbm:s3], $0xF7A  }
0x26: {  	[smem:$0x3F95] =	sst s1;
	(tag) =	ssettag s2;
	_ =	strace s9  }
0x27: {  	s1 =	sld [smem:$0x3FA5]  }
0x28: {  	s2 =	sld [smem:$0x3FA6]  }
0x29: {  	s4 =	sld [smem:$0x3FA8]  }
0x2a: {  	p0 =	seq.s32 s5, $0x0;
	s5 =	sld [smem:$0x3FA9]  }
0x2b: {  	s6 =	sld [smem:$0x3FAA]  }
0x2c: {  	s7 =	sld [smem:$0x3FAB]  }
0x2d: {  	s3 =	simm.s32 $0x108;
	s8 =	sld [smem:$0x3FAC]  }
0x2e: {  	s3 =	simm.s32 @!p0 $0x1082;
	s9 =	sld [smem:$0x3FAD]  }
0x2f: {  	lr =	sadd.s32 s0, s3;
	s0 =	sld [smem:$0x3FA4]  }
0x30: {  	s3 =	sld [smem:$0x3FA7]  }
0x31: {  	[smem:$0x3FB0] =	sst s10  }
0x32: {  	s10 =	sld [smem:$0x3FAE];
	_ =	sdelay $0x3  }
0x33: {  	p0 =	seq.s32 s10, $0x1;
	s10 =	sld [smem:$0x3FB0];
	_ =	sdelay $0x3  }
0x34: {  	[smem:$0x3FB0] =	sst s10  }
0x35: {  	s10 =	sld [smem:$0x3FAF];
	_ =	sdelay $0x3  }
0x36: {  	p1 =	seq.s32 s10, $0x1;
	s10 =	sld [smem:$0x3FB0];
	_ =	sdelay $0x3  }
0x37: {  	[smem:$0x3FB0] =	sst s10  }
0x38: {  	s10 =	sld [smem:$0x3FB1]  }
0x39: {  	_ = 	snop;
	(pc) =	sbr.ind lr, $3  }
0x3a: {  	_ = 	snop  }
0x3b: {  	_ = 	snop  }
0x3c: {  	p2 =	seq.s32 s10, $0x1;
	s10 =	sld [smem:$0x3FB0]  }
0x3d: {  	_ =	shalt  }
0x3e: {  	_ =	shalt  }
0x3f: {  	_ =	shalt  }
0x40: {  	_ =	shalt  }
0x41: {  	_ =	shalt  }
0x42: {  	_ =	shalt  }
0x43: {  	_ =	shalt  }
0x44: {  	_ =	shalt  }
0x45: {  	_ =	shalt  }
0x46: {  	_ =	shalt  }
0x47: {  	_ =	shalt  }
0x48: {  	_ =	shalt  }
0x49: {  	_ =	shalt  }
0x4a: {  	_ =	shalt  }
0x4b: {  	_ =	shalt  }
0x4c: {  	_ =	shalt  }
0x4d: {  	_ =	shalt  }
0x4e: {  	_ =	shalt  }
0x4f: {  	_ =	shalt  }
0x50: {  	_ =	shalt  }
0x51: {  	_ =	shalt  }
0x52: {  	_ =	shalt  }
0x53: {  	_ =	shalt  }
0x54: {  	_ =	shalt  }
0x55: {  	_ =	shalt  }
0x56: {  	_ =	shalt  }
0x57: {  	_ =	shalt  }
0x58: {  	_ =	shalt  }
0x59: {  	_ =	shalt  }
0x5a: {  	_ =	shalt  }
0x5b: {  	_ =	shalt  }
0x5c: {  	_ =	shalt  }
0x5d: {  	_ =	shalt  }
0x5e: {  	_ =	shalt  }
0x5f: {  	_ =	shalt  }
0x60: {  	_ =	shalt  }
0x61: {  	_ =	shalt  }
0x62: {  	_ =	shalt  }
0x63: {  	_ =	shalt  }
0x64: {  	_ =	shalt  }
0x65: {  	_ =	shalt  }
0x66: {  	_ =	shalt  }
0x67: {  	_ =	shalt  }
0x68: {  	_ =	shalt  }
0x69: {  	_ =	shalt  }
0x6a: {  	_ =	shalt  }
0x6b: {  	_ =	shalt  }
0x6c: {  	_ =	shalt  }
0x6d: {  	_ =	shalt  }
0x6e: {  	_ =	shalt  }
0x6f: {  	_ =	shalt  }
0x70: {  	_ =	shalt  }
0x71: {  	_ =	shalt  }
0x72: {  	_ =	shalt  }
0x73: {  	_ =	shalt  }
0x74: {  	_ =	shalt  }
0x75: {  	_ =	shalt  }
0x76: {  	_ =	shalt  }
0x77: {  	_ =	shalt  }
0x78: {  	_ =	shalt  }
0x79: {  	_ =	shalt  }
0x7a: {  	_ =	shalt  }
0x7b: {  	_ =	shalt  }
0x7c: {  	_ =	shalt  }
0x7d: {  	_ =	shalt  }
0x7e: {  	_ =	shalt  }
0x7f: {  	_ =	shalt  }
0x80: {  	_ =	shalt  }
0x81: {  	_ =	shalt  }
0x82: {  	_ =	shalt  }
0x83: {  	_ =	shalt  }
0x84: {  	_ =	shalt  }
0x85: {  	_ =	shalt  }
0x86: {  	_ =	shalt  }
0x87: {  	_ =	shalt  }
.Lfunc_end0:
.L_simem_size_0:
called_computation_lowered:
.L_overlay_start_0:
0x88: {  	s2 =	sld [smem:$0x3FD9]  }
0x89: {  	s3 =	sld [smem:$0x3FFE];
	_ =	sdelay $0x1  }
0x8a: {  	s1 =	srdreg.scid  }
0x8b: {  	s0 =	sand.u32 $0x1, s1  }
0x8c: {  	s16 =	sshll.u32 s0, $0xA;
	s2 =	sadd.s32 s3, s2  }
0x8d: {  	s2 =	sadd.s32 s2, s16  }
0x8e: {  	[smem:$0x3FBC] =	sst s2  }
0x8f: {  	_ = 	snop  }
0x90: {  	(tm) =	ssettm $0x1  }
0x91: {  	s17 =	sld [smem:$0x3FFB];
	_ =	sdelay $0x3  }
0x92: {  	_ =	strace s17  }
0x93: {  	s2 =	sld [smem:$0x3FFC];
	_ =	sdelay $0x3  }
0x94: {  	_ =	strace s2  }
0x95: {  	s2 =	sld [smem:$0x3FFD];
	_ =	sdelay $0x3  }
0x96: {  	_ =	strace s2  }
0x97: {  	_ =	strace $0x8FFFFFFF  }
0x98: {  	s18 =	sld [smem:$0x3FDB];
	_ =	sdelay $0x1  }
0x99: {  	s19 =	simm.s32 $_scs_section_size  }
0x9a: {  	s4 =	simm.s32 $_size__tile_overlayer_lowered;
	s5 =	simm.s32 $_tile_overlayer_lowered  }
0x9b: {  	s22 =	simm.s32 $0x1BFF;
	s21 =	sshll.u32 s5, $0x1;
	s2 =	sadd.s32 s19, s18  }
0x9c: {  	s6 =	simm.s32 $0x0;
	s20 =	sshll.u32 s4, $0x1;
	s4 =	sadd.s32 s21, s2  }
0x9d: {  	[timem:s6], [sflag:s22] =	dma.local [hbm:s4], s20  }
0x9e: {  	_ =	swait.ge [sflag:s22], s20  }
0x9f: {  	s3 =	ssub.s32 $0x0, s20;
	[sflag:s22] =	ssyncset.done $0x0  }
0xa0: {  	[sflag:s22] =	ssyncadd.s32 s3;
	_ =	sdelay $0x1  }
0xa1: {  	s23 =	simm.s32 $0x1B8B  }
0xa2: {  	_ =	swait.ge [sflag:s23], $0x1  }
0xa3: {  	[sflag:s23] =	ssyncset.done $0x0  }
0xa4: {  	s25 =	simm.s32 $0x1B8E;
	s24 =	sld [smem:$0x3FFE];
	[sflag:s23] =	ssyncadd.s32 $0xFFFFFFFF  }
0xa5: {  	s26 =	simm.s32 $execute0_lowered;
	[smem:$0x3FD2] =	sst s25  }
0xa6: {  	s4 =	sshll.u32 s26, $0x1;
	_ =	strace $0x80000046;
	[dreg:$0x1] =	wrdreg $0xFFFFFFFF  }
0xa7: {  	s28 =	simm.s32 $_size_execute0_lowered;
	s2 =	sadd.s32 s2, s4;
	[dreg:$0x0] =	wrdreg $0x0  }
0xa8: {  	s4 =	sshll.u32 s28, $0x1;
	[dreg:$0x2] =	wrdreg s2  }
0xa9: {  	[dreg:$0x3] =	wrdreg s4  }
0xaa: {  	[dreg:$0x4] =	wrdreg $0xC0  }
0xab: {  	_ =	task [dreg:s6], $0x5FFFF  }
0xac: {  	[dreg:$0x1] =	wrdreg $0xFFFFFFFF  }
0xad: {  	[dreg:$0x0] =	wrdreg $0x60  }
0xae: {  	[dreg:$0x2] =	wrdreg s24  }
0xaf: {  	[dreg:$0x3] =	wrdreg $0x9  }
0xb0: {  	_ =	task.clear_ibuf [dreg:s6], $0x4FFFF;
	_ =	strace $0x90000046  }
0xb1: {  	s29 =	simm.s32 $0x9;
	_ =	strace $0x80000048  }
0xb2: {  	_ =	swait.ge [sflag:s29], $0x1  }
0xb3: {  	[sflag:s29] =	ssyncadd.s32 $0xFFFFFFFF  }
0xb4: {  	_ =	strace $0x90000048  }
0xb5: {  	_ =	sfence  }
0xb6: {  	s30 =	sld [smem:$0x0];
	_ =	sdelay $0x2  }
0xb7: {  	s31 =	sshll.u32 s1, $0xD;
	s1 =	sshrl.u32 s1, $0x2  }
0xb8: {  	s3 =	sand.u32 $0x4000, s31;
	s1 =	sadd.s32 s1, s30  }
0xb9: {  	s0 =	sor.u32 s3, s0;
	s1 =	sshll.u32 s1, $0x11  }
0xba: {  	s0 =	sor.u32 s1, s0  }
0xbb: {  	s0 =	sadd.s32 $0x8F2B, s0  }
0xbc: {  	[sflag:s0] =	ssyncadd.remote.s32 $0x1  }
0xbd: {  	_ =	sfence.sel $0xFFFF  }
0xbe: {  	[dreg:$0x0] =	wrdreg $0xFFFFFFFF;
	(pc) =	sbr.abs _section_cstart, $3  }
0xbf: {  	[dreg:$0x1] =	wrdreg $0xFFFFFFFF  }
0xc0: {  	_ =	task.clear_ibuf [dreg:s6], $0x2FFFF;
	_ =	strace $0x9FFFFFFF  }
0xc1: {  	(tm) =	ssettm $0x7FFFFFFF  }
tec
execute0_lowered:
.L_overlay_start_1:
0x0: {  	(tag) =	ssettag $0x1  }
0x1: {  	s5 =	rddreg [dreg:$0x0]  }
0x2: {  	s0 =	rddreg [dreg:$0x1];
	s3 =	srdreg.scid  }
0x3: {  	s1 =	stileid.u32;
	s2 =	simm.s32 $0x0;
	s13 =	simm.s32 $0x3  }
0x4: {  	s14 =	simm.s32 $0xA000;
	s15 =	simm.s32 $0x14000;
	s16 =	simm.s32 $0x16800  }
0x5: {  	s17 =	simm.s32 $0x19000;
	s18 =	simm.s32 $0x1B800;
	s19 =	simm.s32 $0x1C480  }
0x6: {  	s20 =	simm.s32 $0x1D100;
	s21 =	simm.s32 $0x1DD80;
	s22 =	simm.s32 $0x1  }
0x7: {  	s23 =	simm.s32 $0x2;
	s4 =	sand.u32 $0x1, s3;
	s30 =	sshll.u32 s1, $0x1  }
0x8: {  	[smem:$0x7FF] =	sst s2;
	s8 =	sshrl.u32 s1, $0x2;
	s3 =	sadd.s32 $0x60800, s5  }
0x9: {  	s6 =	sor.u32 s4, s30;
	_ =	strace $0x80000047;
	s8 =	smul.u32 $0x500, s8  }
0xa: {  	s9 =	ssub.s32 $0x2, s4;
	s4 =	sadd.s32 $0x56A00, s5;
	s7 =	smul.u32 $0x1400, s6  }
0xb: {  	s31 =	sshrl.u32 s9, $0x1;
	s24 =	sand.u32 $0x7, s6;
	s11 =	sadd.s32 s8, s5  }
0xc: {  	s12 =	ssub.s32 s9, s31;
	p0 =	sne.s32 s24, $0x0;
	s24 =	simm.s32 $0x0  }
0xd: {  	s10 =	sadd.s32 s7, s5;
	s7 =	sadd.s32 $0x54200, s11;
	s8 =	sadd.s32 $0x52E00, s11  }
0xe: {  	s9 =	sadd.s32 $0x55600, s11;
	s11 =	sadd.s32 $0x92600, s11;
	s12 =	smax.u32 s12, $0x1  }
0xf: {  	s5 =	sadd.s32 $0x2AE00, s10;
	s6 =	sadd.s32 $0x2E00, s10;
	s10 =	sadd.s32 $0x6A600, s10  }
.LBB2_1:
0x10: {  	[tilespmem:s2], [sflag:$0x3] =	stream.linear.gather [hbm4b:s5+s2], $0xA000, $0x38;
	[tilespmem:$0x1EA00] =	vst v63  }
0x11: {  	_ =	swait.ge [sflag:s13], $0xA000  }
0x12: {  	[sflag:s13] =	ssyncset.done $0x0  }
0x13: {  	[sflag:s13] =	ssyncadd.s32 $0xFFFF6000  }
0x14: {  	[tilespmem:s14], [sflag:$0x3] =	stream.linear.gather [hbm4b:s6+s2], $0xA000, $0x38;
	[tilespmem:$0x1EA00] =	vst v63  }
0x15: {  	_ =	swait.ge [sflag:s13], $0xA000  }
0x16: {  	[sflag:s13] =	ssyncset.done $0x0  }
0x17: {  	[sflag:s13] =	ssyncadd.s32 $0xFFFF6000  }
0x18: {  	[tilespmem:s15], [sflag:$0x3] =	stream.linear.gather [hbm4b:s7+s2], $0x2800, $0x38;
	[tilespmem:$0x1EA00] =	vst v63  }
0x19: {  	_ =	swait.ge [sflag:s13], $0x2800  }
0x1a: {  	[sflag:s13] =	ssyncset.done $0x0  }
0x1b: {  	[sflag:s13] =	ssyncadd.s32 $0xFFFFD800  }
0x1c: {  	[tilespmem:s16], [sflag:$0x3] =	stream.linear.gather [hbm4b:s8+s2], $0x2800, $0x38;
	[tilespmem:$0x1EA00] =	vst v63  }
0x1d: {  	_ =	swait.ge [sflag:s13], $0x2800  }
0x1e: {  	[sflag:s13] =	ssyncset.done $0x0  }
0x1f: {  	[sflag:s13] =	ssyncadd.s32 $0xFFFFD800  }
0x20: {  	[tilespmem:s17], [sflag:$0x3] =	stream.linear.gather [hbm4b:s9+s2], $0x2800, $0x38;
	[tilespmem:$0x1EA00] =	vst v63  }
0x21: {  	_ =	swait.ge [sflag:s13], $0x2800  }
0x22: {  	[sflag:s13] =	ssyncset.done $0x0  }
0x23: {  	[sflag:s13] =	ssyncadd.s32 $0xFFFFD800  }
0x24: {  	[tilespmem:s18], [sflag:$0x1] =	stream.linear.gather [hbm4b:s3+s2], $0xC80, $0x38;
	[tilespmem:$0x1EA00] =	vst v63  }
0x25: {  	s25 =	simm.s32 $0x0  }
0x26: {  	[tilespmem:s19], [sflag:$0x1] =	stream.linear.gather [hbm4b:s4+s2], $0xC80, $0x38;
	[tilespmem:$0x1EA00] =	vst v63  }
.LBB2_2:
0x27: {  	s26 =	smul.u32 $0x1900, s25;
	_ =	sdelay $0x1  }
0x28: {  	s28 =	sshrl.u32 s26, $0x3  }
0x29: {  	s28 =	sadd.s32 $0x190, s28  }
0x2a: {  	s29 =	sadd.s32 s3, s28  }
0x2b: {  	[tilespmem:s20], [sflag:$0x2] =	stream.linear.gather [hbm4b:s29+s2], $0xC80, $0x38;
	[tilespmem:$0x1EA00] =	vst v63  }
0x2c: {  	s28 =	sadd.s32 s4, s28  }
0x2d: {  	[tilespmem:s21], [sflag:$0x2] =	stream.linear.gather [hbm4b:s28+s2], $0xC80, $0x38;
	[tilespmem:$0x1EA00] =	vst v63  }
0x2e: {  	_ =	swait.ge [sflag:s22], $0xC80  }
0x2f: {  	[sflag:s22] =	ssyncset.done $0x0  }
0x30: {  	[sflag:s22] =	ssyncadd.s32 $0xFFFFF380  }
0x31: {  	_ =	swait.ge [sflag:s22], $0xC80  }
0x32: {  	[sflag:s22] =	ssyncset.done $0x0  }
0x33: {  	s29 =	simm.s32 $0x1B840;
	[sflag:s22] =	ssyncadd.s32 $0xFFFFF380  }
0x34: {  	s28 =	simm.s32 $0x1C4C0;
	v16 =	vld [tilespmem:s29+$0x30]  }
0x35: {  	v22 =	vld [tilespmem:s28+$0x30]  }
0x36: {  	v5 =	vld [tilespmem:s28+$0xFFFFFFC0]  }
0x37: {  	v11 =	vld [tilespmem:s29+$0xFFFFFFD0]  }
0x38: {  	v10 =	vld [tilespmem:s28+$0xFFFFFFD0]  }
0x39: {  	v12 =	vld [tilespmem:s29+$0xFFFFFFE0]  }
0x3a: {  	v7 =	vld [tilespmem:s28+$0xFFFFFFE0]  }
0x3b: {  	v9 =	vld [tilespmem:s29+$0xFFFFFFF0]  }
0x3c: {  	v8 =	vld [tilespmem:s28+$0xFFFFFFF0]  }
0x3d: {  	v0 =	vld.idx.msk [tilespmem:v16+s15+$0x0], $0xffff  }
0x3e: {  	v1 =	vld.idx.msk [tilespmem:v22+s16+$0x0], $0xffff  }
0x3f: {  	v13 =	vld [tilespmem:s29+$0x0]  }
0x40: {  	v6 =	vld [tilespmem:s28+$0x0]  }
0x41: {  	v14 =	vld [tilespmem:s29+$0x10]  }
0x42: {  	v18 =	vld [tilespmem:s28+$0x10]  }
0x43: {  	v15 =	vld [tilespmem:s29+$0xFFFFFFC0];
	v0 =	vadd.f32 v1, v0  }
0x44: {  	v20 =	vld [tilespmem:s29+$0x20]  }
0x45: {  	v19 =	vld [tilespmem:s28+$0x20];
	v1 =	vmul.f32 $2.000000030e-01, v0  }
0x46: {  	v2 =	vld.idx.msk [tilespmem:v5+s16+$0x0], $0xffff  }
0x47: {  	v3 =	vld.idx.msk [tilespmem:v11+s15+$0x0], $0xffff;
	v0 =	vmax.f32 v0, v1  }
0x48: {  	v4 =	vld.idx.msk [tilespmem:v12+s15+$0x0], $0xffff;
	v0 =	vmul.f32 $1.442695020e+00, v0  }
0x49: {  	v1 =	vld.idx.msk [tilespmem:v10+s16+$0x0], $0xffff  }
0x4a: {  	v17 =	vld.idx.msk [tilespmem:v7+s16+$0x0], $0xffff;
	(erf) = vpow2.f32 v0  }
0x4b: {  	v21 =	vld.idx.msk [tilespmem:v15+s15+$0x0], $0xffff  }
0x4c: {  	v23 =	vld.idx.msk [tilespmem:v8+s16+$0x0], $0xffff  }
0x4d: {  	v24 =	vld.idx.msk [tilespmem:v13+s15+$0x0], $0xffff  }
0x4e: {  	v25 =	vld.idx.msk [tilespmem:v14+s15+$0x0], $0xffff;
	v1 =	vadd.f32 v1, v3  }
0x4f: {  	v0 =	vld.idx.msk [tilespmem:v9+s15+$0x0], $0xffff  }
0x50: {  	v27 =	vld.idx.msk [tilespmem:v18+s16+$0x0], $0xffff;
	v2 =	vadd.f32 v2, v21;
	v26 =	vmul.f32 $2.000000030e-01, v1  }
0x51: {  	v3 =	vld.idx.msk [tilespmem:v6+s16+$0x0], $0xffff  }
0x52: {  	v21 =	vld.idx.msk [tilespmem:v20+s15+$0x0], $0xffff;
	v4 =	vadd.f32 v17, v4;
	v28 =	vmul.f32 $2.000000030e-01, v2;
	v1 =	vmax.f32 v1, v26  }
0x53: {  	v17 =	vld.idx.msk [tilespmem:v19+s16+$0x0], $0xffff;
	v1 =	vmul.f32 $1.442695020e+00, v1;
	v63 =	vpop (erf)  }
0x54: {  	v29 =	vmul.f32 $2.000000030e-01, v4;
	v2 =	vmax.f32 v2, v28;
	v0 =	vadd.f32 v23, v0;
	[tilespmem:v22+s17+$0x0] =	vst.idx.add.f32.msk $0xffff, v63  }
0x55: {  	(erf) = vpow2.f32 v1;
	v1 =	vmul.f32 $1.442695020e+00, v2;
	v23 =	vld.idx.msk [tilespmem:v16+s2+$0x0], $0xffff  }
0x56: {  	v3 =	vadd.f32 v3, v24;
	v2 =	vmax.f32 v4, v29;
	v4 =	vmul.f32 $2.000000030e-01, v0  }
0x57: {  	v33 =	vadd.s32 $0x2800, v16;
	(erf) = vpow2.f32 v1;
	v1 =	vmul.f32 $1.442695020e+00, v2  }
0x58: {  	v32 =	vadd.f32 v27, v25;
	v2 =	vmul.f32 $2.000000030e-01, v3;
	v0 =	vmax.f32 v0, v4  }
0x59: {  	v0 =	vmul.f32 $1.442695020e+00, v0;
	(erf) = vpow2.f32 v1  }
0x5a: {  	v17 =	vadd.f32 v17, v21;
	v4 =	vmul.f32 $2.000000030e-01, v32;
	v21 =	vmul.f32 v63, v23  }
0x5b: {  	v2 =	vmax.f32 v3, v2;
	(erf) = vpow2.f32 v0  }
0x5c: {  	v3 =	vmul.f32 $2.000000030e-01, v17;
	v4 =	vmax.f32 v32, v4;
	v2 =	vmul.f32 $1.442695020e+00, v2;
	[tilespmem:v22+s14+$0x0] =	vst.idx.add.f32.msk $0xffff, v21  }
0x5d: {  	v1 =	vmul.f32 $1.442695020e+00, v4;
	v4 =	vld.idx.msk [tilespmem:v33+s2+$0x0], $0xffff  }
0x5e: {  	v3 =	vmax.f32 v17, v3;
	(erf) = vpow2.f32 v2;
	v17 =	vpop (erf)  }
0x5f: {  	(erf) = vpow2.f32 v1;
	v1 =	vadd.s32 $0x2800, v22;
	[tilespmem:v10+s17+$0x0] =	vst.idx.add.f32.msk $0xffff, v17  }
0x60: {  	v0 =	vmul.f32 $1.442695020e+00, v3;
	v23 =	vld.idx.msk [tilespmem:v11+s2+$0x0], $0xffff;
	v21 =	vpop (erf)  }
0x61: {  	[tilespmem:v5+s17+$0x0] =	vst.idx.add.f32.msk $0xffff, v21  }
0x62: {  	(erf) = vpow2.f32 v0;
	v0 =	vadd.s32 $0x5000, v16;
	v34 =	vld.idx.msk [tilespmem:v15+s2+$0x0], $0xffff;
	v2 =	vmul.f32 v63, v4;
	v4 =	vpop (erf)  }
0x63: {  	[tilespmem:v7+s17+$0x0] =	vst.idx.add.f32.msk $0xffff, v4  }
0x64: {  	v3 =	vpop (erf);
	[tilespmem:v1+s14+$0x0] =	vst.idx.add.f32.msk $0xffff, v2  }
0x65: {  	[tilespmem:v8+s17+$0x0] =	vst.idx.add.f32.msk $0xffff, v3  }
0x66: {  	v37 =	vld.idx.msk [tilespmem:v12+s2+$0x0], $0xffff  }
0x67: {  	v23 =	vmul.f32 v17, v23;
	v35 =	vld.idx.msk [tilespmem:v0+s2+$0x0], $0xffff  }
0x68: {  	v38 =	vld.idx.msk [tilespmem:v9+s2+$0x0], $0xffff  }
0x69: {  	v24 =	vmul.f32 v21, v34;
	[tilespmem:v10+s14+$0x0] =	vst.idx.add.f32.msk $0xffff, v23;
	v2 =	vpop (erf)  }
0x6a: {  	v36 =	vadd.s32 $0x5000, v22;
	[tilespmem:v6+s17+$0x0] =	vst.idx.add.f32.msk $0xffff, v2  }
0x6b: {  	v16 =	vadd.s32 $0x7800, v16;
	v0 =	vpop (erf);
	[tilespmem:v5+s14+$0x0] =	vst.idx.add.f32.msk $0xffff, v24  }
0x6c: {  	[tilespmem:v18+s17+$0x0] =	vst.idx.add.f32.msk $0xffff, v0  }
0x6d: {  	v1 =	vpop (erf);
	v39 =	vld.idx.msk [tilespmem:v13+s2+$0x0], $0xffff;
	v25 =	vmul.f32 v35, v63  }
0x6e: {  	v23 =	vadd.s32 $0x2800, v15;
	[tilespmem:v19+s17+$0x0] =	vst.idx.add.f32.msk $0xffff, v1  }
0x6f: {  	[tilespmem:v36+s14+$0x0] =	vst.idx.add.f32.msk $0xffff, v25  }
0x70: {  	v16 =	vld.idx.msk [tilespmem:v16+s2+$0x0], $0xffff  }
0x71: {  	v43 =	vadd.s32 $0x2800, v11;
	v40 =	vld.idx.msk [tilespmem:v14+s2+$0x0], $0xffff  }
0x72: {  	v22 =	vadd.s32 $0x7800, v22;
	v28 =	vmul.f32 v4, v37;
	v30 =	vld.idx.msk [tilespmem:v20+s2+$0x0], $0xffff  }
0x73: {  	v45 =	vadd.s32 $0x2800, v9;
	v41 =	vmul.f32 v3, v38;
	v23 =	vld.idx.msk [tilespmem:v23+s2+$0x0], $0xffff  }
0x74: {  	[tilespmem:v7+s14+$0x0] =	vst.idx.add.f32.msk $0xffff, v28  }
0x75: {  	[tilespmem:v8+s14+$0x0] =	vst.idx.add.f32.msk $0xffff, v41;
	v16 =	vmul.f32 v16, v63  }
0x76: {  	v25 =	vld.idx.msk [tilespmem:v43+s2+$0x0], $0xffff  }
0x77: {  	v42 =	vmul.f32 v2, v39;
	[tilespmem:v22+s14+$0x0] =	vst.idx.add.f32.msk $0xffff, v16;
	v16 =	vadd.s32 $0x2800, v12  }
0x78: {  	v46 =	vadd.s32 $0x2800, v13;
	v24 =	vld.idx.msk [tilespmem:v45+s2+$0x0], $0xffff;
	v22 =	vmul.f32 v1, v30  }
0x79: {  	v48 =	vadd.s32 $0x2800, v5;
	v44 =	vmul.f32 v0, v40;
	[tilespmem:v6+s14+$0x0] =	vst.idx.add.f32.msk $0xffff, v42  }
0x7a: {  	[tilespmem:v19+s14+$0x0] =	vst.idx.add.f32.msk $0xffff, v22;
	v22 =	vadd.s32 $0x2800, v14  }
0x7b: {  	v49 =	vadd.s32 $0x2800, v10;
	[tilespmem:v18+s14+$0x0] =	vst.idx.add.f32.msk $0xffff, v44  }
0x7c: {  	v47 =	vadd.s32 $0x2800, v20;
	v23 =	vmul.f32 v21, v23;
	v16 =	vld.idx.msk [tilespmem:v16+s2+$0x0], $0xffff  }
0x7d: {  	v31 =	vadd.s32 $0x2800, v8;
	v26 =	vld.idx.msk [tilespmem:v46+s2+$0x0], $0xffff  }
0x7e: {  	v50 =	vadd.s32 $0x2800, v7;
	v25 =	vmul.f32 v17, v25;
	[tilespmem:v48+s14+$0x0] =	vst.idx.add.f32.msk $0xffff, v23  }
0x7f: {  	v53 =	vadd.s32 $0x5000, v11;
	v22 =	vld.idx.msk [tilespmem:v22+s2+$0x0], $0xffff  }
0x80: {  	v32 =	vadd.s32 $0x2800, v6;
	v24 =	vmul.f32 v3, v24;
	[tilespmem:v49+s14+$0x0] =	vst.idx.add.f32.msk $0xffff, v25  }
0x81: {  	v23 =	vadd.s32 $0x2800, v18;
	v27 =	vld.idx.msk [tilespmem:v47+s2+$0x0], $0xffff;
	v16 =	vmul.f32 v4, v16  }
0x82: {  	v52 =	vadd.s32 $0x5000, v15;
	[tilespmem:v31+s14+$0x0] =	vst.idx.add.f32.msk $0xffff, v24  }
0x83: {  	v51 =	vadd.s32 $0x2800, v19;
	[tilespmem:v50+s14+$0x0] =	vst.idx.add.f32.msk $0xffff, v16;
	v16 =	vmul.f32 v2, v26  }
0x84: {  	v54 =	vadd.s32 $0x5000, v12;
	v22 =	vmul.f32 v0, v22;
	v26 =	vld.idx.msk [tilespmem:v53+s2+$0x0], $0xffff  }
0x85: {  	v55 =	vadd.s32 $0x5000, v9;
	[tilespmem:v32+s14+$0x0] =	vst.idx.add.f32.msk $0xffff, v16  }
0x86: {  	v16 =	vmul.f32 v1, v27;
	[tilespmem:v23+s14+$0x0] =	vst.idx.add.f32.msk $0xffff, v22;
	v22 =	vadd.s32 $0x5000, v13  }
0x87: {  	v56 =	vadd.s32 $0x5000, v20;
	v23 =	vld.idx.msk [tilespmem:v52+s2+$0x0], $0xffff  }
0x88: {  	[tilespmem:v51+s14+$0x0] =	vst.idx.add.f32.msk $0xffff, v16;
	v16 =	vadd.s32 $0x5000, v14  }
0x89: {  	v58 =	vadd.s32 $0x5000, v10;
	v24 =	vld.idx.msk [tilespmem:v54+s2+$0x0], $0xffff  }
0x8a: {  	v57 =	vadd.s32 $0x5000, v5;
	v27 =	vld.idx.msk [tilespmem:v55+s2+$0x0], $0xffff  }
0x8b: {  	v59 =	vadd.s32 $0x5000, v7;
	v22 =	vld.idx.msk [tilespmem:v22+s2+$0x0], $0xffff  }
0x8c: {  	v60 =	vadd.s32 $0x5000, v8;
	v25 =	vld.idx.msk [tilespmem:v56+s2+$0x0], $0xffff;
	v26 =	vmul.f32 v26, v17  }
0x8d: {  	v61 =	vadd.s32 $0x5000, v6;
	v23 =	vmul.f32 v23, v21;
	v16 =	vld.idx.msk [tilespmem:v16+s2+$0x0], $0xffff  }
0x8e: {  	v63 =	vadd.s32 $0x7800, v15;
	v24 =	vmul.f32 v24, v4;
	[tilespmem:v58+s14+$0x0] =	vst.idx.add.f32.msk $0xffff, v26  }
0x8f: {  	v27 =	vmul.f32 v27, v3;
	[tilespmem:v57+s14+$0x0] =	vst.idx.add.f32.msk $0xffff, v23;
	v23 =	vadd.s32 $0x5000, v18  }
0x90: {  	v62 =	vadd.s32 $0x5000, v19;
	[tilespmem:v59+s14+$0x0] =	vst.idx.add.f32.msk $0xffff, v24;
	v15 =	vmul.f32 v22, v2  }
0x91: {  	[tilespmem:v60+s14+$0x0] =	vst.idx.add.f32.msk $0xffff, v27;
	v22 =	vadd.s32 $0x7800, v11  }
0x92: {  	v7 =	vadd.s32 $0x7800, v7;
	v11 =	vmul.f32 v16, v0;
	[tilespmem:v61+s14+$0x0] =	vst.idx.add.f32.msk $0xffff, v15  }
0x93: {  	v15 =	vmul.f32 v25, v1;
	v16 =	vadd.s32 $0x7800, v13;
	v13 =	vadd.s32 $0x7800, v20;
	v20 =	vld.idx.msk [tilespmem:v63+s2+$0x0], $0xffff  }
0x94: {  	v49 =	vadd.s32 $0x7800, v19;
	v12 =	vadd.s32 $0x7800, v12;
	v51 =	vadd.s32 $0x7800, v10;
	[tilespmem:v23+s14+$0x0] =	vst.idx.add.f32.msk $0xffff, v11  }
0x95: {  	v14 =	vadd.s32 $0x7800, v14;
	v10 =	vadd.s32 $0x7800, v8;
	v8 =	vadd.s32 $0x7800, v18;
	[tilespmem:v62+s14+$0x0] =	vst.idx.add.f32.msk $0xffff, v15  }
0x96: {  	s30 =	simm.s32 $0x1B8C0;
	s29 =	simm.s32 $0x0;
	v11 =	vadd.s32 $0x7800, v5;
	v15 =	vadd.s32 $0x7800, v9;
	v9 =	vadd.s32 $0x7800, v6;
	v6 =	vld.idx.msk [tilespmem:v22+s2+$0x0], $0xffff  }
.LBB2_3:
0x97: {  	v47 =	vld [tilespmem:s30+$0x30]  }
0x98: {  	v5 =	vld [tilespmem:s30+$0xFFFFFFD0]  }
0x99: {  	s28 =	sadd.s32 $0x80, s28;
	v56 =	vld [tilespmem:s30+$0xFFFFFFF0]  }
0x9a: {  	v38 =	vld [tilespmem:s28+$0x30]  }
0x9b: {  	v40 =	vld [tilespmem:s28+$0xFFFFFFD0];
	_ =	sdelay $0x1  }
0x9c: {  	v53 =	vld [tilespmem:s30+$0xFFFFFFE0];
	v18 =	vadd.s32 $0x2800, v5  }
0x9d: {  	v60 =	vld [tilespmem:s30+$0x0];
	v23 =	vadd.s32 $0x2800, v56;
	[tilespmem:$0x1FE60] =	vst v18  }
0x9e: {  	v50 =	vld [tilespmem:s28+$0xFFFFFFF0];
	v18 =	vadd.s32 $0x5000, v5;
	[tilespmem:$0x1FE80] =	vst v23  }
0x9f: {  	v61 =	vld [tilespmem:s30+$0x10];
	v19 =	vadd.s32 $0x2800, v40;
	[tilespmem:$0x1FF10] =	vst v18  }
0xa0: {  	v54 =	vld [tilespmem:s28+$0x0];
	v18 =	vadd.s32 $0x7800, v5;
	[tilespmem:$0x1FEB0] =	vst v19  }
0xa1: {  	v19 =	vadd.s32 $0x5000, v40;
	[tilespmem:$0x1FFF0] =	vst v18;
	v18 =	vld.idx.msk [tilespmem:v47+s15+$0x0], $0xffff  }
0xa2: {  	v23 =	vadd.s32 $0x5000, v56;
	[tilespmem:$0x1FF80] =	vst v19;
	v19 =	vld.idx.msk [tilespmem:v38+s16+$0x0], $0xffff  }
0xa3: {  	v39 =	vld [tilespmem:s28+$0xFFFFFFC0];
	[tilespmem:$0x1FF30] =	vst v23;
	v23 =	vadd.s32 $0x2800, v50  }
0xa4: {  	v43 =	vld [tilespmem:s28+$0xFFFFFFE0];
	[tilespmem:$0x1FED0] =	vst v23;
	v23 =	vadd.s32 $0x5000, v50  }
0xa5: {  	v62 =	vld [tilespmem:s30+$0x20];
	[tilespmem:$0x1FFA0] =	vst v23;
	v23 =	vadd.s32 $0x2800, v54  }
0xa6: {  	v55 =	vld [tilespmem:s28+$0x10];
	[tilespmem:$0x1FEE0] =	vst v23;
	v23 =	vadd.s32 $0x5000, v54  }
0xa7: {  	v58 =	vld [tilespmem:s28+$0x20];
	[tilespmem:$0x1FFB0] =	vst v23;
	v18 =	vadd.f32 v19, v18;
	v19 =	vadd.s32 $0x2800, v60  }
0xa8: {  	v29 =	vld.idx.msk [tilespmem:v5+s15+$0x0], $0xffff;
	[tilespmem:$0x1FE90] =	vst v19;
	v19 =	vadd.s32 $0x5000, v60  }
0xa9: {  	[tilespmem:$0x1FF40] =	vst v19;
	v19 =	vld [tilespmem:s30+$0xFFFFFFC0];
	v23 =	vmul.f32 $2.000000030e-01, v18  }
0xaa: {  	v48 =	vld.idx.msk [tilespmem:v53+s15+$0x0], $0xffff  }
0xab: {  	v27 =	vld.idx.msk [tilespmem:v39+s16+$0x0], $0xffff;
	v18 =	vmax.f32 v18, v23  }
0xac: {  	v32 =	vld.idx.msk [tilespmem:v43+s16+$0x0], $0xffff;
	v34 =	vmul.f32 $1.442695020e+00, v18  }
0xad: {  	v23 =	vld.idx.msk [tilespmem:v40+s16+$0x0], $0xffff  }
0xae: {  	v37 =	vld.idx.msk [tilespmem:v50+s16+$0x0], $0xffff;
	(erf) = vpow2.f32 v34  }
0xaf: {  	v45 =	vadd.s32 $0x5000, v55;
	v42 =	vld.idx.msk [tilespmem:v54+s16+$0x0], $0xffff  }
0xb0: {  	v21 =	vmul.f32 v20, v21;
	v20 =	vadd.s32 $0x2800, v53;
	[tilespmem:$0x1FFC0] =	vst v45;
	v45 =	vld.idx.msk [tilespmem:v55+s16+$0x0], $0xffff  }
0xb1: {  	[tilespmem:$0x1FE70] =	vst v20;
	v33 =	vadd.s32 $0x7800, v19;
	v41 =	vld.idx.msk [tilespmem:v19+s15+$0x0], $0xffff  }
0xb2: {  	v46 =	vadd.s32 $0x5000, v62;
	[tilespmem:$0x1FFE0] =	vst v33;
	v33 =	vld.idx.msk [tilespmem:v56+s15+$0x0], $0xffff;
	v23 =	vadd.f32 v23, v29  }
0xb3: {  	v17 =	vmul.f32 v6, v17;
	v30 =	vadd.s32 $0x2800, v55;
	[tilespmem:$0x1FF60] =	vst v46;
	v46 =	vld.idx.msk [tilespmem:v58+s16+$0x0], $0xffff  }
0xb4: {  	v6 =	vadd.s32 $0x2800, v39;
	[tilespmem:$0x1FEF0] =	vst v30;
	v30 =	vadd.f32 v32, v48;
	v32 =	vld.idx.msk [tilespmem:v61+s15+$0x0], $0xffff;
	v44 =	vmul.f32 $2.000000030e-01, v23  }
0xb5: {  	v24 =	vadd.s32 $0x7800, v53;
	v25 =	vadd.s32 $0x7800, v56;
	v26 =	vadd.s32 $0x7800, v60;
	[tilespmem:$0x1FEA0] =	vst v6;
	v29 =	vld.idx.msk [tilespmem:v60+s15+$0x0], $0xffff  }
0xb6: {  	v20 =	vadd.s32 $0x5000, v53;
	[tilespmem:v51+s14+$0x0] =	vst.idx.add.f32.msk $0xffff, v17;
	v48 =	vmax.f32 v23, v44;
	v27 =	vadd.f32 v27, v41  }
0xb7: {  	[tilespmem:$0x1FF20] =	vst v20;
	v44 =	vmul.f32 $2.000000030e-01, v30;
	v33 =	vadd.f32 v37, v33;
	v37 =	vld.idx.msk [tilespmem:v62+s15+$0x0], $0xffff;
	v41 =	vmul.f32 $1.442695020e+00, v48;
	v23 =	vpop (erf)  }
0xb8: {  	v6 =	vadd.s32 $0x5000, v39;
	v20 =	vadd.s32 $0x2800, v43;
	[tilespmem:v38+s17+$0x0] =	vst.idx.add.f32.msk $0xffff, v23;
	v48 =	vmul.f32 $2.000000030e-01, v27  }
0xb9: {  	v30 =	vmax.f32 v30, v44;
	v44 =	vmul.f32 $2.000000030e-01, v33;
	(erf) = vpow2.f32 v41;
	v41 =	vld.idx.msk [tilespmem:v12+s2+$0x0], $0xffff  }
0xba: {  	[tilespmem:$0x1FEC0] =	vst v20;
	v20 =	vadd.s32 $0x5000, v43;
	v29 =	vadd.f32 v42, v29;
	v42 =	vld.idx.msk [tilespmem:v47+s2+$0x0], $0xffff;
	v48 =	vmax.f32 v27, v48  }
0xbb: {  	v32 =	vadd.f32 v45, v32;
	v33 =	vmax.f32 v33, v44;
	v12 =	vmovc v24;
	v44 =	vld.idx.msk [tilespmem:v15+s2+$0x0], $0xffff;
	v24 =	vmul.f32 $1.442695020e+00, v48  }
0xbc: {  	v45 =	vadd.s32 $0x2800, v47;
	[tilespmem:v11+s14+$0x0] =	vst.idx.add.f32.msk $0xffff, v21;
	v15 =	vmovc v25;
	v25 =	vmul.f32 $1.442695020e+00, v33;
	v27 =	vmul.f32 $2.000000030e-01, v29  }
0xbd: {  	[tilespmem:$0x1FF70] =	vst v6;
	v33 =	vld.idx.msk [tilespmem:v16+s2+$0x0], $0xffff;
	v37 =	vadd.f32 v46, v37;
	v48 =	vmul.f32 $2.000000030e-01, v32;
	(erf) = vpow2.f32 v24  }
0xbe: {  	[tilespmem:$0x1FF90] =	vst v20;
	v30 =	vmul.f32 $1.442695020e+00, v30;
	v46 =	vld.idx.msk [tilespmem:v14+s2+$0x0], $0xffff;
	v27 =	vmax.f32 v29, v27;
	v4 =	vmul.f32 v41, v4  }
0xbf: {  	v16 =	vmovc v26;
	v24 =	vld.idx.msk [tilespmem:v13+s2+$0x0], $0xffff;
	v26 =	vmax.f32 v32, v48;
	v32 =	vmul.f32 $2.000000030e-01, v37;
	v42 =	vmul.f32 v23, v42  }
0xc0: {  	v22 =	vadd.s32 $0x7800, v40;
	v21 =	vmul.f32 $1.442695020e+00, v27;
	v3 =	vmul.f32 v44, v3;
	[tilespmem:v7+s14+$0x0] =	vst.idx.add.f32.msk $0xffff, v4  }
0xc1: {  	v6 =	vadd.s32 $0x7800, v39;
	v51 =	vmovc v22;
	v26 =	vmul.f32 $1.442695020e+00, v26;
	(erf) = vpow2.f32 v30;
	[tilespmem:v38+s14+$0x0] =	vst.idx.add.f32.msk $0xffff, v42  }
0xc2: {  	v11 =	vmovc v6;
	v2 =	vmul.f32 v33, v2;
	v6 =	vmax.f32 v37, v32;
	(erf) = vpow2.f32 v25;
	v22 =	vld.idx.msk [tilespmem:v45+s2+$0x0], $0xffff  }
0xc3: {  	[tilespmem:v10+s14+$0x0] =	vst.idx.add.f32.msk $0xffff, v3;
	v6 =	vmul.f32 $1.442695020e+00, v6;
	v17 =	vpop (erf);
	(erf) = vpow2.f32 v21  }
0xc4: {  	v18 =	vadd.s32 $0x2800, v58;
	v4 =	vadd.s32 $0x2800, v38;
	[tilespmem:v9+s14+$0x0] =	vst.idx.add.f32.msk $0xffff, v2;
	(erf) = vpow2.f32 v26  }
0xc5: {  	[tilespmem:v40+s17+$0x0] =	vst.idx.add.f32.msk $0xffff, v17;
	(erf) = vpow2.f32 v6;
	v6 =	vmul.f32 v46, v0;
	v0 =	vadd.s32 $0x5000, v47  }
0xc6: {  	v20 =	vadd.s32 $0x7800, v43;
	[tilespmem:$0x1FF00] =	vst v18;
	v18 =	vadd.s32 $0x5000, v58;
	v5 =	vld.idx.msk [tilespmem:v5+s2+$0x0], $0xffff;
	v21 =	vpop (erf)  }
0xc7: {  	v7 =	vmov v20;
	v20 =	vmul.f32 v24, v1;
	v1 =	vmul.f32 v23, v22;
	[tilespmem:v39+s17+$0x0] =	vst.idx.add.f32.msk $0xffff, v21  }
0xc8: {  	[tilespmem:$0x1FFD0] =	vst v18;
	v18 =	vadd.s32 $0x2800, v19;
	v52 =	vadd.s32 $0x5000, v19;
	v19 =	vld.idx.msk [tilespmem:v19+s2+$0x0], $0xffff  }
0xc9: {  	[tilespmem:v4+s14+$0x0] =	vst.idx.add.f32.msk $0xffff, v1  }
0xca: {  	v4 =	vpop (erf);
	v22 =	vld.idx.msk [tilespmem:v0+s2+$0x0], $0xffff  }
0xcb: {  	v3 =	vpop (erf);
	[tilespmem:v43+s17+$0x0] =	vst.idx.add.f32.msk $0xffff, v4  }
0xcc: {  	v44 =	vadd.s32 $0x5000, v38;
	v5 =	vmul.f32 v17, v5;
	[tilespmem:v50+s17+$0x0] =	vst.idx.add.f32.msk $0xffff, v3  }
0xcd: {  	v45 =	vadd.s32 $0x7800, v47;
	v46 =	vld.idx.msk [tilespmem:v53+s2+$0x0], $0xffff  }
0xce: {  	v2 =	vpop (erf);
	[tilespmem:v40+s14+$0x0] =	vst.idx.add.f32.msk $0xffff, v5  }
0xcf: {  	v0 =	vpop (erf);
	[tilespmem:v54+s17+$0x0] =	vst.idx.add.f32.msk $0xffff, v2;
	v22 =	vmul.f32 v22, v23  }
0xd0: {  	[tilespmem:v55+s17+$0x0] =	vst.idx.add.f32.msk $0xffff, v0  }
0xd1: {  	[tilespmem:v44+s14+$0x0] =	vst.idx.add.f32.msk $0xffff, v22  }
0xd2: {  	v22 =	vld.idx.msk [tilespmem:v45+s2+$0x0], $0xffff  }
0xd3: {  	v53 =	vld.idx.msk [tilespmem:v61+s2+$0x0], $0xffff  }
0xd4: {  	v48 =	vld.idx.msk [tilespmem:v60+s2+$0x0], $0xffff;
	v60 =	vadd.s32 $0x7800, v38  }
0xd5: {  	v47 =	vld.idx.msk [tilespmem:v56+s2+$0x0], $0xffff;
	v1 =	vpop (erf)  }
0xd6: {  	v57 =	vadd.s32 $0x2800, v61;
	v19 =	vmul.f32 v21, v19;
	[tilespmem:v58+s17+$0x0] =	vst.idx.add.f32.msk $0xffff, v1  }
0xd7: {  	v56 =	vld.idx.msk [tilespmem:v62+s2+$0x0], $0xffff;
	v5 =	vmul.f32 v22, v23  }
0xd8: {  	[tilespmem:v39+s14+$0x0] =	vst.idx.add.f32.msk $0xffff, v19;
	v22 =	vmul.f32 v0, v53  }
0xd9: {  	[tilespmem:v60+s14+$0x0] =	vst.idx.add.f32.msk $0xffff, v5  }
0xda: {  	v28 =	vadd.s32 $0x5000, v61;
	[tilespmem:v55+s14+$0x0] =	vst.idx.add.f32.msk $0xffff, v22  }
0xdb: {  	[tilespmem:$0x1FF50] =	vst v28;
	v28 =	vadd.s32 $0x7800, v61;
	v61 =	vld.idx.msk [tilespmem:v57+s2+$0x0], $0xffff  }
0xdc: {  	v5 =	vmul.f32 v1, v56;
	[tilespmem:v8+s14+$0x0] =	vst.idx.add.f32.msk $0xffff, v6  }
0xdd: {  	v6 =	vld [tilespmem:$0x1FEA0]  }
0xde: {  	[tilespmem:v58+s14+$0x0] =	vst.idx.add.f32.msk $0xffff, v5  }
0xdf: {  	v5 =	vld.idx.msk [tilespmem:v18+s2+$0x0], $0xffff  }
0xe0: {  	v18 =	vld [tilespmem:$0x1FE60]  }
0xe1: {  	v19 =	vmul.f32 v3, v47;
	_ =	sdelay $0x1  }
0xe2: {  	[tilespmem:v50+s14+$0x0] =	vst.idx.add.f32.msk $0xffff, v19;
	v19 =	vmul.f32 v2, v48  }
0xe3: {  	v5 =	vmul.f32 v21, v5  }
0xe4: {  	[tilespmem:v54+s14+$0x0] =	vst.idx.add.f32.msk $0xffff, v19  }
0xe5: {  	[tilespmem:v6+s14+$0x0] =	vst.idx.add.f32.msk $0xffff, v5  }
0xe6: {  	v6 =	vld [tilespmem:$0x1FEB0]  }
0xe7: {  	v18 =	vld.idx.msk [tilespmem:v18+s2+$0x0], $0xffff  }
0xe8: {  	v19 =	vld [tilespmem:$0x1FE70];
	_ =	sdelay $0x2  }
0xe9: {  	v26 =	vmul.f32 v4, v46  }
0xea: {  	v18 =	vmul.f32 v17, v18  }
0xeb: {  	[tilespmem:v43+s14+$0x0] =	vst.idx.add.f32.msk $0xffff, v26  }
0xec: {  	[tilespmem:v6+s14+$0x0] =	vst.idx.add.f32.msk $0xffff, v18  }
0xed: {  	v18 =	vld [tilespmem:$0x1FEC0]  }
0xee: {  	v19 =	vld.idx.msk [tilespmem:v19+s2+$0x0], $0xffff  }
0xef: {  	v22 =	vld [tilespmem:$0x1FE80];
	_ =	sdelay $0x3  }
0xf0: {  	v5 =	vmul.f32 v4, v19;
	_ =	sdelay $0x1  }
0xf1: {  	[tilespmem:v18+s14+$0x0] =	vst.idx.add.f32.msk $0xffff, v5  }
0xf2: {  	v18 =	vld [tilespmem:$0x1FED0]  }
0xf3: {  	v22 =	vld.idx.msk [tilespmem:v22+s2+$0x0], $0xffff  }
0xf4: {  	v23 =	vld [tilespmem:$0x1FE90];
	_ =	sdelay $0x3  }
0xf5: {  	v6 =	vmul.f32 v3, v22;
	_ =	sdelay $0x1  }
0xf6: {  	[tilespmem:v18+s14+$0x0] =	vst.idx.add.f32.msk $0xffff, v6  }
0xf7: {  	v18 =	vld [tilespmem:$0x1FEE0]  }
0xf8: {  	v23 =	vld.idx.msk [tilespmem:v23+s2+$0x0], $0xffff;
	_ =	sdelay $0x4  }
0xf9: {  	v5 =	vmul.f32 v2, v23;
	_ =	sdelay $0x1  }
0xfa: {  	[tilespmem:v18+s14+$0x0] =	vst.idx.add.f32.msk $0xffff, v5  }
0xfb: {  	v18 =	vld [tilespmem:$0x1FEF0];
	_ =	sdelay $0x4  }
0xfc: {  	v59 =	vadd.s32 $0x2800, v62  }
0xfd: {  	v63 =	vadd.s32 $0x7800, v55;
	v6 =	vmul.f32 v0, v61  }
0xfe: {  	v8 =	vmov v63;
	v63 =	vld [tilespmem:$0x1FF60]  }
0xff: {  	[tilespmem:v18+s14+$0x0] =	vst.idx.add.f32.msk $0xffff, v6  }
0x100: {  	v6 =	vld [tilespmem:$0x1FF00]  }
0x101: {  	v31 =	vadd.s32 $0x7800, v62;
	v62 =	vld.idx.msk [tilespmem:v59+s2+$0x0], $0xffff;
	_ =	sdelay $0x4  }
0x102: {  	v5 =	vmul.f32 v1, v62  }
0x103: {  	v18 =	vld [tilespmem:$0x1FF20]  }
0x104: {  	[tilespmem:v6+s14+$0x0] =	vst.idx.add.f32.msk $0xffff, v5  }
0x105: {  	v24 =	vld.idx.msk [tilespmem:v63+s2+$0x0], $0xffff  }
0x106: {  	[tilespmem:v49+s14+$0x0] =	vst.idx.add.f32.msk $0xffff, v20  }
0x107: {  	v20 =	vld [tilespmem:$0x1FF70]  }
0x108: {  	v5 =	vld.idx.msk [tilespmem:v52+s2+$0x0], $0xffff  }
0x109: {  	v6 =	vld [tilespmem:$0x1FF10];
	_ =	sdelay $0x1  }
0x10a: {  	v18 =	vld.idx.msk [tilespmem:v18+s2+$0x0], $0xffff;
	_ =	sdelay $0x1  }
0x10b: {  	v5 =	vmul.f32 v5, v21;
	_ =	sdelay $0x1  }
0x10c: {  	[tilespmem:v20+s14+$0x0] =	vst.idx.add.f32.msk $0xffff, v5  }
0x10d: {  	v5 =	vmul.f32 v18, v4;
	v18 =	vld [tilespmem:$0x1FF80]  }
0x10e: {  	v6 =	vld.idx.msk [tilespmem:v6+s2+$0x0], $0xffff;
	_ =	sdelay $0x4  }
0x10f: {  	v6 =	vmul.f32 v6, v17;
	_ =	sdelay $0x1  }
0x110: {  	[tilespmem:v18+s14+$0x0] =	vst.idx.add.f32.msk $0xffff, v6  }
0x111: {  	v18 =	vld [tilespmem:$0x1FF90];
	_ =	sdelay $0x1  }
0x112: {  	v19 =	vld [tilespmem:$0x1FF30];
	_ =	sdelay $0x5  }
0x113: {  	[tilespmem:v18+s14+$0x0] =	vst.idx.add.f32.msk $0xffff, v5  }
0x114: {  	v18 =	vld [tilespmem:$0x1FFA0]  }
0x115: {  	v19 =	vld.idx.msk [tilespmem:v19+s2+$0x0], $0xffff  }
0x116: {  	v22 =	vld [tilespmem:$0x1FF40];
	_ =	sdelay $0x3  }
0x117: {  	v6 =	vmul.f32 v19, v3;
	_ =	sdelay $0x1  }
0x118: {  	[tilespmem:v18+s14+$0x0] =	vst.idx.add.f32.msk $0xffff, v6  }
0x119: {  	v18 =	vld [tilespmem:$0x1FFB0]  }
0x11a: {  	v22 =	vld.idx.msk [tilespmem:v22+s2+$0x0], $0xffff  }
0x11b: {  	v23 =	vld [tilespmem:$0x1FF50];
	_ =	sdelay $0x3  }
0x11c: {  	v5 =	vmul.f32 v22, v2;
	_ =	sdelay $0x1  }
0x11d: {  	[tilespmem:v18+s14+$0x0] =	vst.idx.add.f32.msk $0xffff, v5  }
0x11e: {  	v18 =	vld [tilespmem:$0x1FFC0]  }
0x11f: {  	v23 =	vld.idx.msk [tilespmem:v23+s2+$0x0], $0xffff;
	_ =	sdelay $0x4  }
0x120: {  	v6 =	vmul.f32 v23, v0;
	_ =	sdelay $0x1  }
0x121: {  	[tilespmem:v18+s14+$0x0] =	vst.idx.add.f32.msk $0xffff, v6  }
0x122: {  	v6 =	vld [tilespmem:$0x1FFD0];
	_ =	sdelay $0x5  }
0x123: {  	v5 =	vmul.f32 v24, v1;
	_ =	sdelay $0x1  }
0x124: {  	[tilespmem:v6+s14+$0x0] =	vst.idx.add.f32.msk $0xffff, v5  }
0x125: {  	v5 =	vld [tilespmem:$0x1FFE0];
	_ =	sdelay $0x7  }
0x126: {  	v20 =	vld.idx.msk [tilespmem:v5+s2+$0x0], $0xffff  }
0x127: {  	v5 =	vld [tilespmem:$0x1FFF0];
	_ =	sdelay $0x1  }
0x128: {  	s29 =	sadd.s32 $0x8, s29  }
0x129: {  	p1 =	slt.u32 s29, $0xC0  }
.Ltmp0:
0x12a: {  	_ = 	snop;
	(pc) =	sbr.rel @p1 .LBB2_3-.Ltmp0, $3  }
0x12b: {  	_ =	sdelay $0x1  }
0x12c: {  	v35 =	vadd.s32 $0x7800, v50;
	v36 =	vadd.s32 $0x7800, v54;
	v34 =	vadd.s32 $0x7800, v58  }
0x12d: {  	s30 =	sadd.s32 $0x80, s30;
	v14 =	vmovc v28;
	v13 =	vmovc v31;
	v10 =	vmov v35;
	v9 =	vmov v36;
	v49 =	vmov v34;
	v6 =	vld.idx.msk [tilespmem:v5+s2+$0x0], $0xffff  }
0x12e: {  	_ =	sdelay $0x3  }
0x12f: {  	v5 =	vld.idx.msk [tilespmem:v12+s2+$0x0], $0xffff  }
0x130: {  	v12 =	vld.idx.msk [tilespmem:v15+s2+$0x0], $0xffff  }
0x131: {  	v15 =	vld.idx.msk [tilespmem:v16+s2+$0x0], $0xffff  }
0x132: {  	v16 =	vmul.f32 v20, v21;
	v14 =	vld.idx.msk [tilespmem:v14+s2+$0x0], $0xffff  }
0x133: {  	v13 =	vld.idx.msk [tilespmem:v13+s2+$0x0], $0xffff;
	v6 =	vmul.f32 v6, v17  }
0x134: {  	[tilespmem:v11+s14+$0x0] =	vst.idx.add.f32.msk $0xffff, v16;
	v4 =	vmul.f32 v5, v4  }
0x135: {  	v3 =	vmul.f32 v12, v3;
	[tilespmem:v51+s14+$0x0] =	vst.idx.add.f32.msk $0xffff, v6  }
0x136: {  	v2 =	vmul.f32 v15, v2;
	[tilespmem:v7+s14+$0x0] =	vst.idx.add.f32.msk $0xffff, v4  }
0x137: {  	p1 =	seq.s32 s25, $0x31;
	v0 =	vmul.f32 v14, v0;
	[tilespmem:v10+s14+$0x0] =	vst.idx.add.f32.msk $0xffff, v3  }
0x138: {  	s26 =	sshrl.u32 @!p1 s26, $0x3;
	v1 =	vmul.f32 v13, v1;
	[tilespmem:v9+s14+$0x0] =	vst.idx.add.f32.msk $0xffff, v2  }
0x139: {  	s26 =	sadd.s32 @!p1 $0x320, s26;
	[tilespmem:v8+s14+$0x0] =	vst.idx.add.f32.msk $0xffff, v0  }
0x13a: {  	s29 =	simm.s32 @!p1 $0x0;
	s30 =	simm.s32 @!p1 $0x1B800;
	s28 =	sadd.s32 @!p1 s3, s26;
	[tilespmem:v49+s14+$0x0] =	vst.idx.add.f32.msk $0xffff, v1  }
0x13b: {  	[tilespmem:s30], [sflag:$0x1] =	stream.linear.gather @!p1 [hbm4b:s28+s29], $0xC80, $0x38;
	[tilespmem:$0x1EA00] =	vst v63  }
0x13c: {  	s26 =	sadd.s32 @!p1 s4, s26;
	s28 =	simm.s32 @!p1 $0x1C480  }
0x13d: {  	[tilespmem:s28], [sflag:$0x1] =	stream.linear.gather @!p1 [hbm4b:s26+s29], $0xC80, $0x38;
	[tilespmem:$0x1EA00] =	vst v63  }
0x13e: {  	_ =	swait.ge [sflag:s23], $0xC80  }
0x13f: {  	[sflag:s23] =	ssyncset.done $0x0  }
0x140: {  	[sflag:s23] =	ssyncadd.s32 $0xFFFFF380  }
0x141: {  	_ =	swait.ge [sflag:s23], $0xC80  }
0x142: {  	[sflag:s23] =	ssyncset.done $0x0  }
0x143: {  	s28 =	simm.s32 $0x1D140;
	[sflag:s23] =	ssyncadd.s32 $0xFFFFF380  }
0x144: {  	s26 =	simm.s32 $0x1DDC0;
	v16 =	vld [tilespmem:s28+$0x30]  }
0x145: {  	v22 =	vld [tilespmem:s26+$0x30]  }
0x146: {  	v5 =	vld [tilespmem:s26+$0xFFFFFFC0]  }
0x147: {  	v11 =	vld [tilespmem:s28+$0xFFFFFFD0]  }
0x148: {  	v10 =	vld [tilespmem:s26+$0xFFFFFFD0]  }
0x149: {  	v12 =	vld [tilespmem:s28+$0xFFFFFFE0]  }
0x14a: {  	v6 =	vld [tilespmem:s26+$0xFFFFFFE0]  }
0x14b: {  	v9 =	vld [tilespmem:s28+$0xFFFFFFF0]  }
0x14c: {  	v8 =	vld [tilespmem:s26+$0xFFFFFFF0]  }
0x14d: {  	v0 =	vld.idx.msk [tilespmem:v16+s15+$0x0], $0xffff  }
0x14e: {  	v1 =	vld.idx.msk [tilespmem:v22+s16+$0x0], $0xffff  }
0x14f: {  	v13 =	vld [tilespmem:s28+$0x0]  }
0x150: {  	v7 =	vld [tilespmem:s26+$0x0]  }
0x151: {  	v14 =	vld [tilespmem:s28+$0x10]  }
0x152: {  	v18 =	vld [tilespmem:s26+$0x10]  }
0x153: {  	v15 =	vld [tilespmem:s28+$0xFFFFFFC0];
	v0 =	vadd.f32 v1, v0  }
0x154: {  	v19 =	vld [tilespmem:s28+$0x20]  }
0x155: {  	v20 =	vld [tilespmem:s26+$0x20];
	v1 =	vmul.f32 $2.000000030e-01, v0  }
0x156: {  	v2 =	vld.idx.msk [tilespmem:v5+s16+$0x0], $0xffff  }
0x157: {  	v3 =	vld.idx.msk [tilespmem:v11+s15+$0x0], $0xffff;
	v0 =	vmax.f32 v0, v1  }
0x158: {  	v4 =	vld.idx.msk [tilespmem:v12+s15+$0x0], $0xffff;
	v0 =	vmul.f32 $1.442695020e+00, v0  }
0x159: {  	v1 =	vld.idx.msk [tilespmem:v10+s16+$0x0], $0xffff  }
0x15a: {  	v17 =	vld.idx.msk [tilespmem:v6+s16+$0x0], $0xffff;
	(erf) = vpow2.f32 v0  }
0x15b: {  	v21 =	vld.idx.msk [tilespmem:v15+s15+$0x0], $0xffff  }
0x15c: {  	v23 =	vld.idx.msk [tilespmem:v8+s16+$0x0], $0xffff  }
0x15d: {  	v24 =	vld.idx.msk [tilespmem:v13+s15+$0x0], $0xffff  }
0x15e: {  	v25 =	vld.idx.msk [tilespmem:v14+s15+$0x0], $0xffff;
	v1 =	vadd.f32 v1, v3  }
0x15f: {  	v0 =	vld.idx.msk [tilespmem:v9+s15+$0x0], $0xffff  }
0x160: {  	v27 =	vld.idx.msk [tilespmem:v18+s16+$0x0], $0xffff;
	v2 =	vadd.f32 v2, v21;
	v26 =	vmul.f32 $2.000000030e-01, v1  }
0x161: {  	v3 =	vld.idx.msk [tilespmem:v7+s16+$0x0], $0xffff  }
0x162: {  	v21 =	vld.idx.msk [tilespmem:v19+s15+$0x0], $0xffff;
	v4 =	vadd.f32 v17, v4;
	v28 =	vmul.f32 $2.000000030e-01, v2;
	v1 =	vmax.f32 v1, v26  }
0x163: {  	v17 =	vld.idx.msk [tilespmem:v20+s16+$0x0], $0xffff;
	v1 =	vmul.f32 $1.442695020e+00, v1;
	v63 =	vpop (erf)  }
0x164: {  	v29 =	vmul.f32 $2.000000030e-01, v4;
	v2 =	vmax.f32 v2, v28;
	v0 =	vadd.f32 v23, v0;
	[tilespmem:v22+s17+$0x0] =	vst.idx.add.f32.msk $0xffff, v63  }
0x165: {  	(erf) = vpow2.f32 v1;
	v1 =	vmul.f32 $1.442695020e+00, v2;
	v23 =	vld.idx.msk [tilespmem:v16+s2+$0x0], $0xffff  }
0x166: {  	v3 =	vadd.f32 v3, v24;
	v2 =	vmax.f32 v4, v29;
	v4 =	vmul.f32 $2.000000030e-01, v0  }
0x167: {  	v33 =	vadd.s32 $0x2800, v16;
	(erf) = vpow2.f32 v1;
	v1 =	vmul.f32 $1.442695020e+00, v2  }
0x168: {  	v32 =	vadd.f32 v27, v25;
	v2 =	vmul.f32 $2.000000030e-01, v3;
	v0 =	vmax.f32 v0, v4  }
0x169: {  	v0 =	vmul.f32 $1.442695020e+00, v0;
	(erf) = vpow2.f32 v1  }
0x16a: {  	v17 =	vadd.f32 v17, v21;
	v4 =	vmul.f32 $2.000000030e-01, v32;
	v21 =	vmul.f32 v63, v23  }
0x16b: {  	v2 =	vmax.f32 v3, v2;
	(erf) = vpow2.f32 v0  }
0x16c: {  	v3 =	vmul.f32 $2.000000030e-01, v17;
	v4 =	vmax.f32 v32, v4;
	v2 =	vmul.f32 $1.442695020e+00, v2;
	[tilespmem:v22+s14+$0x0] =	vst.idx.add.f32.msk $0xffff, v21  }
0x16d: {  	v1 =	vmul.f32 $1.442695020e+00, v4;
	v4 =	vld.idx.msk [tilespmem:v33+s2+$0x0], $0xffff  }
0x16e: {  	v3 =	vmax.f32 v17, v3;
	(erf) = vpow2.f32 v2;
	v17 =	vpop (erf)  }
0x16f: {  	(erf) = vpow2.f32 v1;
	v1 =	vadd.s32 $0x2800, v22;
	[tilespmem:v10+s17+$0x0] =	vst.idx.add.f32.msk $0xffff, v17  }
0x170: {  	v0 =	vmul.f32 $1.442695020e+00, v3;
	v23 =	vld.idx.msk [tilespmem:v11+s2+$0x0], $0xffff;
	v21 =	vpop (erf)  }
0x171: {  	[tilespmem:v5+s17+$0x0] =	vst.idx.add.f32.msk $0xffff, v21  }
0x172: {  	(erf) = vpow2.f32 v0;
	v0 =	vadd.s32 $0x5000, v16;
	v34 =	vld.idx.msk [tilespmem:v15+s2+$0x0], $0xffff;
	v2 =	vmul.f32 v63, v4;
	v4 =	vpop (erf)  }
0x173: {  	[tilespmem:v6+s17+$0x0] =	vst.idx.add.f32.msk $0xffff, v4  }
0x174: {  	v3 =	vpop (erf);
	[tilespmem:v1+s14+$0x0] =	vst.idx.add.f32.msk $0xffff, v2  }
0x175: {  	[tilespmem:v8+s17+$0x0] =	vst.idx.add.f32.msk $0xffff, v3  }
0x176: {  	v37 =	vld.idx.msk [tilespmem:v12+s2+$0x0], $0xffff  }
0x177: {  	v1 =	vpop (erf);
	v35 =	vld.idx.msk [tilespmem:v0+s2+$0x0], $0xffff  }
0x178: {  	v23 =	vmul.f32 v17, v23;
	[tilespmem:v7+s17+$0x0] =	vst.idx.add.f32.msk $0xffff, v1  }
0x179: {  	v38 =	vld.idx.msk [tilespmem:v9+s2+$0x0], $0xffff  }
0x17a: {  	v36 =	vadd.s32 $0x5000, v22;
	v0 =	vpop (erf);
	[tilespmem:v10+s14+$0x0] =	vst.idx.add.f32.msk $0xffff, v23  }
0x17b: {  	v16 =	vadd.s32 $0x7800, v16;
	[tilespmem:v18+s17+$0x0] =	vst.idx.add.f32.msk $0xffff, v0  }
0x17c: {  	v2 =	vpop (erf);
	v39 =	vld.idx.msk [tilespmem:v13+s2+$0x0], $0xffff  }
0x17d: {  	[tilespmem:v20+s17+$0x0] =	vst.idx.add.f32.msk $0xffff, v2;
	v25 =	vmul.f32 v35, v63  }
0x17e: {  	v23 =	vadd.s32 $0x2800, v15;
	v40 =	vld.idx.msk [tilespmem:v14+s2+$0x0], $0xffff  }
0x17f: {  	v24 =	vmul.f32 v21, v34;
	[tilespmem:v36+s14+$0x0] =	vst.idx.add.f32.msk $0xffff, v25  }
0x180: {  	v16 =	vld.idx.msk [tilespmem:v16+s2+$0x0], $0xffff  }
0x181: {  	v43 =	vadd.s32 $0x2800, v11;
	[tilespmem:v5+s14+$0x0] =	vst.idx.add.f32.msk $0xffff, v24  }
0x182: {  	v22 =	vadd.s32 $0x7800, v22;
	v30 =	vld.idx.msk [tilespmem:v19+s2+$0x0], $0xffff;
	v28 =	vmul.f32 v4, v37  }
0x183: {  	v41 =	vmul.f32 v3, v38;
	v23 =	vld.idx.msk [tilespmem:v23+s2+$0x0], $0xffff  }
0x184: {  	v45 =	vadd.s32 $0x2800, v9;
	[tilespmem:v6+s14+$0x0] =	vst.idx.add.f32.msk $0xffff, v28  }
0x185: {  	[tilespmem:v8+s14+$0x0] =	vst.idx.add.f32.msk $0xffff, v41;
	v16 =	vmul.f32 v16, v63  }
0x186: {  	v42 =	vmul.f32 v1, v39;
	v25 =	vld.idx.msk [tilespmem:v43+s2+$0x0], $0xffff  }
0x187: {  	[tilespmem:v22+s14+$0x0] =	vst.idx.add.f32.msk $0xffff, v16;
	v16 =	vadd.s32 $0x2800, v12  }
0x188: {  	v46 =	vadd.s32 $0x2800, v13;
	[tilespmem:v7+s14+$0x0] =	vst.idx.add.f32.msk $0xffff, v42;
	v22 =	vmul.f32 v2, v30  }
0x189: {  	v48 =	vadd.s32 $0x2800, v5;
	v44 =	vmul.f32 v0, v40;
	v24 =	vld.idx.msk [tilespmem:v45+s2+$0x0], $0xffff  }
0x18a: {  	[tilespmem:v20+s14+$0x0] =	vst.idx.add.f32.msk $0xffff, v22;
	v22 =	vadd.s32 $0x2800, v14  }
0x18b: {  	v49 =	vadd.s32 $0x2800, v10;
	[tilespmem:v18+s14+$0x0] =	vst.idx.add.f32.msk $0xffff, v44  }
0x18c: {  	v47 =	vadd.s32 $0x2800, v19;
	v23 =	vmul.f32 v21, v23;
	v16 =	vld.idx.msk [tilespmem:v16+s2+$0x0], $0xffff  }
0x18d: {  	v31 =	vadd.s32 $0x2800, v8;
	v26 =	vld.idx.msk [tilespmem:v46+s2+$0x0], $0xffff  }
0x18e: {  	v50 =	vadd.s32 $0x2800, v6;
	v25 =	vmul.f32 v17, v25;
	[tilespmem:v48+s14+$0x0] =	vst.idx.add.f32.msk $0xffff, v23  }
0x18f: {  	v53 =	vadd.s32 $0x5000, v11;
	v22 =	vld.idx.msk [tilespmem:v22+s2+$0x0], $0xffff  }
0x190: {  	v32 =	vadd.s32 $0x2800, v7;
	v24 =	vmul.f32 v3, v24;
	[tilespmem:v49+s14+$0x0] =	vst.idx.add.f32.msk $0xffff, v25  }
0x191: {  	v23 =	vadd.s32 $0x2800, v18;
	v27 =	vld.idx.msk [tilespmem:v47+s2+$0x0], $0xffff;
	v16 =	vmul.f32 v4, v16  }
0x192: {  	v52 =	vadd.s32 $0x5000, v15;
	[tilespmem:v31+s14+$0x0] =	vst.idx.add.f32.msk $0xffff, v24  }
0x193: {  	v51 =	vadd.s32 $0x2800, v20;
	[tilespmem:v50+s14+$0x0] =	vst.idx.add.f32.msk $0xffff, v16;
	v16 =	vmul.f32 v1, v26  }
0x194: {  	v54 =	vadd.s32 $0x5000, v12;
	v22 =	vmul.f32 v0, v22;
	v26 =	vld.idx.msk [tilespmem:v53+s2+$0x0], $0xffff  }
0x195: {  	v55 =	vadd.s32 $0x5000, v9;
	[tilespmem:v32+s14+$0x0] =	vst.idx.add.f32.msk $0xffff, v16  }
0x196: {  	v16 =	vmul.f32 v2, v27;
	[tilespmem:v23+s14+$0x0] =	vst.idx.add.f32.msk $0xffff, v22;
	v22 =	vadd.s32 $0x5000, v13  }
0x197: {  	v56 =	vadd.s32 $0x5000, v19;
	v23 =	vld.idx.msk [tilespmem:v52+s2+$0x0], $0xffff  }
0x198: {  	[tilespmem:v51+s14+$0x0] =	vst.idx.add.f32.msk $0xffff, v16;
	v16 =	vadd.s32 $0x5000, v14  }
0x199: {  	v58 =	vadd.s32 $0x5000, v10;
	v24 =	vld.idx.msk [tilespmem:v54+s2+$0x0], $0xffff  }
0x19a: {  	v57 =	vadd.s32 $0x5000, v5;
	v27 =	vld.idx.msk [tilespmem:v55+s2+$0x0], $0xffff  }
0x19b: {  	v59 =	vadd.s32 $0x5000, v6;
	v22 =	vld.idx.msk [tilespmem:v22+s2+$0x0], $0xffff  }
0x19c: {  	v60 =	vadd.s32 $0x5000, v8;
	v25 =	vld.idx.msk [tilespmem:v56+s2+$0x0], $0xffff;
	v26 =	vmul.f32 v26, v17  }
0x19d: {  	v61 =	vadd.s32 $0x5000, v7;
	v23 =	vmul.f32 v23, v21;
	v16 =	vld.idx.msk [tilespmem:v16+s2+$0x0], $0xffff  }
0x19e: {  	v63 =	vadd.s32 $0x7800, v15;
	v24 =	vmul.f32 v24, v4;
	[tilespmem:v58+s14+$0x0] =	vst.idx.add.f32.msk $0xffff, v26  }
0x19f: {  	v27 =	vmul.f32 v27, v3;
	[tilespmem:v57+s14+$0x0] =	vst.idx.add.f32.msk $0xffff, v23;
	v23 =	vadd.s32 $0x5000, v18  }
0x1a0: {  	v62 =	vadd.s32 $0x5000, v20;
	[tilespmem:v59+s14+$0x0] =	vst.idx.add.f32.msk $0xffff, v24;
	v15 =	vmul.f32 v22, v1  }
0x1a1: {  	[tilespmem:v60+s14+$0x0] =	vst.idx.add.f32.msk $0xffff, v27;
	v22 =	vadd.s32 $0x7800, v11  }
0x1a2: {  	v6 =	vadd.s32 $0x7800, v6;
	v11 =	vmul.f32 v16, v0;
	[tilespmem:v61+s14+$0x0] =	vst.idx.add.f32.msk $0xffff, v15  }
0x1a3: {  	v15 =	vmul.f32 v25, v2;
	v16 =	vadd.s32 $0x7800, v13;
	v13 =	vadd.s32 $0x7800, v19;
	v19 =	vld.idx.msk [tilespmem:v63+s2+$0x0], $0xffff  }
0x1a4: {  	v12 =	vadd.s32 $0x7800, v12;
	v51 =	vadd.s32 $0x7800, v10;
	v14 =	vadd.s32 $0x7800, v14;
	[tilespmem:v23+s14+$0x0] =	vst.idx.add.f32.msk $0xffff, v11  }
0x1a5: {  	v10 =	vadd.s32 $0x7800, v7;
	v7 =	vadd.s32 $0x7800, v20;
	v11 =	vadd.s32 $0x7800, v5;
	[tilespmem:v62+s14+$0x0] =	vst.idx.add.f32.msk $0xffff, v15  }
0x1a6: {  	s29 =	simm.s32 $0x1D1C0;
	s28 =	simm.s32 $0x0;
	v15 =	vadd.s32 $0x7800, v9;
	v9 =	vadd.s32 $0x7800, v8;
	v8 =	vadd.s32 $0x7800, v18;
	v18 =	vld.idx.msk [tilespmem:v22+s2+$0x0], $0xffff  }
.LBB2_5:
0x1a7: {  	s26 =	sadd.s32 $0x80, s26  }
0x1a8: {  	v39 =	vld [tilespmem:s26+$0xFFFFFFC0]  }
0x1a9: {  	v40 =	vld [tilespmem:s26+$0xFFFFFFD0]  }
0x1aa: {  	v47 =	vld [tilespmem:s29+$0x30]  }
0x1ab: {  	v38 =	vld [tilespmem:s26+$0x30]  }
0x1ac: {  	v5 =	vld [tilespmem:s29+$0xFFFFFFD0]  }
0x1ad: {  	v17 =	vmul.f32 v18, v17;
	v18 =	vadd.s32 $0x2800, v39  }
0x1ae: {  	v53 =	vld [tilespmem:s29+$0xFFFFFFE0];
	v20 =	vadd.s32 $0x2800, v40;
	[tilespmem:$0x1FD00] =	vst v18  }
0x1af: {  	v56 =	vld [tilespmem:s29+$0xFFFFFFF0];
	v18 =	vadd.s32 $0x5000, v39;
	[tilespmem:$0x1FD10] =	vst v20  }
0x1b0: {  	v60 =	vld [tilespmem:s29+$0x0];
	v20 =	vadd.s32 $0x5000, v40;
	[tilespmem:$0x1FDD0] =	vst v18  }
0x1b1: {  	v61 =	vld [tilespmem:s29+$0x10];
	v18 =	vadd.s32 $0x2800, v5;
	[tilespmem:$0x1FDE0] =	vst v20  }
0x1b2: {  	v62 =	vld [tilespmem:s29+$0x20];
	[tilespmem:$0x1FCC0] =	vst v18;
	v18 =	vadd.s32 $0x5000, v5  }
0x1b3: {  	v20 =	vld.idx.msk [tilespmem:v38+s16+$0x0], $0xffff;
	[tilespmem:$0x1FD70] =	vst v18;
	v18 =	vadd.s32 $0x7800, v5  }
0x1b4: {  	[tilespmem:$0x1FE50] =	vst v18;
	v18 =	vld.idx.msk [tilespmem:v47+s15+$0x0], $0xffff  }
0x1b5: {  	v43 =	vld [tilespmem:s26+$0xFFFFFFE0]  }
0x1b6: {  	v50 =	vld [tilespmem:s26+$0xFFFFFFF0]  }
0x1b7: {  	v54 =	vld [tilespmem:s26+$0x0]  }
0x1b8: {  	v55 =	vld [tilespmem:s26+$0x10]  }
0x1b9: {  	v30 =	vld.idx.msk [tilespmem:v5+s15+$0x0], $0xffff;
	v18 =	vadd.f32 v20, v18;
	v20 =	vadd.s32 $0x2800, v60  }
0x1ba: {  	v46 =	vld.idx.msk [tilespmem:v40+s16+$0x0], $0xffff;
	[tilespmem:$0x1FCF0] =	vst v20;
	v20 =	vadd.s32 $0x5000, v60  }
0x1bb: {  	[tilespmem:$0x1FDA0] =	vst v20;
	v20 =	vld [tilespmem:s29+$0xFFFFFFC0]  }
0x1bc: {  	v49 =	vld.idx.msk [tilespmem:v53+s15+$0x0], $0xffff;
	v44 =	vmul.f32 $2.000000030e-01, v18  }
0x1bd: {  	v35 =	vadd.s32 $0x5000, v56;
	v33 =	vld.idx.msk [tilespmem:v43+s16+$0x0], $0xffff  }
0x1be: {  	[tilespmem:$0x1FD90] =	vst v35;
	v41 =	vadd.s32 $0x2800, v54;
	v35 =	vld.idx.msk [tilespmem:v56+s15+$0x0], $0xffff;
	v18 =	vmax.f32 v18, v44  }
0x1bf: {  	v24 =	vadd.s32 $0x2800, v56;
	[tilespmem:$0x1FD40] =	vst v41;
	v41 =	vld.idx.msk [tilespmem:v50+s16+$0x0], $0xffff;
	v34 =	vmul.f32 $1.442695020e+00, v18  }
0x1c0: {  	v58 =	vld [tilespmem:s26+$0x20];
	[tilespmem:$0x1FCE0] =	vst v24;
	v31 =	vadd.s32 $0x2800, v55;
	v24 =	vadd.f32 v46, v30  }
0x1c1: {  	v45 =	vadd.s32 $0x5000, v55;
	[tilespmem:$0x1FD50] =	vst v31;
	v28 =	vld.idx.msk [tilespmem:v39+s16+$0x0], $0xffff;
	(erf) = vpow2.f32 v34  }
0x1c2: {  	v42 =	vadd.s32 $0x5000, v54;
	[tilespmem:$0x1FE20] =	vst v45;
	v30 =	vld.idx.msk [tilespmem:v60+s15+$0x0], $0xffff;
	v31 =	vadd.f32 v33, v49;
	v45 =	vmul.f32 $2.000000030e-01, v24  }
0x1c3: {  	[tilespmem:$0x1FE10] =	vst v42;
	v42 =	vld.idx.msk [tilespmem:v20+s15+$0x0], $0xffff  }
0x1c4: {  	v33 =	vld.idx.msk [tilespmem:v61+s15+$0x0], $0xffff;
	v35 =	vadd.f32 v41, v35;
	v49 =	vmax.f32 v24, v45;
	v45 =	vmul.f32 $2.000000030e-01, v31  }
0x1c5: {  	v46 =	vld.idx.msk [tilespmem:v55+s16+$0x0], $0xffff  }
0x1c6: {  	v41 =	vld.idx.msk [tilespmem:v62+s15+$0x0], $0xffff;
	v31 =	vmax.f32 v31, v45;
	v45 =	vmul.f32 $2.000000030e-01, v35  }
0x1c7: {  	v26 =	vadd.s32 $0x7800, v56;
	v44 =	vld.idx.msk [tilespmem:v54+s16+$0x0], $0xffff  }
0x1c8: {  	v48 =	vadd.s32 $0x5000, v62;
	v35 =	vmax.f32 v35, v45;
	v45 =	vld.idx.msk [tilespmem:v15+s2+$0x0], $0xffff;
	v28 =	vadd.f32 v28, v42  }
0x1c9: {  	[tilespmem:$0x1FDC0] =	vst v48;
	v15 =	vmov v26;
	v48 =	vadd.s32 $0x7800, v20;
	v26 =	vmul.f32 $1.442695020e+00, v35;
	v35 =	vld.idx.msk [tilespmem:v16+s2+$0x0], $0xffff  }
0x1ca: {  	[tilespmem:$0x1FE40] =	vst v48;
	v48 =	vld.idx.msk [tilespmem:v58+s16+$0x0], $0xffff;
	v42 =	vmul.f32 $1.442695020e+00, v49;
	v24 =	vpop (erf);
	v49 =	vmul.f32 $2.000000030e-01, v28  }
0x1cb: {  	v25 =	vadd.s32 $0x7800, v53;
	v29 =	vadd.s32 $0x5000, v61;
	v33 =	vadd.f32 v46, v33;
	[tilespmem:v38+s17+$0x0] =	vst.idx.add.f32.msk $0xffff, v24  }
0x1cc: {  	v30 =	vadd.f32 v44, v30;
	(erf) = vpow2.f32 v42;
	v44 =	vld.idx.msk [tilespmem:v47+s2+$0x0], $0xffff;
	v49 =	vmax.f32 v28, v49  }
0x1cd: {  	v21 =	vmul.f32 v19, v21;
	v27 =	vadd.s32 $0x7800, v60;
	[tilespmem:$0x1FDB0] =	vst v29;
	v42 =	vld.idx.msk [tilespmem:v12+s2+$0x0], $0xffff;
	v12 =	vmovc v25;
	v25 =	vmul.f32 $1.442695020e+00, v49  }
0x1ce: {  	v19 =	vadd.s32 $0x7800, v39;
	v29 =	vadd.s32 $0x7800, v61;
	[tilespmem:v51+s14+$0x0] =	vst.idx.add.f32.msk $0xffff, v17;
	v16 =	vmovc v27;
	v27 =	vmul.f32 $2.000000030e-01, v33  }
0x1cf: {  	v46 =	vadd.s32 $0x2800, v47;
	[tilespmem:v11+s14+$0x0] =	vst.idx.add.f32.msk $0xffff, v21;
	v3 =	vmul.f32 v45, v3;
	(erf) = vpow2.f32 v25  }
0x1d0: {  	v1 =	vmul.f32 v35, v1;
	v41 =	vadd.f32 v48, v41;
	v48 =	vld.idx.msk [tilespmem:v14+s2+$0x0], $0xffff;
	v28 =	vmul.f32 $2.000000030e-01, v30  }
0x1d1: {  	v31 =	vmul.f32 $1.442695020e+00, v31;
	v27 =	vmax.f32 v33, v27;
	[tilespmem:v9+s14+$0x0] =	vst.idx.add.f32.msk $0xffff, v3;
	v33 =	vmul.f32 v24, v44  }
0x1d2: {  	v27 =	vmul.f32 $1.442695020e+00, v27;
	v14 =	vmovc v29;
	[tilespmem:v10+s14+$0x0] =	vst.idx.add.f32.msk $0xffff, v1;
	v29 =	vmul.f32 $2.000000030e-01, v41;
	v28 =	vmax.f32 v30, v28  }
0x1d3: {  	v23 =	vadd.s32 $0x7800, v40;
	v21 =	vmul.f32 $1.442695020e+00, v28;
	(erf) = vpow2.f32 v31;
	[tilespmem:v38+s14+$0x0] =	vst.idx.add.f32.msk $0xffff, v33  }
0x1d4: {  	v51 =	vmovc v23;
	v41 =	vmax.f32 v41, v29;
	v4 =	vmul.f32 v42, v4;
	(erf) = vpow2.f32 v26;
	v23 =	vld.idx.msk [tilespmem:v46+s2+$0x0], $0xffff  }
0x1d5: {  	v11 =	vmov v19;
	v19 =	vmul.f32 $1.442695020e+00, v41;
	v25 =	vld.idx.msk [tilespmem:v13+s2+$0x0], $0xffff;
	v17 =	vpop (erf);
	(erf) = vpow2.f32 v21  }
0x1d6: {  	v18 =	vadd.s32 $0x2800, v58;
	[tilespmem:v6+s14+$0x0] =	vst.idx.add.f32.msk $0xffff, v4;
	v4 =	vadd.s32 $0x2800, v38;
	(erf) = vpow2.f32 v27  }
0x1d7: {  	[tilespmem:v40+s17+$0x0] =	vst.idx.add.f32.msk $0xffff, v17;
	(erf) = vpow2.f32 v19;
	v19 =	vmul.f32 v48, v0;
	v0 =	vadd.s32 $0x5000, v47  }
0x1d8: {  	[tilespmem:$0x1FD60] =	vst v18;
	v5 =	vld.idx.msk [tilespmem:v5+s2+$0x0], $0xffff;
	v21 =	vpop (erf)  }
0x1d9: {  	v18 =	vadd.s32 $0x5000, v58;
	v1 =	vmul.f32 v24, v23;
	[tilespmem:v39+s17+$0x0] =	vst.idx.add.f32.msk $0xffff, v21  }
0x1da: {  	[tilespmem:$0x1FE30] =	vst v18;
	v18 =	vadd.s32 $0x2800, v20;
	v52 =	vadd.s32 $0x5000, v20;
	v20 =	vld.idx.msk [tilespmem:v20+s2+$0x0], $0xffff  }
0x1db: {  	[tilespmem:v4+s14+$0x0] =	vst.idx.add.f32.msk $0xffff, v1  }
0x1dc: {  	v4 =	vpop (erf);
	v23 =	vld.idx.msk [tilespmem:v0+s2+$0x0], $0xffff  }
0x1dd: {  	v3 =	vpop (erf);
	[tilespmem:v43+s17+$0x0] =	vst.idx.add.f32.msk $0xffff, v4  }
0x1de: {  	v22 =	vadd.s32 $0x2800, v53;
	v44 =	vadd.s32 $0x5000, v38;
	v5 =	vmul.f32 v17, v5;
	[tilespmem:v50+s17+$0x0] =	vst.idx.add.f32.msk $0xffff, v3  }
0x1df: {  	[tilespmem:$0x1FCD0] =	vst v22;
	v45 =	vadd.s32 $0x7800, v47;
	v46 =	vld.idx.msk [tilespmem:v53+s2+$0x0], $0xffff  }
0x1e0: {  	v1 =	vpop (erf);
	[tilespmem:v40+s14+$0x0] =	vst.idx.add.f32.msk $0xffff, v5  }
0x1e1: {  	v0 =	vpop (erf);
	[tilespmem:v54+s17+$0x0] =	vst.idx.add.f32.msk $0xffff, v1;
	v23 =	vmul.f32 v23, v24  }
0x1e2: {  	[tilespmem:v55+s17+$0x0] =	vst.idx.add.f32.msk $0xffff, v0  }
0x1e3: {  	v22 =	vadd.s32 $0x5000, v53;
	[tilespmem:v44+s14+$0x0] =	vst.idx.add.f32.msk $0xffff, v23  }
0x1e4: {  	[tilespmem:$0x1FD80] =	vst v22;
	v22 =	vadd.s32 $0x2800, v43;
	v23 =	vld.idx.msk [tilespmem:v45+s2+$0x0], $0xffff  }
0x1e5: {  	[tilespmem:$0x1FD20] =	vst v22;
	v22 =	vadd.s32 $0x5000, v43;
	v49 =	vld.idx.msk [tilespmem:v61+s2+$0x0], $0xffff  }
0x1e6: {  	[tilespmem:$0x1FDF0] =	vst v22;
	v22 =	vadd.s32 $0x7800, v43;
	v47 =	vld.idx.msk [tilespmem:v56+s2+$0x0], $0xffff;
	v56 =	vadd.s32 $0x7800, v38  }
0x1e7: {  	v6 =	vmov v22;
	v22 =	vmul.f32 v25, v2;
	v2 =	vpop (erf);
	v48 =	vld.idx.msk [tilespmem:v60+s2+$0x0], $0xffff  }
0x1e8: {  	v57 =	vadd.s32 $0x2800, v61;
	v20 =	vmul.f32 v21, v20;
	[tilespmem:v58+s17+$0x0] =	vst.idx.add.f32.msk $0xffff, v2  }
0x1e9: {  	v53 =	vld.idx.msk [tilespmem:v62+s2+$0x0], $0xffff;
	v5 =	vmul.f32 v23, v24  }
0x1ea: {  	[tilespmem:v39+s14+$0x0] =	vst.idx.add.f32.msk $0xffff, v20;
	v23 =	vmul.f32 v0, v49  }
0x1eb: {  	[tilespmem:v56+s14+$0x0] =	vst.idx.add.f32.msk $0xffff, v5  }
0x1ec: {  	[tilespmem:v55+s14+$0x0] =	vst.idx.add.f32.msk $0xffff, v23  }
0x1ed: {  	v60 =	vld.idx.msk [tilespmem:v57+s2+$0x0], $0xffff  }
0x1ee: {  	v5 =	vmul.f32 v2, v53;
	[tilespmem:v8+s14+$0x0] =	vst.idx.add.f32.msk $0xffff, v19  }
0x1ef: {  	v19 =	vld [tilespmem:$0x1FD00]  }
0x1f0: {  	[tilespmem:v58+s14+$0x0] =	vst.idx.add.f32.msk $0xffff, v5  }
0x1f1: {  	v5 =	vld.idx.msk [tilespmem:v18+s2+$0x0], $0xffff  }
0x1f2: {  	v18 =	vld [tilespmem:$0x1FCC0]  }
0x1f3: {  	v20 =	vmul.f32 v3, v47;
	_ =	sdelay $0x1  }
0x1f4: {  	[tilespmem:v50+s14+$0x0] =	vst.idx.add.f32.msk $0xffff, v20;
	v20 =	vmul.f32 v1, v48  }
0x1f5: {  	v5 =	vmul.f32 v21, v5  }
0x1f6: {  	[tilespmem:v54+s14+$0x0] =	vst.idx.add.f32.msk $0xffff, v20  }
0x1f7: {  	[tilespmem:v19+s14+$0x0] =	vst.idx.add.f32.msk $0xffff, v5  }
0x1f8: {  	v19 =	vld [tilespmem:$0x1FD10]  }
0x1f9: {  	v18 =	vld.idx.msk [tilespmem:v18+s2+$0x0], $0xffff  }
0x1fa: {  	v20 =	vld [tilespmem:$0x1FCD0];
	_ =	sdelay $0x2  }
0x1fb: {  	v27 =	vmul.f32 v4, v46  }
0x1fc: {  	v18 =	vmul.f32 v17, v18  }
0x1fd: {  	[tilespmem:v43+s14+$0x0] =	vst.idx.add.f32.msk $0xffff, v27  }
0x1fe: {  	[tilespmem:v19+s14+$0x0] =	vst.idx.add.f32.msk $0xffff, v18  }
0x1ff: {  	v19 =	vld [tilespmem:$0x1FD20]  }
0x200: {  	v20 =	vld.idx.msk [tilespmem:v20+s2+$0x0], $0xffff  }
0x201: {  	v23 =	vld [tilespmem:$0x1FCE0];
	_ =	sdelay $0x3  }
0x202: {  	v36 =	vadd.s32 $0x2800, v50;
	v5 =	vmul.f32 v4, v20  }
0x203: {  	[tilespmem:$0x1FD30] =	vst v36  }
0x204: {  	[tilespmem:v19+s14+$0x0] =	vst.idx.add.f32.msk $0xffff, v5  }
0x205: {  	v19 =	vld [tilespmem:$0x1FD30]  }
0x206: {  	v23 =	vld.idx.msk [tilespmem:v23+s2+$0x0], $0xffff  }
0x207: {  	v34 =	vadd.s32 $0x7800, v58;
	v58 =	vld [tilespmem:$0x1FCF0];
	_ =	sdelay $0x3  }
0x208: {  	v18 =	vmul.f32 v3, v23;
	_ =	sdelay $0x1  }
0x209: {  	[tilespmem:v19+s14+$0x0] =	vst.idx.add.f32.msk $0xffff, v18  }
0x20a: {  	v19 =	vld [tilespmem:$0x1FD40]  }
0x20b: {  	v24 =	vld.idx.msk [tilespmem:v58+s2+$0x0], $0xffff;
	_ =	sdelay $0x4  }
0x20c: {  	v5 =	vmul.f32 v1, v24;
	_ =	sdelay $0x1  }
0x20d: {  	[tilespmem:v19+s14+$0x0] =	vst.idx.add.f32.msk $0xffff, v5  }
0x20e: {  	v19 =	vld [tilespmem:$0x1FD50];
	_ =	sdelay $0x4  }
0x20f: {  	v59 =	vadd.s32 $0x2800, v62  }
0x210: {  	v63 =	vadd.s32 $0x7800, v55;
	v18 =	vmul.f32 v0, v60  }
0x211: {  	v8 =	vmov v63;
	v63 =	vld [tilespmem:$0x1FDC0]  }
0x212: {  	[tilespmem:v19+s14+$0x0] =	vst.idx.add.f32.msk $0xffff, v18  }
0x213: {  	v18 =	vld [tilespmem:$0x1FD60]  }
0x214: {  	v61 =	vld.idx.msk [tilespmem:v59+s2+$0x0], $0xffff;
	_ =	sdelay $0x4  }
0x215: {  	v5 =	vmul.f32 v2, v61  }
0x216: {  	v19 =	vld [tilespmem:$0x1FD80]  }
0x217: {  	[tilespmem:v18+s14+$0x0] =	vst.idx.add.f32.msk $0xffff, v5  }
0x218: {  	v25 =	vld.idx.msk [tilespmem:v63+s2+$0x0], $0xffff  }
0x219: {  	[tilespmem:v7+s14+$0x0] =	vst.idx.add.f32.msk $0xffff, v22  }
0x21a: {  	v22 =	vld [tilespmem:$0x1FDD0]  }
0x21b: {  	v5 =	vld.idx.msk [tilespmem:v52+s2+$0x0], $0xffff  }
0x21c: {  	v18 =	vld [tilespmem:$0x1FD70];
	_ =	sdelay $0x1  }
0x21d: {  	v19 =	vld.idx.msk [tilespmem:v19+s2+$0x0], $0xffff;
	_ =	sdelay $0x1  }
0x21e: {  	v5 =	vmul.f32 v5, v21;
	_ =	sdelay $0x1  }
0x21f: {  	[tilespmem:v22+s14+$0x0] =	vst.idx.add.f32.msk $0xffff, v5  }
0x220: {  	v5 =	vmul.f32 v19, v4;
	v19 =	vld [tilespmem:$0x1FDE0]  }
0x221: {  	v18 =	vld.idx.msk [tilespmem:v18+s2+$0x0], $0xffff;
	_ =	sdelay $0x4  }
0x222: {  	v18 =	vmul.f32 v18, v17;
	_ =	sdelay $0x1  }
0x223: {  	[tilespmem:v19+s14+$0x0] =	vst.idx.add.f32.msk $0xffff, v18  }
0x224: {  	v19 =	vld [tilespmem:$0x1FDF0];
	_ =	sdelay $0x1  }
0x225: {  	v20 =	vld [tilespmem:$0x1FD90];
	_ =	sdelay $0x3  }
0x226: {  	v37 =	vadd.s32 $0x5000, v50  }
0x227: {  	[tilespmem:$0x1FE00] =	vst v37  }
0x228: {  	[tilespmem:v19+s14+$0x0] =	vst.idx.add.f32.msk $0xffff, v5  }
0x229: {  	v19 =	vld [tilespmem:$0x1FE00]  }
0x22a: {  	v20 =	vld.idx.msk [tilespmem:v20+s2+$0x0], $0xffff  }
0x22b: {  	v23 =	vld [tilespmem:$0x1FDA0];
	_ =	sdelay $0x3  }
0x22c: {  	v18 =	vmul.f32 v20, v3;
	_ =	sdelay $0x1  }
0x22d: {  	[tilespmem:v19+s14+$0x0] =	vst.idx.add.f32.msk $0xffff, v18  }
0x22e: {  	v19 =	vld [tilespmem:$0x1FE10]  }
0x22f: {  	v23 =	vld.idx.msk [tilespmem:v23+s2+$0x0], $0xffff  }
0x230: {  	v32 =	vadd.s32 $0x7800, v62;
	v62 =	vld [tilespmem:$0x1FDB0];
	_ =	sdelay $0x3  }
0x231: {  	v5 =	vmul.f32 v23, v1;
	_ =	sdelay $0x1  }
0x232: {  	[tilespmem:v19+s14+$0x0] =	vst.idx.add.f32.msk $0xffff, v5  }
0x233: {  	v19 =	vld [tilespmem:$0x1FE20]  }
0x234: {  	v24 =	vld.idx.msk [tilespmem:v62+s2+$0x0], $0xffff;
	_ =	sdelay $0x4  }
0x235: {  	v18 =	vmul.f32 v24, v0;
	_ =	sdelay $0x1  }
0x236: {  	[tilespmem:v19+s14+$0x0] =	vst.idx.add.f32.msk $0xffff, v18  }
0x237: {  	v18 =	vld [tilespmem:$0x1FE30];
	_ =	sdelay $0x5  }
0x238: {  	v5 =	vmul.f32 v25, v2;
	_ =	sdelay $0x1  }
0x239: {  	[tilespmem:v18+s14+$0x0] =	vst.idx.add.f32.msk $0xffff, v5  }
0x23a: {  	v5 =	vld [tilespmem:$0x1FE40];
	_ =	sdelay $0x7  }
0x23b: {  	v19 =	vld.idx.msk [tilespmem:v5+s2+$0x0], $0xffff  }
0x23c: {  	v5 =	vld [tilespmem:$0x1FE50];
	_ =	sdelay $0x1  }
0x23d: {  	s28 =	sadd.s32 $0x8, s28  }
0x23e: {  	p1 =	slt.u32 s28, $0xC0  }
.Ltmp1:
0x23f: {  	_ = 	snop;
	(pc) =	sbr.rel @p1 .LBB2_5-.Ltmp1, $3  }
0x240: {  	_ =	sdelay $0x1  }
0x241: {  	v36 =	vadd.s32 $0x7800, v50;
	v37 =	vadd.s32 $0x7800, v54  }
0x242: {  	s29 =	sadd.s32 $0x80, s29;
	v9 =	vmovc v36;
	v10 =	vmov v37;
	v13 =	vmov v32;
	v7 =	vmov v34;
	v18 =	vld.idx.msk [tilespmem:v5+s2+$0x0], $0xffff  }
0x243: {  	_ =	sdelay $0x3  }
0x244: {  	v5 =	vld.idx.msk [tilespmem:v12+s2+$0x0], $0xffff  }
0x245: {  	v61 =	vld.idx.msk [tilespmem:v15+s2+$0x0], $0xffff  }
0x246: {  	v62 =	vld.idx.msk [tilespmem:v16+s2+$0x0], $0xffff  }
0x247: {  	v63 =	vmul.f32 v19, v21;
	v14 =	vld.idx.msk [tilespmem:v14+s2+$0x0], $0xffff  }
0x248: {  	v13 =	vld.idx.msk [tilespmem:v13+s2+$0x0], $0xffff;
	v17 =	vmul.f32 v18, v17  }
0x249: {  	s25 =	sadd.s32 $0x1, s25;
	[tilespmem:v11+s14+$0x0] =	vst.idx.add.f32.msk $0xffff, v63;
	v4 =	vmul.f32 v5, v4  }
0x24a: {  	p1 =	sne.s32 s25, $0x32;
	v3 =	vmul.f32 v61, v3;
	[tilespmem:v51+s14+$0x0] =	vst.idx.add.f32.msk $0xffff, v17  }
.Ltmp2:
0x24b: {  	v1 =	vmul.f32 v62, v1;
	[tilespmem:v6+s14+$0x0] =	vst.idx.add.f32.msk $0xffff, v4;
	(pc) =	sbr.rel @p1 .LBB2_2-.Ltmp2, $4  }
0x24c: {  	v0 =	vmul.f32 v14, v0;
	[tilespmem:v9+s14+$0x0] =	vst.idx.add.f32.msk $0xffff, v3  }
0x24d: {  	v2 =	vmul.f32 v13, v2;
	[tilespmem:v10+s14+$0x0] =	vst.idx.add.f32.msk $0xffff, v1  }
0x24e: {  	[tilespmem:v8+s14+$0x0] =	vst.idx.add.f32.msk $0xffff, v0  }
0x24f: {  	[tilespmem:v7+s14+$0x0] =	vst.idx.add.f32.msk $0xffff, v2  }
0x250: {  	[hbm4b:s10+s2] =	stream.linear.scatter [tilespmem:s14], [sflag:$0x3], $0xA000, $0x38;
	[tilespmem:$0x1EA00] =	vst v63  }
0x251: {  	_ =	swait.ge [sflag:s13], $0xA000  }
0x252: {  	s25 =	simm.s32 @!p0 $0x0;
	s24 =	sadd.s32 $0x1, s24;
	[sflag:s13] =	ssyncset.done $0x0  }
0x253: {  	s26 =	simm.s32 @!p0 $0x19000;
	p1 =	sne.s32 s24, s12;
	[sflag:s13] =	ssyncadd.s32 $0xFFFF6000  }
0x254: {  	[hbm4b:s11+s25] =	stream.linear.scatter @!p0 [tilespmem:s26], [sflag:$0x3], $0x2800, $0x38;
	[tilespmem:$0x1EA00] =	vst v63  }
.Ltmp3:
0x255: {  	_ = 	snop;
	(pc) =	sbr.rel @p1 .LBB2_1-.Ltmp3, $4  }
0x256: {  	s25 =	simm.s32 @!p0 $0x3  }
0x257: {  	_ =	swait.ge @!p0 [sflag:s25], $0x2800  }
0x258: {  	[sflag:s25] =	ssyncset.done @!p0 $0x0  }
0x259: {  	[sflag:s25] =	ssyncadd.s32 @!p0 $0xFFFFD800  }
0x25a: {  	_ =	sfence.sel $0x180000  }
0x25b: {  	[bflag:$0x0] =	sbarrier.arrive $0xFFFF  }
0x25c: {  	p0 =	sne.s32 s1, $0x0;
	_ =	strace $0x90000047  }
0x25d: {  	s0 =	sadd.s32 @!p0 $0x100000, s0;
	[bflag:$0x2] =	sbarrier.arrive $0xFFFF  }
0x25e: {  	[sflag:s0] =	ssyncadd.tile.s32 @!p0 $0x1;
	_ =	shalt  }
.Lfunc_end2:
_tile_overlayer_lowered:
.L_overlay_start_2:
0x25f: {  	(tag) =	ssettag $0x2  }
0x260: {  	s0 =	rddreg [dreg:$0x0];
	s2 =	stileid.u32  }
0x261: {  	s1 =	rddreg [dreg:$0x1];
	p0 =	sne.s32 s2, $0x0  }
0x262: {  	s3 =	rddreg [dreg:$0x2];
	[bflag:$0x3] =	sbarrier.arrive $0xFFFF;
	s2 =	simm.s32 @!p0 $0x1C03  }
0x263: {  	[timem:s3], [sflag:s2] =	dma.local @!p0 [hbm:s0], s1  }
0x264: {  	s0 =	simm.s32 @!p0 $0x3  }
0x265: {  	_ =	swait.ge @!p0 [sflag:s0], s1  }
0x266: {  	s1 =	ssub.s32 @!p0 $0x0, s1;
	[sflag:s0] =	ssyncset.done @!p0 $0x0  }
0x267: {  	[sflag:s0] =	ssyncadd.s32 @!p0 s1  }
0x268: {  	[bflag:$0x3] =	sbarrier.arrive $0xFFFF  }
0x269: {  	_ =	shalt  }

</sc_bundles>
